<compile_context>
chip_gen: v7x
topology: tpu7x:2x2x1
jax: 0.10.2.dev20260603
libtpu: 0.0.44.dev20260713+nightly
codegen_flags: <defaults>
</compile_context>

<pallas_src>
import jax
import jax.numpy as jnp
from jax import lax
from jax.experimental import pallas as pl
from jax.experimental.pallas import tpu as pltpu
from jax.experimental.pallas import tpu_sc as plsc

N = 10000
E = 320000
IN_DIM = 128
HID_DIM = 256
OUT_DIM = 128

NC = 2
NS = 16
NW = NC * NS
RPT = 624
TAIL0 = RPT * NS
TAIL = N - TAIL0
GROUP = 125
N_GROUPS = E // GROUP
GROUPS_PER_TILE = N_GROUPS // NW
STAGE_A = 40
STAGE_B = GROUPS_PER_TILE - STAGE_A

_mesh = plsc.VectorSubcoreMesh(
    core_axis_name="c", subcore_axis_name="s", num_cores=NC, num_subcores=NS)


def _worker(c, s):
    return s * NC + c


def _zero_stripe(s, zeros_hbm, sh):
    pltpu.sync_copy(zeros_hbm.at[pl.ds(s * RPT, RPT)],
                    sh.at[pl.ds(s * RPT, RPT)])

    @pl.when(s == NS - 1)
    def _():
        pltpu.sync_copy(zeros_hbm.at[pl.ds(TAIL0, TAIL)],
                        sh.at[pl.ds(TAIL0, TAIL)])


def _publish_stripe(c, s, sh, out_hbm):
    pltpu.sync_copy(sh.at[pl.ds(s * RPT, RPT)],
                    out_hbm.at[c, pl.ds(s * RPT, RPT)])

    @pl.when(s == NS - 1)
    def _():
        pltpu.sync_copy(sh.at[pl.ds(TAIL0, TAIL)],
                        out_hbm.at[c, pl.ds(TAIL0, TAIL)])


def _sc_degrees_body(src_g_hbm, dst_g_hbm, ones_hbm, zeros_hbm, deg_hbm,
                     src_v, dst_v, ones_v, acc_sh, sem):
    c = lax.axis_index("c")
    s = lax.axis_index("s")
    _zero_stripe(s, zeros_hbm, acc_sh)
    w = _worker(c, s)
    pltpu.sync_copy(src_g_hbm.at[w], src_v)
    pltpu.sync_copy(dst_g_hbm.at[w], dst_v)
    plsc.subcore_barrier()

    K = 10

    def scatter_pass(idx_v):
        def chunk(k, carry):
            for j in range(K):
                pltpu.async_copy(ones_v, acc_sh.at[idx_v.at[k * K + j]],
                                 sem, add=True)
            for j in range(K):
                pltpu.make_async_copy(ones_v, acc_sh.at[idx_v.at[k * K + j]],
                                      sem).wait()
            return carry

        lax.fori_loop(0, GROUPS_PER_TILE // K, chunk, 0)

    pltpu.sync_copy(ones_hbm.at[0], ones_v)
    scatter_pass(src_v)
    pltpu.sync_copy(ones_hbm.at[1], ones_v)
    scatter_pass(dst_v)
    plsc.subcore_barrier()
    _publish_stripe(c, s, acc_sh, deg_hbm)


_sc_degrees = pl.kernel(
    _sc_degrees_body,
    out_type=jax.ShapeDtypeStruct((NC, N, IN_DIM), jnp.float32),
    mesh=_mesh,
    scratch_types=[
        pltpu.VMEM((GROUPS_PER_TILE, GROUP), jnp.int32),
        pltpu.VMEM((GROUPS_PER_TILE, GROUP), jnp.int32),
        pltpu.VMEM((GROUP, IN_DIM), jnp.float32),
        pltpu.VMEM_SHARED((N, IN_DIM), jnp.float32),
        pltpu.SemaphoreType.DMA,
    ],
)


def _sc_aggregate_body(y_hbm, src_g_hbm, dst_g_hbm, zeros_hbm, out_hbm,
                       src_v, dst_v, rows_a, rows_b, acc_sh, sem_a, sem_b):
    c = lax.axis_index("c")
    s = lax.axis_index("s")
    _zero_stripe(s, zeros_hbm, acc_sh)
    w = _worker(c, s)

    def stage(off, n):
        pltpu.sync_copy(src_g_hbm.at[w, pl.ds(off, n)], src_v.at[pl.ds(0, n)])
        pltpu.sync_copy(dst_g_hbm.at[w, pl.ds(off, n)], dst_v.at[pl.ds(0, n)])

    def span(n):
        pltpu.async_copy(y_hbm.at[src_v.at[0]], rows_a, sem_a)

        def body(i, carry):
            ga = 2 * i
            gb = 2 * i + 1
            pltpu.make_async_copy(y_hbm.at[src_v.at[ga]], rows_a, sem_a).wait()
            pltpu.async_copy(y_hbm.at[src_v.at[gb]], rows_b, sem_b)
            pltpu.sync_copy(rows_a, acc_sh.at[dst_v.at[ga]], add=True)
            pltpu.make_async_copy(y_hbm.at[src_v.at[gb]], rows_b, sem_b).wait()

            @pl.when(i < n // 2 - 1)
            def _():
                pltpu.async_copy(y_hbm.at[src_v.at[gb + 1]], rows_a, sem_a)

            pltpu.sync_copy(rows_b, acc_sh.at[dst_v.at[gb]], add=True)
            return carry

        lax.fori_loop(0, n // 2, body, 0)

    stage(0, STAGE_A)
    plsc.subcore_barrier()
    span(STAGE_A)
    stage(STAGE_A, STAGE_B)
    span(STAGE_B)
    plsc.subcore_barrier()
    _publish_stripe(c, s, acc_sh, out_hbm)


_sc_aggregate = pl.kernel(
    _sc_aggregate_body,
    out_type=jax.ShapeDtypeStruct((NC, N, IN_DIM), jnp.float32),
    mesh=_mesh,
    scratch_types=[
        pltpu.VMEM((STAGE_A, GROUP), jnp.int32),
        pltpu.VMEM((STAGE_A, GROUP), jnp.int32),
        pltpu.VMEM((GROUP, IN_DIM), jnp.float32),
        pltpu.VMEM((GROUP, IN_DIM), jnp.float32),
        pltpu.VMEM_SHARED((N, IN_DIM), jnp.float32),
        pltpu.SemaphoreType.DMA,
        pltpu.SemaphoreType.DMA,
    ],
)


RB = 2000


def _deg_scale(deg_ref, col):
    deg = deg_ref[0, :, col] + deg_ref[1, :, col]
    return lax.rsqrt(jnp.maximum(deg, 1.0))


def _tc_prep_body(deg_ref, x_ref, xs_ref, sc_ref):
    so = _deg_scale(deg_ref, 0)
    si = _deg_scale(deg_ref, 1)
    xs_ref[...] = x_ref[...] * so[:, None]
    sc_ref[...] = jnp.stack([si, so], axis=1)


def _tc_prep(deg_p, x):
    return pl.pallas_call(
        _tc_prep_body,
        grid=(N // RB,),
        in_specs=[
            pl.BlockSpec((NC, RB, IN_DIM), lambda i: (0, i, 0)),
            pl.BlockSpec((RB, IN_DIM), lambda i: (i, 0)),
        ],
        out_specs=[
            pl.BlockSpec((RB, IN_DIM), lambda i: (i, 0)),
            pl.BlockSpec((RB, 2), lambda i: (i, 0)),
        ],
        out_shape=[
            jax.ShapeDtypeStruct((N, IN_DIM), jnp.float32),
            jax.ShapeDtypeStruct((N, 2), jnp.float32),
        ],
    )(deg_p, x)


def _tc_dense_body(aggp_ref, sc_ref, w1_ref, b1_ref, w2_ref, h2_ref):
    agg = aggp_ref[0] + aggp_ref[1]
    si = sc_ref[:, 0]
    so = sc_ref[:, 1]
    t = jnp.dot(agg, w1_ref[...], preferred_element_type=jnp.float32)
    t = t * si[:, None] + b1_ref[...]
    t = jnp.maximum(t, 0.0) * so[:, None]
    h2_ref[...] = jnp.dot(t, w2_ref[...], preferred_element_type=jnp.float32)


def _tc_dense(agg1_p, scales, w1, b1, w2):
    return pl.pallas_call(
        _tc_dense_body,
        grid=(N // RB,),
        in_specs=[
            pl.BlockSpec((NC, RB, IN_DIM), lambda i: (0, i, 0)),
            pl.BlockSpec((RB, 2), lambda i: (i, 0)),
            pl.BlockSpec((IN_DIM, HID_DIM), lambda i: (0, 0)),
            pl.BlockSpec((1, HID_DIM), lambda i: (0, 0)),
            pl.BlockSpec((HID_DIM, OUT_DIM), lambda i: (0, 0)),
        ],
        out_specs=pl.BlockSpec((RB, OUT_DIM), lambda i: (i, 0)),
        out_shape=jax.ShapeDtypeStruct((N, OUT_DIM), jnp.float32),
    )(agg1_p, scales, w1, b1, w2)


def _tc_final_body(aggp_ref, sc_ref, b2_ref, out_ref):
    agg = aggp_ref[0] + aggp_ref[1]
    si = sc_ref[:, 0]
    out_ref[...] = agg * si[:, None] + b2_ref[...]


def _tc_final(agg2_p, scales, b2):
    return pl.pallas_call(
        _tc_final_body,
        grid=(N // RB,),
        in_specs=[
            pl.BlockSpec((NC, RB, OUT_DIM), lambda i: (0, i, 0)),
            pl.BlockSpec((RB, 2), lambda i: (i, 0)),
            pl.BlockSpec((1, OUT_DIM), lambda i: (0, 0)),
        ],
        out_specs=pl.BlockSpec((RB, OUT_DIM), lambda i: (i, 0)),
        out_shape=jax.ShapeDtypeStruct((N, OUT_DIM), jnp.float32),
    )(agg2_p, scales, b2)


def kernel(features, edge_index, W1, b1, W2, b2):
    src_g = edge_index[0].reshape(NW, GROUPS_PER_TILE, GROUP)
    dst_g = edge_index[1].reshape(NW, GROUPS_PER_TILE, GROUP)
    ones2 = jnp.zeros((2, GROUP, IN_DIM), jnp.float32)
    ones2 = ones2.at[0, :, 0].set(1.0).at[1, :, 1].set(1.0)
    zeros128 = jnp.zeros((N, IN_DIM), jnp.float32)

    deg_p = _sc_degrees(src_g, dst_g, ones2, zeros128)
    x_scaled, scales = _tc_prep(deg_p, features)
    agg1_p = _sc_aggregate(x_scaled, src_g, dst_g, zeros128)
    h2 = _tc_dense(agg1_p, scales, W1, b1.reshape(1, HID_DIM), W2)
    agg2_p = _sc_aggregate(h2, src_g, dst_g, zeros128)
    return _tc_final(agg2_p, scales, b2.reshape(1, OUT_DIM))

# --- scband reference (transcript-rebuilt; emitter-appended) ---
"""Pipeline reference for scband-gcn-21912923144586 (READ-ONLY COPY).

The authoritative reference and input builder live on the scoring server;
editing this copy changes nothing except your own understanding.
"""

import jax, jax.numpy as jnp
import numpy as np

N_NODES = 10000
N_EDGES = 320000
IN_DIM = 128
HID_DIM = 256
OUT_DIM = 128


def graph_conv(x, W, b, src, dst, n_nodes):
    # Faithful DGL GraphConv with norm='both':
    # h = D_dst^{-1/2} * A * D_src^{-1/2} * x * W + b  (degrees clamped to >= 1)
    ones = jnp.ones((src.shape[0],), dtype=x.dtype)
    deg_out = jnp.clip(jax.ops.segment_sum(ones, src, num_segments=n_nodes), 1.0, None)
    deg_in = jnp.clip(jax.ops.segment_sum(ones, dst, num_segments=n_nodes), 1.0, None)
    h = x * (deg_out ** -0.5)[:, None]
    h = h @ W
    msg = jnp.take(h, src, axis=0)
    agg = jax.ops.segment_sum(msg, dst, num_segments=n_nodes)
    out = agg * (deg_in ** -0.5)[:, None] + b
    return out


def setup_inputs(seed: int = 0) -> dict:
    key = jax.random.key(seed)
    k1, k2, k3, k4, k5, k6 = jax.random.split(key, 6)
    features = jax.random.normal(k1, (N_NODES, IN_DIM), dtype=jnp.float32)
    edge_index = jax.random.randint(k2, (2, N_EDGES), 0, N_NODES, dtype=jnp.int32)
    W1 = jax.random.normal(k3, (IN_DIM, HID_DIM), dtype=jnp.float32) * (1.0 / np.sqrt(IN_DIM))
    b1 = jnp.zeros((HID_DIM,), dtype=jnp.float32)
    W2 = jax.random.normal(k4, (HID_DIM, OUT_DIM), dtype=jnp.float32) * (1.0 / np.sqrt(HID_DIM))
    b2 = jnp.zeros((OUT_DIM,), dtype=jnp.float32)
    return {"features": features, "edge_index": edge_index, "W1": W1, "b1": b1, "W2": W2, "b2": b2}


def reference(features, edge_index, W1, b1, W2, b2):
    src = edge_index[0]
    dst = edge_index[1]
    h = graph_conv(features, W1, b1, src, dst, N_NODES)
    h = jax.nn.relu(h)
    # dropout p=0.6 is identity in eval mode (self.training == False)
    out = graph_conv(h, W2, b2, src, dst, N_NODES)
    return out

if __name__ == "__main__":
    import jax
    _d = setup_inputs()
    print(jax.jit(kernel)(*tuple(_d.values())))

</pallas_src>

<mosaic_0001>
#map = affine_map<(d0, d1) -> (0, 0)>
#map1 = affine_map<(d0, d1) -> (0, 0, 0)>
module attributes {stable_mosaic.version = 14 : i64} {
  func.func @_sc_aggregate_body(%arg0: i32, %arg1: i32, %arg2: memref<10000x128xf32, #tpu.memory_space<hbm>>, %arg3: memref<32x80x125xi32, #tpu.memory_space<hbm>>, %arg4: memref<32x80x125xi32, #tpu.memory_space<hbm>>, %arg5: memref<10000x128xf32, #tpu.memory_space<hbm>>, %arg6: memref<2x10000x128xf32, #tpu.memory_space<hbm>>, %arg7: memref<40x125xi32, #tpu.memory_space<vmem>>, %arg8: memref<40x125xi32, #tpu.memory_space<vmem>>, %arg9: memref<125x128xf32, #tpu.memory_space<vmem>>, %arg10: memref<125x128xf32, #tpu.memory_space<vmem>>, %arg11: memref<10000x128xf32, #tpu.memory_space<vmem_shared>>, %arg12: memref<!tpu.dma_semaphore, #tpu.memory_space<semaphore_mem>>, %arg13: memref<!tpu.dma_semaphore, #tpu.memory_space<semaphore_mem>>) attributes {dimension_semantics = [#tpu.dimension_semantics<core_parallel>, #tpu.dimension_semantics<subcore_parallel>], iteration_bounds = array<i64: 2, 16>, scalar_prefetch = 0 : i64, scratch_operands = 7 : i64, tpu.core_type = #tpu.core_type<sc_vector_subcore>, window_params = [{transform_indices = #map}, {transform_indices = #map1}, {transform_indices = #map1}, {transform_indices = #map}, {transform_indices = #map1}]} {
    %mul3A = arith.constant 624 : i32
    %mul3A_0 = arith.muli %arg1, %mul3A : i32
    %mul3A_1 = arith.constant 624 : i32
    %mul3A_2 = arith.muli %arg1, %mul3A_1 : i32
    "tpu.region"() ({
      %run_scoped3A = tpu.sem_alloc : memref<!tpu.dma_semaphore, #tpu.memory_space<semaphore_mem>>
      %dma_start3A_41 = arith.constant 0 : i32
      %dma_start3A_42 = tpu.memref_slice %arg11[%mul3A_2, %dma_start3A_41] : memref<10000x128xf32, #tpu.memory_space<vmem_shared>> -> memref<624x128xf32, #tpu.memory_space<vmem_shared>>
      %dma_start3A_43 = arith.constant 0 : i32
      %dma_start3A_44 = tpu.memref_slice %arg5[%mul3A_0, %dma_start3A_43] : memref<10000x128xf32, #tpu.memory_space<hbm>> -> memref<624x128xf32, #tpu.memory_space<hbm>>
      tpu.enqueue_dma source(%dma_start3A_44 : memref<624x128xf32, #tpu.memory_space<hbm>>) target(%dma_start3A_42 : memref<624x128xf32, #tpu.memory_space<vmem_shared>>) target_semaphore(%run_scoped3A : memref<!tpu.dma_semaphore, #tpu.memory_space<semaphore_mem>>)
      %dma_wait3A = arith.constant 0 : i32
      %dma_wait3A_45 = tpu.memref_slice %arg11[%mul3A_2, %dma_wait3A] : memref<10000x128xf32, #tpu.memory_space<vmem_shared>> -> memref<624x128xf32, #tpu.memory_space<vmem_shared>>
      %dma_wait3A_46 = arith.constant 0 : i32
      %dma_wait3A_47 = tpu.memref_slice %arg5[%mul3A_0, %dma_wait3A_46] : memref<10000x128xf32, #tpu.memory_space<hbm>> -> memref<624x128xf32, #tpu.memory_space<hbm>>
      tpu.wait_dma2 semaphore(%run_scoped3A : memref<!tpu.dma_semaphore, #tpu.memory_space<semaphore_mem>>) src(%dma_wait3A_47 : memref<624x128xf32, #tpu.memory_space<hbm>>) dst(%dma_wait3A_45 : memref<624x128xf32, #tpu.memory_space<vmem_shared>>)
      tpu.yield
    }) : () -> ()
    %eq3A = arith.constant 15 : i32
    %eq3A_3 = arith.cmpi eq, %arg1, %eq3A : i32
    %convert_element_type3A = arith.extui %eq3A_3 : i1 to i32
    %cond3A = arith.constant 0 : i32
    %cond3A_4 = arith.cmpi ne, %convert_element_type3A, %cond3A : i32
    scf.if %cond3A_4 {
      "tpu.region"() ({
        %run_scoped3A = tpu.sem_alloc : memref<!tpu.dma_semaphore, #tpu.memory_space<semaphore_mem>>
        %dma_start3A_41 = arith.constant 9984 : i32
        %dma_start3A_42 = arith.constant 0 : i32
        %dma_start3A_43 = tpu.memref_slice %arg11[%dma_start3A_41, %dma_start3A_42] : memref<10000x128xf32, #tpu.memory_space<vmem_shared>> -> memref<16x128xf32, #tpu.memory_space<vmem_shared>>
        %dma_start3A_44 = arith.constant 9984 : i32
        %dma_start3A_45 = arith.constant 0 : i32
        %dma_start3A_46 = tpu.memref_slice %arg5[%dma_start3A_44, %dma_start3A_45] : memref<10000x128xf32, #tpu.memory_space<hbm>> -> memref<16x128xf32, #tpu.memory_space<hbm>>
        tpu.enqueue_dma source(%dma_start3A_46 : memref<16x128xf32, #tpu.memory_space<hbm>>) target(%dma_start3A_43 : memref<16x128xf32, #tpu.memory_space<vmem_shared>>) target_semaphore(%run_scoped3A : memref<!tpu.dma_semaphore, #tpu.memory_space<semaphore_mem>>)
        %dma_wait3A = arith.constant 9984 : i32
        %dma_wait3A_47 = arith.constant 0 : i32
        %dma_wait3A_48 = tpu.memref_slice %arg11[%dma_wait3A, %dma_wait3A_47] : memref<10000x128xf32, #tpu.memory_space<vmem_shared>> -> memref<16x128xf32, #tpu.memory_space<vmem_shared>>
        %dma_wait3A_49 = arith.constant 9984 : i32
        %dma_wait3A_50 = arith.constant 0 : i32
        %dma_wait3A_51 = tpu.memref_slice %arg5[%dma_wait3A_49, %dma_wait3A_50] : memref<10000x128xf32, #tpu.memory_space<hbm>> -> memref<16x128xf32, #tpu.memory_space<hbm>>
        tpu.wait_dma2 semaphore(%run_scoped3A : memref<!tpu.dma_semaphore, #tpu.memory_space<semaphore_mem>>) src(%dma_wait3A_51 : memref<16x128xf32, #tpu.memory_space<hbm>>) dst(%dma_wait3A_48 : memref<16x128xf32, #tpu.memory_space<vmem_shared>>)
        tpu.yield
      }) : () -> ()
    } else {
    }
    %mul3A_5 = arith.constant 2 : i32
    %mul3A_6 = arith.muli %arg1, %mul3A_5 : i32
    %add3A = arith.addi %mul3A_6, %arg0 : i32
    "tpu.region"() ({
      %run_scoped3A = tpu.sem_alloc : memref<!tpu.dma_semaphore, #tpu.memory_space<semaphore_mem>>
      %dma_start3A_41 = arith.constant 0 : i32
      %dma_start3A_42 = arith.constant 0 : i32
      %dma_start3A_43 = tpu.memref_slice %arg7[%dma_start3A_41, %dma_start3A_42] : memref<40x125xi32, #tpu.memory_space<vmem>> -> memref<40x125xi32, #tpu.memory_space<vmem>>
      %dma_start3A_44 = arith.constant 0 : i32
      %dma_start3A_45 = arith.constant 0 : i32
      %dma_start3A_46 = tpu.memref_slice %arg3[%add3A, %dma_start3A_44, %dma_start3A_45] : memref<32x80x125xi32, #tpu.memory_space<hbm>> -> memref<1x40x125xi32, #tpu.memory_space<hbm>>
      %dma_start3A_47 = tpu.memref_squeeze %dma_start3A_46 : memref<1x40x125xi32, #tpu.memory_space<hbm>> -> memref<40x125xi32, #tpu.memory_space<hbm>>
      %dma_start3A_48 = arith.constant 0 : i32
      %dma_start3A_49 = arith.constant 0 : i32
      %dma_start3A_50 = tpu.memref_slice %arg7[%dma_start3A_48, %dma_start3A_49] : memref<40x125xi32, #tpu.memory_space<vmem>> -> memref<40x125xi32, #tpu.memory_space<vmem>>
      %dma_start3A_51 = arith.constant 0 : i32
      %dma_start3A_52 = arith.constant 0 : i32
      %dma_start3A_53 = tpu.memref_slice %arg3[%add3A, %dma_start3A_51, %dma_start3A_52] : memref<32x80x125xi32, #tpu.memory_space<hbm>> -> memref<1x40x125xi32, #tpu.memory_space<hbm>>
      %dma_start3A_54 = tpu.memref_squeeze %dma_start3A_53 : memref<1x40x125xi32, #tpu.memory_space<hbm>> -> memref<40x125xi32, #tpu.memory_space<hbm>>
      tpu.enqueue_dma source(%dma_start3A_54 : memref<40x125xi32, #tpu.memory_space<hbm>>) target(%dma_start3A_50 : memref<40x125xi32, #tpu.memory_space<vmem>>) target_semaphore(%run_scoped3A : memref<!tpu.dma_semaphore, #tpu.memory_space<semaphore_mem>>)
      %dma_wait3A = arith.constant 0 : i32
      %dma_wait3A_55 = arith.constant 0 : i32
      %dma_wait3A_56 = tpu.memref_slice %arg7[%dma_wait3A, %dma_wait3A_55] : memref<40x125xi32, #tpu.memory_space<vmem>> -> memref<40x125xi32, #tpu.memory_space<vmem>>
      %dma_wait3A_57 = arith.constant 0 : i32
      %dma_wait3A_58 = arith.constant 0 : i32
      %dma_wait3A_59 = tpu.memref_slice %arg3[%add3A, %dma_wait3A_57, %dma_wait3A_58] : memref<32x80x125xi32, #tpu.memory_space<hbm>> -> memref<1x40x125xi32, #tpu.memory_space<hbm>>
      %dma_wait3A_60 = tpu.memref_squeeze %dma_wait3A_59 : memref<1x40x125xi32, #tpu.memory_space<hbm>> -> memref<40x125xi32, #tpu.memory_space<hbm>>
      %dma_wait3A_61 = arith.constant 0 : i32
      %dma_wait3A_62 = arith.constant 0 : i32
      %dma_wait3A_63 = tpu.memref_slice %arg7[%dma_wait3A_61, %dma_wait3A_62] : memref<40x125xi32, #tpu.memory_space<vmem>> -> memref<40x125xi32, #tpu.memory_space<vmem>>
      %dma_wait3A_64 = arith.constant 0 : i32
      %dma_wait3A_65 = arith.constant 0 : i32
      %dma_wait3A_66 = tpu.memref_slice %arg3[%add3A, %dma_wait3A_64, %dma_wait3A_65] : memref<32x80x125xi32, #tpu.memory_space<hbm>> -> memref<1x40x125xi32, #tpu.memory_space<hbm>>
      %dma_wait3A_67 = tpu.memref_squeeze %dma_wait3A_66 : memref<1x40x125xi32, #tpu.memory_space<hbm>> -> memref<40x125xi32, #tpu.memory_space<hbm>>
      tpu.wait_dma2 semaphore(%run_scoped3A : memref<!tpu.dma_semaphore, #tpu.memory_space<semaphore_mem>>) src(%dma_wait3A_67 : memref<40x125xi32, #tpu.memory_space<hbm>>) dst(%dma_wait3A_63 : memref<40x125xi32, #tpu.memory_space<vmem>>)
      tpu.yield
    }) : () -> ()
    "tpu.region"() ({
      %run_scoped3A = tpu.sem_alloc : memref<!tpu.dma_semaphore, #tpu.memory_space<semaphore_mem>>
      %dma_start3A_41 = arith.constant 0 : i32
      %dma_start3A_42 = arith.constant 0 : i32
      %dma_start3A_43 = tpu.memref_slice %arg8[%dma_start3A_41, %dma_start3A_42] : memref<40x125xi32, #tpu.memory_space<vmem>> -> memref<40x125xi32, #tpu.memory_space<vmem>>
      %dma_start3A_44 = arith.constant 0 : i32
      %dma_start3A_45 = arith.constant 0 : i32
      %dma_start3A_46 = tpu.memref_slice %arg4[%add3A, %dma_start3A_44, %dma_start3A_45] : memref<32x80x125xi32, #tpu.memory_space<hbm>> -> memref<1x40x125xi32, #tpu.memory_space<hbm>>
      %dma_start3A_47 = tpu.memref_squeeze %dma_start3A_46 : memref<1x40x125xi32, #tpu.memory_space<hbm>> -> memref<40x125xi32, #tpu.memory_space<hbm>>
      %dma_start3A_48 = arith.constant 0 : i32
      %dma_start3A_49 = arith.constant 0 : i32
      %dma_start3A_50 = tpu.memref_slice %arg8[%dma_start3A_48, %dma_start3A_49] : memref<40x125xi32, #tpu.memory_space<vmem>> -> memref<40x125xi32, #tpu.memory_space<vmem>>
      %dma_start3A_51 = arith.constant 0 : i32
      %dma_start3A_52 = arith.constant 0 : i32
      %dma_start3A_53 = tpu.memref_slice %arg4[%add3A, %dma_start3A_51, %dma_start3A_52] : memref<32x80x125xi32, #tpu.memory_space<hbm>> -> memref<1x40x125xi32, #tpu.memory_space<hbm>>
      %dma_start3A_54 = tpu.memref_squeeze %dma_start3A_53 : memref<1x40x125xi32, #tpu.memory_space<hbm>> -> memref<40x125xi32, #tpu.memory_space<hbm>>
      tpu.enqueue_dma source(%dma_start3A_54 : memref<40x125xi32, #tpu.memory_space<hbm>>) target(%dma_start3A_50 : memref<40x125xi32, #tpu.memory_space<vmem>>) target_semaphore(%run_scoped3A : memref<!tpu.dma_semaphore, #tpu.memory_space<semaphore_mem>>)
      %dma_wait3A = arith.constant 0 : i32
      %dma_wait3A_55 = arith.constant 0 : i32
      %dma_wait3A_56 = tpu.memref_slice %arg8[%dma_wait3A, %dma_wait3A_55] : memref<40x125xi32, #tpu.memory_space<vmem>> -> memref<40x125xi32, #tpu.memory_space<vmem>>
      %dma_wait3A_57 = arith.constant 0 : i32
      %dma_wait3A_58 = arith.constant 0 : i32
      %dma_wait3A_59 = tpu.memref_slice %arg4[%add3A, %dma_wait3A_57, %dma_wait3A_58] : memref<32x80x125xi32, #tpu.memory_space<hbm>> -> memref<1x40x125xi32, #tpu.memory_space<hbm>>
      %dma_wait3A_60 = tpu.memref_squeeze %dma_wait3A_59 : memref<1x40x125xi32, #tpu.memory_space<hbm>> -> memref<40x125xi32, #tpu.memory_space<hbm>>
      %dma_wait3A_61 = arith.constant 0 : i32
      %dma_wait3A_62 = arith.constant 0 : i32
      %dma_wait3A_63 = tpu.memref_slice %arg8[%dma_wait3A_61, %dma_wait3A_62] : memref<40x125xi32, #tpu.memory_space<vmem>> -> memref<40x125xi32, #tpu.memory_space<vmem>>
      %dma_wait3A_64 = arith.constant 0 : i32
      %dma_wait3A_65 = arith.constant 0 : i32
      %dma_wait3A_66 = tpu.memref_slice %arg4[%add3A, %dma_wait3A_64, %dma_wait3A_65] : memref<32x80x125xi32, #tpu.memory_space<hbm>> -> memref<1x40x125xi32, #tpu.memory_space<hbm>>
      %dma_wait3A_67 = tpu.memref_squeeze %dma_wait3A_66 : memref<1x40x125xi32, #tpu.memory_space<hbm>> -> memref<40x125xi32, #tpu.memory_space<hbm>>
      tpu.wait_dma2 semaphore(%run_scoped3A : memref<!tpu.dma_semaphore, #tpu.memory_space<semaphore_mem>>) src(%dma_wait3A_67 : memref<40x125xi32, #tpu.memory_space<hbm>>) dst(%dma_wait3A_63 : memref<40x125xi32, #tpu.memory_space<vmem>>)
      tpu.yield
    }) : () -> ()
    %barrier3A = arith.constant 0 : index
    tpu.barrier barrier_id(%barrier3A)
    %dma_start3A = arith.constant 0 : i32
    %dma_start3A_7 = arith.constant 0 : i32
    %dma_start3A_8 = tpu.memref_slice %arg7[%dma_start3A, %dma_start3A_7] : memref<40x125xi32, #tpu.memory_space<vmem>> -> memref<1x125xi32, #tpu.memory_space<vmem>>
    %dma_start3A_9 = tpu.memref_squeeze %dma_start3A_8 : memref<1x125xi32, #tpu.memory_space<vmem>> -> memref<125xi32, #tpu.memory_space<vmem>>
    %dma_start3A_10 = arith.constant 0 : i32
    %dma_start3A_11 = arith.constant 0 : i32
    %dma_start3A_12 = tpu.memref_slice %arg2[%dma_start3A_10, %dma_start3A_11] : memref<10000x128xf32, #tpu.memory_space<hbm>> -> memref<10000x128xf32, #tpu.memory_space<hbm>>
    tpu.enqueue_indirect_dma source(%dma_start3A_12 : memref<10000x128xf32, #tpu.memory_space<hbm>>) target(%arg9 : memref<125x128xf32, #tpu.memory_space<vmem>>) offsets(%dma_start3A_9 : memref<125xi32, #tpu.memory_space<vmem>>) semaphore(%arg12 : memref<!tpu.dma_semaphore, #tpu.memory_space<semaphore_mem>>)
    %scan3A = arith.constant 0 : i32
    %scan3A_13 = arith.constant 0 : i32
    %scan3A_14 = arith.constant 20 : i32
    %scan3A_15 = arith.addi %scan3A_13, %scan3A_14 : i32
    %scan3A_16 = arith.constant 1 : i32
    scf.for %scan3A_41 = %scan3A_13 to %scan3A_15 step %scan3A_16  : i32 {
      %mul3A_42 = arith.constant 2 : i32
      %mul3A_43 = arith.muli %mul3A_42, %scan3A_41 : i32
      %mul3A_44 = arith.constant 2 : i32
      %mul3A_45 = arith.muli %mul3A_44, %scan3A_41 : i32
      %add3A_46 = arith.constant 1 : i32
      %add3A_47 = arith.addi %mul3A_45, %add3A_46 : i32
      %dma_wait3A = arith.constant 0 : i32
      %dma_wait3A_48 = tpu.memref_slice %arg7[%mul3A_43, %dma_wait3A] : memref<40x125xi32, #tpu.memory_space<vmem>> -> memref<1x125xi32, #tpu.memory_space<vmem>>
      %dma_wait3A_49 = tpu.memref_squeeze %dma_wait3A_48 : memref<1x125xi32, #tpu.memory_space<vmem>> -> memref<125xi32, #tpu.memory_space<vmem>>
      %dma_wait3A_50 = arith.constant 0 : i32
      %dma_wait3A_51 = arith.constant 0 : i32
      %dma_wait3A_52 = tpu.memref_slice %arg2[%dma_wait3A_50, %dma_wait3A_51] : memref<10000x128xf32, #tpu.memory_space<hbm>> -> memref<10000x128xf32, #tpu.memory_space<hbm>>
      tpu.wait_indirect_dma semaphore(%arg12 : memref<!tpu.dma_semaphore, #tpu.memory_space<semaphore_mem>>) src(%dma_wait3A_52 : memref<10000x128xf32, #tpu.memory_space<hbm>>) dst(%arg9 : memref<125x128xf32, #tpu.memory_space<vmem>>)
      %dma_start3A_53 = arith.constant 0 : i32
      %dma_start3A_54 = tpu.memref_slice %arg7[%add3A_47, %dma_start3A_53] : memref<40x125xi32, #tpu.memory_space<vmem>> -> memref<1x125xi32, #tpu.memory_space<vmem>>
      %dma_start3A_55 = tpu.memref_squeeze %dma_start3A_54 : memref<1x125xi32, #tpu.memory_space<vmem>> -> memref<125xi32, #tpu.memory_space<vmem>>
      %dma_start3A_56 = arith.constant 0 : i32
      %dma_start3A_57 = arith.constant 0 : i32
      %dma_start3A_58 = tpu.memref_slice %arg2[%dma_start3A_56, %dma_start3A_57] : memref<10000x128xf32, #tpu.memory_space<hbm>> -> memref<10000x128xf32, #tpu.memory_space<hbm>>
      tpu.enqueue_indirect_dma source(%dma_start3A_58 : memref<10000x128xf32, #tpu.memory_space<hbm>>) target(%arg10 : memref<125x128xf32, #tpu.memory_space<vmem>>) offsets(%dma_start3A_55 : memref<125xi32, #tpu.memory_space<vmem>>) semaphore(%arg13 : memref<!tpu.dma_semaphore, #tpu.memory_space<semaphore_mem>>)
      "tpu.region"() ({
        %run_scoped3A = tpu.sem_alloc : memref<!tpu.dma_semaphore, #tpu.memory_space<semaphore_mem>>
        %dma_start3A_69 = arith.constant 0 : i32
        %dma_start3A_70 = tpu.memref_slice %arg8[%mul3A_43, %dma_start3A_69] : memref<40x125xi32, #tpu.memory_space<vmem>> -> memref<1x125xi32, #tpu.memory_space<vmem>>
        %dma_start3A_71 = tpu.memref_squeeze %dma_start3A_70 : memref<1x125xi32, #tpu.memory_space<vmem>> -> memref<125xi32, #tpu.memory_space<vmem>>
        %dma_start3A_72 = arith.constant 0 : i32
        %dma_start3A_73 = arith.constant 0 : i32
        %dma_start3A_74 = tpu.memref_slice %arg11[%dma_start3A_72, %dma_start3A_73] : memref<10000x128xf32, #tpu.memory_space<vmem_shared>> -> memref<10000x128xf32, #tpu.memory_space<vmem_shared>>
        tpu.enqueue_indirect_dma source(%arg9 : memref<125x128xf32, #tpu.memory_space<vmem>>) target(%dma_start3A_74 : memref<10000x128xf32, #tpu.memory_space<vmem_shared>>) offsets(%dma_start3A_71 : memref<125xi32, #tpu.memory_space<vmem>>) semaphore(%run_scoped3A : memref<!tpu.dma_semaphore, #tpu.memory_space<semaphore_mem>>) {add = true}
        %dma_wait3A_75 = arith.constant 0 : i32
        %dma_wait3A_76 = tpu.memref_slice %arg8[%mul3A_43, %dma_wait3A_75] : memref<40x125xi32, #tpu.memory_space<vmem>> -> memref<1x125xi32, #tpu.memory_space<vmem>>
        %dma_wait3A_77 = tpu.memref_squeeze %dma_wait3A_76 : memref<1x125xi32, #tpu.memory_space<vmem>> -> memref<125xi32, #tpu.memory_space<vmem>>
        %dma_wait3A_78 = arith.constant 0 : i32
        %dma_wait3A_79 = arith.constant 0 : i32
        %dma_wait3A_80 = tpu.memref_slice %arg11[%dma_wait3A_78, %dma_wait3A_79] : memref<10000x128xf32, #tpu.memory_space<vmem_shared>> -> memref<10000x128xf32, #tpu.memory_space<vmem_shared>>
        tpu.wait_indirect_dma semaphore(%run_scoped3A : memref<!tpu.dma_semaphore, #tpu.memory_space<semaphore_mem>>) src(%arg9 : memref<125x128xf32, #tpu.memory_space<vmem>>) dst(%dma_wait3A_80 : memref<10000x128xf32, #tpu.memory_space<vmem_shared>>)
        tpu.yield
      }) : () -> ()
      %dma_wait3A_59 = arith.constant 0 : i32
      %dma_wait3A_60 = tpu.memref_slice %arg7[%add3A_47, %dma_wait3A_59] : memref<40x125xi32, #tpu.memory_space<vmem>> -> memref<1x125xi32, #tpu.memory_space<vmem>>
      %dma_wait3A_61 = tpu.memref_squeeze %dma_wait3A_60 : memref<1x125xi32, #tpu.memory_space<vmem>> -> memref<125xi32, #tpu.memory_space<vmem>>
      %dma_wait3A_62 = arith.constant 0 : i32
      %dma_wait3A_63 = arith.constant 0 : i32
      %dma_wait3A_64 = tpu.memref_slice %arg2[%dma_wait3A_62, %dma_wait3A_63] : memref<10000x128xf32, #tpu.memory_space<hbm>> -> memref<10000x128xf32, #tpu.memory_space<hbm>>
      tpu.wait_indirect_dma semaphore(%arg13 : memref<!tpu.dma_semaphore, #tpu.memory_space<semaphore_mem>>) src(%dma_wait3A_64 : memref<10000x128xf32, #tpu.memory_space<hbm>>) dst(%arg10 : memref<125x128xf32, #tpu.memory_space<vmem>>)
      %lt3A = arith.constant 19 : i32
      %lt3A_65 = arith.cmpi slt, %scan3A_41, %lt3A : i32
      %convert_element_type3A_66 = arith.extui %lt3A_65 : i1 to i32
      %cond3A_67 = arith.constant 0 : i32
      %cond3A_68 = arith.cmpi ne, %convert_element_type3A_66, %cond3A_67 : i32
      scf.if %cond3A_68 {
        %add3A_69 = arith.constant 1 : i32
        %add3A_70 = arith.addi %add3A_47, %add3A_69 : i32
        %dma_start3A_71 = arith.constant 0 : i32
        %dma_start3A_72 = tpu.memref_slice %arg7[%add3A_70, %dma_start3A_71] : memref<40x125xi32, #tpu.memory_space<vmem>> -> memref<1x125xi32, #tpu.memory_space<vmem>>
        %dma_start3A_73 = tpu.memref_squeeze %dma_start3A_72 : memref<1x125xi32, #tpu.memory_space<vmem>> -> memref<125xi32, #tpu.memory_space<vmem>>
        %dma_start3A_74 = arith.constant 0 : i32
        %dma_start3A_75 = arith.constant 0 : i32
        %dma_start3A_76 = tpu.memref_slice %arg2[%dma_start3A_74, %dma_start3A_75] : memref<10000x128xf32, #tpu.memory_space<hbm>> -> memref<10000x128xf32, #tpu.memory_space<hbm>>
        tpu.enqueue_indirect_dma source(%dma_start3A_76 : memref<10000x128xf32, #tpu.memory_space<hbm>>) target(%arg9 : memref<125x128xf32, #tpu.memory_space<vmem>>) offsets(%dma_start3A_73 : memref<125xi32, #tpu.memory_space<vmem>>) semaphore(%arg12 : memref<!tpu.dma_semaphore, #tpu.memory_space<semaphore_mem>>)
      } else {
      }
      "tpu.region"() ({
        %run_scoped3A = tpu.sem_alloc : memref<!tpu.dma_semaphore, #tpu.memory_space<semaphore_mem>>
        %dma_start3A_69 = arith.constant 0 : i32
        %dma_start3A_70 = tpu.memref_slice %arg8[%add3A_47, %dma_start3A_69] : memref<40x125xi32, #tpu.memory_space<vmem>> -> memref<1x125xi32, #tpu.memory_space<vmem>>
        %dma_start3A_71 = tpu.memref_squeeze %dma_start3A_70 : memref<1x125xi32, #tpu.memory_space<vmem>> -> memref<125xi32, #tpu.memory_space<vmem>>
        %dma_start3A_72 = arith.constant 0 : i32
        %dma_start3A_73 = arith.constant 0 : i32
        %dma_start3A_74 = tpu.memref_slice %arg11[%dma_start3A_72, %dma_start3A_73] : memref<10000x128xf32, #tpu.memory_space<vmem_shared>> -> memref<10000x128xf32, #tpu.memory_space<vmem_shared>>
        tpu.enqueue_indirect_dma source(%arg10 : memref<125x128xf32, #tpu.memory_space<vmem>>) target(%dma_start3A_74 : memref<10000x128xf32, #tpu.memory_space<vmem_shared>>) offsets(%dma_start3A_71 : memref<125xi32, #tpu.memory_space<vmem>>) semaphore(%run_scoped3A : memref<!tpu.dma_semaphore, #tpu.memory_space<semaphore_mem>>) {add = true}
        %dma_wait3A_75 = arith.constant 0 : i32
        %dma_wait3A_76 = tpu.memref_slice %arg8[%add3A_47, %dma_wait3A_75] : memref<40x125xi32, #tpu.memory_space<vmem>> -> memref<1x125xi32, #tpu.memory_space<vmem>>
        %dma_wait3A_77 = tpu.memref_squeeze %dma_wait3A_76 : memref<1x125xi32, #tpu.memory_space<vmem>> -> memref<125xi32, #tpu.memory_space<vmem>>
        %dma_wait3A_78 = arith.constant 0 : i32
        %dma_wait3A_79 = arith.constant 0 : i32
        %dma_wait3A_80 = tpu.memref_slice %arg11[%dma_wait3A_78, %dma_wait3A_79] : memref<10000x128xf32, #tpu.memory_space<vmem_shared>> -> memref<10000x128xf32, #tpu.memory_space<vmem_shared>>
        tpu.wait_indirect_dma semaphore(%run_scoped3A : memref<!tpu.dma_semaphore, #tpu.memory_space<semaphore_mem>>) src(%arg10 : memref<125x128xf32, #tpu.memory_space<vmem>>) dst(%dma_wait3A_80 : memref<10000x128xf32, #tpu.memory_space<vmem_shared>>)
        tpu.yield
      }) : () -> ()
    }
    %scan3A_17 = arith.constant 20 : i32
    "tpu.region"() ({
      %run_scoped3A = tpu.sem_alloc : memref<!tpu.dma_semaphore, #tpu.memory_space<semaphore_mem>>
      %dma_start3A_41 = arith.constant 0 : i32
      %dma_start3A_42 = arith.constant 0 : i32
      %dma_start3A_43 = tpu.memref_slice %arg7[%dma_start3A_41, %dma_start3A_42] : memref<40x125xi32, #tpu.memory_space<vmem>> -> memref<40x125xi32, #tpu.memory_space<vmem>>
      %dma_start3A_44 = arith.constant 40 : i32
      %dma_start3A_45 = arith.constant 0 : i32
      %dma_start3A_46 = tpu.memref_slice %arg3[%add3A, %dma_start3A_44, %dma_start3A_45] : memref<32x80x125xi32, #tpu.memory_space<hbm>> -> memref<1x40x125xi32, #tpu.memory_space<hbm>>
      %dma_start3A_47 = tpu.memref_squeeze %dma_start3A_46 : memref<1x40x125xi32, #tpu.memory_space<hbm>> -> memref<40x125xi32, #tpu.memory_space<hbm>>
      %dma_start3A_48 = arith.constant 0 : i32
      %dma_start3A_49 = arith.constant 0 : i32
      %dma_start3A_50 = tpu.memref_slice %arg7[%dma_start3A_48, %dma_start3A_49] : memref<40x125xi32, #tpu.memory_space<vmem>> -> memref<40x125xi32, #tpu.memory_space<vmem>>
      %dma_start3A_51 = arith.constant 40 : i32
      %dma_start3A_52 = arith.constant 0 : i32
      %dma_start3A_53 = tpu.memref_slice %arg3[%add3A, %dma_start3A_51, %dma_start3A_52] : memref<32x80x125xi32, #tpu.memory_space<hbm>> -> memref<1x40x125xi32, #tpu.memory_space<hbm>>
      %dma_start3A_54 = tpu.memref_squeeze %dma_start3A_53 : memref<1x40x125xi32, #tpu.memory_space<hbm>> -> memref<40x125xi32, #tpu.memory_space<hbm>>
      tpu.enqueue_dma source(%dma_start3A_54 : memref<40x125xi32, #tpu.memory_space<hbm>>) target(%dma_start3A_50 : memref<40x125xi32, #tpu.memory_space<vmem>>) target_semaphore(%run_scoped3A : memref<!tpu.dma_semaphore, #tpu.memory_space<semaphore_mem>>)
      %dma_wait3A = arith.constant 0 : i32
      %dma_wait3A_55 = arith.constant 0 : i32
      %dma_wait3A_56 = tpu.memref_slice %arg7[%dma_wait3A, %dma_wait3A_55] : memref<40x125xi32, #tpu.memory_space<vmem>> -> memref<40x125xi32, #tpu.memory_space<vmem>>
      %dma_wait3A_57 = arith.constant 40 : i32
      %dma_wait3A_58 = arith.constant 0 : i32
      %dma_wait3A_59 = tpu.memref_slice %arg3[%add3A, %dma_wait3A_57, %dma_wait3A_58] : memref<32x80x125xi32, #tpu.memory_space<hbm>> -> memref<1x40x125xi32, #tpu.memory_space<hbm>>
      %dma_wait3A_60 = tpu.memref_squeeze %dma_wait3A_59 : memref<1x40x125xi32, #tpu.memory_space<hbm>> -> memref<40x125xi32, #tpu.memory_space<hbm>>
      %dma_wait3A_61 = arith.constant 0 : i32
      %dma_wait3A_62 = arith.constant 0 : i32
      %dma_wait3A_63 = tpu.memref_slice %arg7[%dma_wait3A_61, %dma_wait3A_62] : memref<40x125xi32, #tpu.memory_space<vmem>> -> memref<40x125xi32, #tpu.memory_space<vmem>>
      %dma_wait3A_64 = arith.constant 40 : i32
      %dma_wait3A_65 = arith.constant 0 : i32
      %dma_wait3A_66 = tpu.memref_slice %arg3[%add3A, %dma_wait3A_64, %dma_wait3A_65] : memref<32x80x125xi32, #tpu.memory_space<hbm>> -> memref<1x40x125xi32, #tpu.memory_space<hbm>>
      %dma_wait3A_67 = tpu.memref_squeeze %dma_wait3A_66 : memref<1x40x125xi32, #tpu.memory_space<hbm>> -> memref<40x125xi32, #tpu.memory_space<hbm>>
      tpu.wait_dma2 semaphore(%run_scoped3A : memref<!tpu.dma_semaphore, #tpu.memory_space<semaphore_mem>>) src(%dma_wait3A_67 : memref<40x125xi32, #tpu.memory_space<hbm>>) dst(%dma_wait3A_63 : memref<40x125xi32, #tpu.memory_space<vmem>>)
      tpu.yield
    }) : () -> ()
    "tpu.region"() ({
      %run_scoped3A = tpu.sem_alloc : memref<!tpu.dma_semaphore, #tpu.memory_space<semaphore_mem>>
      %dma_start3A_41 = arith.constant 0 : i32
      %dma_start3A_42 = arith.constant 0 : i32
      %dma_start3A_43 = tpu.memref_slice %arg8[%dma_start3A_41, %dma_start3A_42] : memref<40x125xi32, #tpu.memory_space<vmem>> -> memref<40x125xi32, #tpu.memory_space<vmem>>
      %dma_start3A_44 = arith.constant 40 : i32
      %dma_start3A_45 = arith.constant 0 : i32
      %dma_start3A_46 = tpu.memref_slice %arg4[%add3A, %dma_start3A_44, %dma_start3A_45] : memref<32x80x125xi32, #tpu.memory_space<hbm>> -> memref<1x40x125xi32, #tpu.memory_space<hbm>>
      %dma_start3A_47 = tpu.memref_squeeze %dma_start3A_46 : memref<1x40x125xi32, #tpu.memory_space<hbm>> -> memref<40x125xi32, #tpu.memory_space<hbm>>
      %dma_start3A_48 = arith.constant 0 : i32
      %dma_start3A_49 = arith.constant 0 : i32
      %dma_start3A_50 = tpu.memref_slice %arg8[%dma_start3A_48, %dma_start3A_49] : memref<40x125xi32, #tpu.memory_space<vmem>> -> memref<40x125xi32, #tpu.memory_space<vmem>>
      %dma_start3A_51 = arith.constant 40 : i32
      %dma_start3A_52 = arith.constant 0 : i32
      %dma_start3A_53 = tpu.memref_slice %arg4[%add3A, %dma_start3A_51, %dma_start3A_52] : memref<32x80x125xi32, #tpu.memory_space<hbm>> -> memref<1x40x125xi32, #tpu.memory_space<hbm>>
      %dma_start3A_54 = tpu.memref_squeeze %dma_start3A_53 : memref<1x40x125xi32, #tpu.memory_space<hbm>> -> memref<40x125xi32, #tpu.memory_space<hbm>>
      tpu.enqueue_dma source(%dma_start3A_54 : memref<40x125xi32, #tpu.memory_space<hbm>>) target(%dma_start3A_50 : memref<40x125xi32, #tpu.memory_space<vmem>>) target_semaphore(%run_scoped3A : memref<!tpu.dma_semaphore, #tpu.memory_space<semaphore_mem>>)
      %dma_wait3A = arith.constant 0 : i32
      %dma_wait3A_55 = arith.constant 0 : i32
      %dma_wait3A_56 = tpu.memref_slice %arg8[%dma_wait3A, %dma_wait3A_55] : memref<40x125xi32, #tpu.memory_space<vmem>> -> memref<40x125xi32, #tpu.memory_space<vmem>>
      %dma_wait3A_57 = arith.constant 40 : i32
      %dma_wait3A_58 = arith.constant 0 : i32
      %dma_wait3A_59 = tpu.memref_slice %arg4[%add3A, %dma_wait3A_57, %dma_wait3A_58] : memref<32x80x125xi32, #tpu.memory_space<hbm>> -> memref<1x40x125xi32, #tpu.memory_space<hbm>>
      %dma_wait3A_60 = tpu.memref_squeeze %dma_wait3A_59 : memref<1x40x125xi32, #tpu.memory_space<hbm>> -> memref<40x125xi32, #tpu.memory_space<hbm>>
      %dma_wait3A_61 = arith.constant 0 : i32
      %dma_wait3A_62 = arith.constant 0 : i32
      %dma_wait3A_63 = tpu.memref_slice %arg8[%dma_wait3A_61, %dma_wait3A_62] : memref<40x125xi32, #tpu.memory_space<vmem>> -> memref<40x125xi32, #tpu.memory_space<vmem>>
      %dma_wait3A_64 = arith.constant 40 : i32
      %dma_wait3A_65 = arith.constant 0 : i32
      %dma_wait3A_66 = tpu.memref_slice %arg4[%add3A, %dma_wait3A_64, %dma_wait3A_65] : memref<32x80x125xi32, #tpu.memory_space<hbm>> -> memref<1x40x125xi32, #tpu.memory_space<hbm>>
      %dma_wait3A_67 = tpu.memref_squeeze %dma_wait3A_66 : memref<1x40x125xi32, #tpu.memory_space<hbm>> -> memref<40x125xi32, #tpu.memory_space<hbm>>
      tpu.wait_dma2 semaphore(%run_scoped3A : memref<!tpu.dma_semaphore, #tpu.memory_space<semaphore_mem>>) src(%dma_wait3A_67 : memref<40x125xi32, #tpu.memory_space<hbm>>) dst(%dma_wait3A_63 : memref<40x125xi32, #tpu.memory_space<vmem>>)
      tpu.yield
    }) : () -> ()
    %dma_start3A_18 = arith.constant 0 : i32
    %dma_start3A_19 = arith.constant 0 : i32
    %dma_start3A_20 = tpu.memref_slice %arg7[%dma_start3A_18, %dma_start3A_19] : memref<40x125xi32, #tpu.memory_space<vmem>> -> memref<1x125xi32, #tpu.memory_space<vmem>>
    %dma_start3A_21 = tpu.memref_squeeze %dma_start3A_20 : memref<1x125xi32, #tpu.memory_space<vmem>> -> memref<125xi32, #tpu.memory_space<vmem>>
    %dma_start3A_22 = arith.constant 0 : i32
    %dma_start3A_23 = arith.constant 0 : i32
    %dma_start3A_24 = tpu.memref_slice %arg2[%dma_start3A_22, %dma_start3A_23] : memref<10000x128xf32, #tpu.memory_space<hbm>> -> memref<10000x128xf32, #tpu.memory_space<hbm>>
    tpu.enqueue_indirect_dma source(%dma_start3A_24 : memref<10000x128xf32, #tpu.memory_space<hbm>>) target(%arg9 : memref<125x128xf32, #tpu.memory_space<vmem>>) offsets(%dma_start3A_21 : memref<125xi32, #tpu.memory_space<vmem>>) semaphore(%arg12 : memref<!tpu.dma_semaphore, #tpu.memory_space<semaphore_mem>>)
    %scan3A_25 = arith.constant 0 : i32
    %scan3A_26 = arith.constant 0 : i32
    %scan3A_27 = arith.constant 20 : i32
    %scan3A_28 = arith.addi %scan3A_26, %scan3A_27 : i32
    %scan3A_29 = arith.constant 1 : i32
    scf.for %scan3A_41 = %scan3A_26 to %scan3A_28 step %scan3A_29  : i32 {
      %mul3A_42 = arith.constant 2 : i32
      %mul3A_43 = arith.muli %mul3A_42, %scan3A_41 : i32
      %mul3A_44 = arith.constant 2 : i32
      %mul3A_45 = arith.muli %mul3A_44, %scan3A_41 : i32
      %add3A_46 = arith.constant 1 : i32
      %add3A_47 = arith.addi %mul3A_45, %add3A_46 : i32
      %dma_wait3A = arith.constant 0 : i32
      %dma_wait3A_48 = tpu.memref_slice %arg7[%mul3A_43, %dma_wait3A] : memref<40x125xi32, #tpu.memory_space<vmem>> -> memref<1x125xi32, #tpu.memory_space<vmem>>
      %dma_wait3A_49 = tpu.memref_squeeze %dma_wait3A_48 : memref<1x125xi32, #tpu.memory_space<vmem>> -> memref<125xi32, #tpu.memory_space<vmem>>
      %dma_wait3A_50 = arith.constant 0 : i32
      %dma_wait3A_51 = arith.constant 0 : i32
      %dma_wait3A_52 = tpu.memref_slice %arg2[%dma_wait3A_50, %dma_wait3A_51] : memref<10000x128xf32, #tpu.memory_space<hbm>> -> memref<10000x128xf32, #tpu.memory_space<hbm>>
      tpu.wait_indirect_dma semaphore(%arg12 : memref<!tpu.dma_semaphore, #tpu.memory_space<semaphore_mem>>) src(%dma_wait3A_52 : memref<10000x128xf32, #tpu.memory_space<hbm>>) dst(%arg9 : memref<125x128xf32, #tpu.memory_space<vmem>>)
      %dma_start3A_53 = arith.constant 0 : i32
      %dma_start3A_54 = tpu.memref_slice %arg7[%add3A_47, %dma_start3A_53] : memref<40x125xi32, #tpu.memory_space<vmem>> -> memref<1x125xi32, #tpu.memory_space<vmem>>
      %dma_start3A_55 = tpu.memref_squeeze %dma_start3A_54 : memref<1x125xi32, #tpu.memory_space<vmem>> -> memref<125xi32, #tpu.memory_space<vmem>>
      %dma_start3A_56 = arith.constant 0 : i32
      %dma_start3A_57 = arith.constant 0 : i32
      %dma_start3A_58 = tpu.memref_slice %arg2[%dma_start3A_56, %dma_start3A_57] : memref<10000x128xf32, #tpu.memory_space<hbm>> -> memref<10000x128xf32, #tpu.memory_space<hbm>>
      tpu.enqueue_indirect_dma source(%dma_start3A_58 : memref<10000x128xf32, #tpu.memory_space<hbm>>) target(%arg10 : memref<125x128xf32, #tpu.memory_space<vmem>>) offsets(%dma_start3A_55 : memref<125xi32, #tpu.memory_space<vmem>>) semaphore(%arg13 : memref<!tpu.dma_semaphore, #tpu.memory_space<semaphore_mem>>)
      "tpu.region"() ({
        %run_scoped3A = tpu.sem_alloc : memref<!tpu.dma_semaphore, #tpu.memory_space<semaphore_mem>>
        %dma_start3A_69 = arith.constant 0 : i32
        %dma_start3A_70 = tpu.memref_slice %arg8[%mul3A_43, %dma_start3A_69] : memref<40x125xi32, #tpu.memory_space<vmem>> -> memref<1x125xi32, #tpu.memory_space<vmem>>
        %dma_start3A_71 = tpu.memref_squeeze %dma_start3A_70 : memref<1x125xi32, #tpu.memory_space<vmem>> -> memref<125xi32, #tpu.memory_space<vmem>>
        %dma_start3A_72 = arith.constant 0 : i32
        %dma_start3A_73 = arith.constant 0 : i32
        %dma_start3A_74 = tpu.memref_slice %arg11[%dma_start3A_72, %dma_start3A_73] : memref<10000x128xf32, #tpu.memory_space<vmem_shared>> -> memref<10000x128xf32, #tpu.memory_space<vmem_shared>>
        tpu.enqueue_indirect_dma source(%arg9 : memref<125x128xf32, #tpu.memory_space<vmem>>) target(%dma_start3A_74 : memref<10000x128xf32, #tpu.memory_space<vmem_shared>>) offsets(%dma_start3A_71 : memref<125xi32, #tpu.memory_space<vmem>>) semaphore(%run_scoped3A : memref<!tpu.dma_semaphore, #tpu.memory_space<semaphore_mem>>) {add = true}
        %dma_wait3A_75 = arith.constant 0 : i32
        %dma_wait3A_76 = tpu.memref_slice %arg8[%mul3A_43, %dma_wait3A_75] : memref<40x125xi32, #tpu.memory_space<vmem>> -> memref<1x125xi32, #tpu.memory_space<vmem>>
        %dma_wait3A_77 = tpu.memref_squeeze %dma_wait3A_76 : memref<1x125xi32, #tpu.memory_space<vmem>> -> memref<125xi32, #tpu.memory_space<vmem>>
        %dma_wait3A_78 = arith.constant 0 : i32
        %dma_wait3A_79 = arith.constant 0 : i32
        %dma_wait3A_80 = tpu.memref_slice %arg11[%dma_wait3A_78, %dma_wait3A_79] : memref<10000x128xf32, #tpu.memory_space<vmem_shared>> -> memref<10000x128xf32, #tpu.memory_space<vmem_shared>>
        tpu.wait_indirect_dma semaphore(%run_scoped3A : memref<!tpu.dma_semaphore, #tpu.memory_space<semaphore_mem>>) src(%arg9 : memref<125x128xf32, #tpu.memory_space<vmem>>) dst(%dma_wait3A_80 : memref<10000x128xf32, #tpu.memory_space<vmem_shared>>)
        tpu.yield
      }) : () -> ()
      %dma_wait3A_59 = arith.constant 0 : i32
      %dma_wait3A_60 = tpu.memref_slice %arg7[%add3A_47, %dma_wait3A_59] : memref<40x125xi32, #tpu.memory_space<vmem>> -> memref<1x125xi32, #tpu.memory_space<vmem>>
      %dma_wait3A_61 = tpu.memref_squeeze %dma_wait3A_60 : memref<1x125xi32, #tpu.memory_space<vmem>> -> memref<125xi32, #tpu.memory_space<vmem>>
      %dma_wait3A_62 = arith.constant 0 : i32
      %dma_wait3A_63 = arith.constant 0 : i32
      %dma_wait3A_64 = tpu.memref_slice %arg2[%dma_wait3A_62, %dma_wait3A_63] : memref<10000x128xf32, #tpu.memory_space<hbm>> -> memref<10000x128xf32, #tpu.memory_space<hbm>>
      tpu.wait_indirect_dma semaphore(%arg13 : memref<!tpu.dma_semaphore, #tpu.memory_space<semaphore_mem>>) src(%dma_wait3A_64 : memref<10000x128xf32, #tpu.memory_space<hbm>>) dst(%arg10 : memref<125x128xf32, #tpu.memory_space<vmem>>)
      %lt3A = arith.constant 19 : i32
      %lt3A_65 = arith.cmpi slt, %scan3A_41, %lt3A : i32
      %convert_element_type3A_66 = arith.extui %lt3A_65 : i1 to i32
      %cond3A_67 = arith.constant 0 : i32
      %cond3A_68 = arith.cmpi ne, %convert_element_type3A_66, %cond3A_67 : i32
      scf.if %cond3A_68 {
        %add3A_69 = arith.constant 1 : i32
        %add3A_70 = arith.addi %add3A_47, %add3A_69 : i32
        %dma_start3A_71 = arith.constant 0 : i32
        %dma_start3A_72 = tpu.memref_slice %arg7[%add3A_70, %dma_start3A_71] : memref<40x125xi32, #tpu.memory_space<vmem>> -> memref<1x125xi32, #tpu.memory_space<vmem>>
        %dma_start3A_73 = tpu.memref_squeeze %dma_start3A_72 : memref<1x125xi32, #tpu.memory_space<vmem>> -> memref<125xi32, #tpu.memory_space<vmem>>
        %dma_start3A_74 = arith.constant 0 : i32
        %dma_start3A_75 = arith.constant 0 : i32
        %dma_start3A_76 = tpu.memref_slice %arg2[%dma_start3A_74, %dma_start3A_75] : memref<10000x128xf32, #tpu.memory_space<hbm>> -> memref<10000x128xf32, #tpu.memory_space<hbm>>
        tpu.enqueue_indirect_dma source(%dma_start3A_76 : memref<10000x128xf32, #tpu.memory_space<hbm>>) target(%arg9 : memref<125x128xf32, #tpu.memory_space<vmem>>) offsets(%dma_start3A_73 : memref<125xi32, #tpu.memory_space<vmem>>) semaphore(%arg12 : memref<!tpu.dma_semaphore, #tpu.memory_space<semaphore_mem>>)
      } else {
      }
      "tpu.region"() ({
        %run_scoped3A = tpu.sem_alloc : memref<!tpu.dma_semaphore, #tpu.memory_space<semaphore_mem>>
        %dma_start3A_69 = arith.constant 0 : i32
        %dma_start3A_70 = tpu.memref_slice %arg8[%add3A_47, %dma_start3A_69] : memref<40x125xi32, #tpu.memory_space<vmem>> -> memref<1x125xi32, #tpu.memory_space<vmem>>
        %dma_start3A_71 = tpu.memref_squeeze %dma_start3A_70 : memref<1x125xi32, #tpu.memory_space<vmem>> -> memref<125xi32, #tpu.memory_space<vmem>>
        %dma_start3A_72 = arith.constant 0 : i32
        %dma_start3A_73 = arith.constant 0 : i32
        %dma_start3A_74 = tpu.memref_slice %arg11[%dma_start3A_72, %dma_start3A_73] : memref<10000x128xf32, #tpu.memory_space<vmem_shared>> -> memref<10000x128xf32, #tpu.memory_space<vmem_shared>>
        tpu.enqueue_indirect_dma source(%arg10 : memref<125x128xf32, #tpu.memory_space<vmem>>) target(%dma_start3A_74 : memref<10000x128xf32, #tpu.memory_space<vmem_shared>>) offsets(%dma_start3A_71 : memref<125xi32, #tpu.memory_space<vmem>>) semaphore(%run_scoped3A : memref<!tpu.dma_semaphore, #tpu.memory_space<semaphore_mem>>) {add = true}
        %dma_wait3A_75 = arith.constant 0 : i32
        %dma_wait3A_76 = tpu.memref_slice %arg8[%add3A_47, %dma_wait3A_75] : memref<40x125xi32, #tpu.memory_space<vmem>> -> memref<1x125xi32, #tpu.memory_space<vmem>>
        %dma_wait3A_77 = tpu.memref_squeeze %dma_wait3A_76 : memref<1x125xi32, #tpu.memory_space<vmem>> -> memref<125xi32, #tpu.memory_space<vmem>>
        %dma_wait3A_78 = arith.constant 0 : i32
        %dma_wait3A_79 = arith.constant 0 : i32
        %dma_wait3A_80 = tpu.memref_slice %arg11[%dma_wait3A_78, %dma_wait3A_79] : memref<10000x128xf32, #tpu.memory_space<vmem_shared>> -> memref<10000x128xf32, #tpu.memory_space<vmem_shared>>
        tpu.wait_indirect_dma semaphore(%run_scoped3A : memref<!tpu.dma_semaphore, #tpu.memory_space<semaphore_mem>>) src(%arg10 : memref<125x128xf32, #tpu.memory_space<vmem>>) dst(%dma_wait3A_80 : memref<10000x128xf32, #tpu.memory_space<vmem_shared>>)
        tpu.yield
      }) : () -> ()
    }
    %scan3A_30 = arith.constant 20 : i32
    %barrier3A_31 = arith.constant 0 : index
    tpu.barrier barrier_id(%barrier3A_31)
    %mul3A_32 = arith.constant 624 : i32
    %mul3A_33 = arith.muli %arg1, %mul3A_32 : i32
    %mul3A_34 = arith.constant 624 : i32
    %mul3A_35 = arith.muli %arg1, %mul3A_34 : i32
    "tpu.region"() ({
      %run_scoped3A = tpu.sem_alloc : memref<!tpu.dma_semaphore, #tpu.memory_space<semaphore_mem>>
      %dma_start3A_41 = arith.constant 0 : i32
      %dma_start3A_42 = tpu.memref_slice %arg6[%arg0, %mul3A_35, %dma_start3A_41] : memref<2x10000x128xf32, #tpu.memory_space<hbm>> -> memref<1x624x128xf32, #tpu.memory_space<hbm>>
      %dma_start3A_43 = tpu.memref_squeeze %dma_start3A_42 : memref<1x624x128xf32, #tpu.memory_space<hbm>> -> memref<624x128xf32, #tpu.memory_space<hbm>>
      %dma_start3A_44 = arith.constant 0 : i32
      %dma_start3A_45 = tpu.memref_slice %arg11[%mul3A_33, %dma_start3A_44] : memref<10000x128xf32, #tpu.memory_space<vmem_shared>> -> memref<624x128xf32, #tpu.memory_space<vmem_shared>>
      tpu.enqueue_dma source(%dma_start3A_45 : memref<624x128xf32, #tpu.memory_space<vmem_shared>>) target(%dma_start3A_43 : memref<624x128xf32, #tpu.memory_space<hbm>>) target_semaphore(%run_scoped3A : memref<!tpu.dma_semaphore, #tpu.memory_space<semaphore_mem>>)
      %dma_wait3A = arith.constant 0 : i32
      %dma_wait3A_46 = tpu.memref_slice %arg6[%arg0, %mul3A_35, %dma_wait3A] : memref<2x10000x128xf32, #tpu.memory_space<hbm>> -> memref<1x624x128xf32, #tpu.memory_space<hbm>>
      %dma_wait3A_47 = tpu.memref_squeeze %dma_wait3A_46 : memref<1x624x128xf32, #tpu.memory_space<hbm>> -> memref<624x128xf32, #tpu.memory_space<hbm>>
      %dma_wait3A_48 = arith.constant 0 : i32
      %dma_wait3A_49 = tpu.memref_slice %arg11[%mul3A_33, %dma_wait3A_48] : memref<10000x128xf32, #tpu.memory_space<vmem_shared>> -> memref<624x128xf32, #tpu.memory_space<vmem_shared>>
      tpu.wait_dma2 semaphore(%run_scoped3A : memref<!tpu.dma_semaphore, #tpu.memory_space<semaphore_mem>>) src(%dma_wait3A_49 : memref<624x128xf32, #tpu.memory_space<vmem_shared>>) dst(%dma_wait3A_47 : memref<624x128xf32, #tpu.memory_space<hbm>>)
      tpu.yield
    }) : () -> ()
    %eq3A_36 = arith.constant 15 : i32
    %eq3A_37 = arith.cmpi eq, %arg1, %eq3A_36 : i32
    %convert_element_type3A_38 = arith.extui %eq3A_37 : i1 to i32
    %cond3A_39 = arith.constant 0 : i32
    %cond3A_40 = arith.cmpi ne, %convert_element_type3A_38, %cond3A_39 : i32
    scf.if %cond3A_40 {
      "tpu.region"() ({
        %run_scoped3A = tpu.sem_alloc : memref<!tpu.dma_semaphore, #tpu.memory_space<semaphore_mem>>
        %dma_start3A_41 = arith.constant 9984 : i32
        %dma_start3A_42 = arith.constant 0 : i32
        %dma_start3A_43 = tpu.memref_slice %arg6[%arg0, %dma_start3A_41, %dma_start3A_42] : memref<2x10000x128xf32, #tpu.memory_space<hbm>> -> memref<1x16x128xf32, #tpu.memory_space<hbm>>
        %dma_start3A_44 = tpu.memref_squeeze %dma_start3A_43 : memref<1x16x128xf32, #tpu.memory_space<hbm>> -> memref<16x128xf32, #tpu.memory_space<hbm>>
        %dma_start3A_45 = arith.constant 9984 : i32
        %dma_start3A_46 = arith.constant 0 : i32
        %dma_start3A_47 = tpu.memref_slice %arg11[%dma_start3A_45, %dma_start3A_46] : memref<10000x128xf32, #tpu.memory_space<vmem_shared>> -> memref<16x128xf32, #tpu.memory_space<vmem_shared>>
        tpu.enqueue_dma source(%dma_start3A_47 : memref<16x128xf32, #tpu.memory_space<vmem_shared>>) target(%dma_start3A_44 : memref<16x128xf32, #tpu.memory_space<hbm>>) target_semaphore(%run_scoped3A : memref<!tpu.dma_semaphore, #tpu.memory_space<semaphore_mem>>)
        %dma_wait3A = arith.constant 9984 : i32
        %dma_wait3A_48 = arith.constant 0 : i32
        %dma_wait3A_49 = tpu.memref_slice %arg6[%arg0, %dma_wait3A, %dma_wait3A_48] : memref<2x10000x128xf32, #tpu.memory_space<hbm>> -> memref<1x16x128xf32, #tpu.memory_space<hbm>>
        %dma_wait3A_50 = tpu.memref_squeeze %dma_wait3A_49 : memref<1x16x128xf32, #tpu.memory_space<hbm>> -> memref<16x128xf32, #tpu.memory_space<hbm>>
        %dma_wait3A_51 = arith.constant 9984 : i32
        %dma_wait3A_52 = arith.constant 0 : i32
        %dma_wait3A_53 = tpu.memref_slice %arg11[%dma_wait3A_51, %dma_wait3A_52] : memref<10000x128xf32, #tpu.memory_space<vmem_shared>> -> memref<16x128xf32, #tpu.memory_space<vmem_shared>>
        tpu.wait_dma2 semaphore(%run_scoped3A : memref<!tpu.dma_semaphore, #tpu.memory_space<semaphore_mem>>) src(%dma_wait3A_53 : memref<16x128xf32, #tpu.memory_space<vmem_shared>>) dst(%dma_wait3A_50 : memref<16x128xf32, #tpu.memory_space<hbm>>)
        tpu.yield
      }) : () -> ()
    } else {
    }
    return
  }
}

#map = affine_map<(d0, d1) -> (0, 0, 0)>
#map1 = affine_map<(d0, d1) -> (0, 0)>
module attributes {stable_mosaic.version = 14 : i64} {
  func.func @_sc_degrees_body(%arg0: i32, %arg1: i32, %arg2: memref<32x80x125xi32, #tpu.memory_space<hbm>>, %arg3: memref<32x80x125xi32, #tpu.memory_space<hbm>>, %arg4: memref<2x125x128xf32, #tpu.memory_space<hbm>>, %arg5: memref<10000x128xf32, #tpu.memory_space<hbm>>, %arg6: memref<2x10000x128xf32, #tpu.memory_space<hbm>>, %arg7: memref<80x125xi32, #tpu.memory_space<vmem>>, %arg8: memref<80x125xi32, #tpu.memory_space<vmem>>, %arg9: memref<125x128xf32, #tpu.memory_space<vmem>>, %arg10: memref<10000x128xf32, #tpu.memory_space<vmem_shared>>, %arg11: memref<!tpu.dma_semaphore, #tpu.memory_space<semaphore_mem>>) attributes {dimension_semantics = [#tpu.dimension_semantics<core_parallel>, #tpu.dimension_semantics<subcore_parallel>], iteration_bounds = array<i64: 2, 16>, scalar_prefetch = 0 : i64, scratch_operands = 5 : i64, tpu.core_type = #tpu.core_type<sc_vector_subcore>, window_params = [{transform_indices = #map}, {transform_indices = #map}, {transform_indices = #map}, {transform_indices = #map1}, {transform_indices = #map}]} {
    %mul3A = arith.constant 624 : i32
    %mul3A_0 = arith.muli %arg1, %mul3A : i32
    %mul3A_1 = arith.constant 624 : i32
    %mul3A_2 = arith.muli %arg1, %mul3A_1 : i32
    "tpu.region"() ({
      %run_scoped3A_29 = tpu.sem_alloc : memref<!tpu.dma_semaphore, #tpu.memory_space<semaphore_mem>>
      %dma_start3A = arith.constant 0 : i32
      %dma_start3A_30 = tpu.memref_slice %arg10[%mul3A_2, %dma_start3A] : memref<10000x128xf32, #tpu.memory_space<vmem_shared>> -> memref<624x128xf32, #tpu.memory_space<vmem_shared>>
      %dma_start3A_31 = arith.constant 0 : i32
      %dma_start3A_32 = tpu.memref_slice %arg5[%mul3A_0, %dma_start3A_31] : memref<10000x128xf32, #tpu.memory_space<hbm>> -> memref<624x128xf32, #tpu.memory_space<hbm>>
      tpu.enqueue_dma source(%dma_start3A_32 : memref<624x128xf32, #tpu.memory_space<hbm>>) target(%dma_start3A_30 : memref<624x128xf32, #tpu.memory_space<vmem_shared>>) target_semaphore(%run_scoped3A_29 : memref<!tpu.dma_semaphore, #tpu.memory_space<semaphore_mem>>)
      %dma_wait3A = arith.constant 0 : i32
      %dma_wait3A_33 = tpu.memref_slice %arg10[%mul3A_2, %dma_wait3A] : memref<10000x128xf32, #tpu.memory_space<vmem_shared>> -> memref<624x128xf32, #tpu.memory_space<vmem_shared>>
      %dma_wait3A_34 = arith.constant 0 : i32
      %dma_wait3A_35 = tpu.memref_slice %arg5[%mul3A_0, %dma_wait3A_34] : memref<10000x128xf32, #tpu.memory_space<hbm>> -> memref<624x128xf32, #tpu.memory_space<hbm>>
      tpu.wait_dma2 semaphore(%run_scoped3A_29 : memref<!tpu.dma_semaphore, #tpu.memory_space<semaphore_mem>>) src(%dma_wait3A_35 : memref<624x128xf32, #tpu.memory_space<hbm>>) dst(%dma_wait3A_33 : memref<624x128xf32, #tpu.memory_space<vmem_shared>>)
      tpu.yield
    }) : () -> ()
    %eq3A = arith.constant 15 : i32
    %eq3A_3 = arith.cmpi eq, %arg1, %eq3A : i32
    %convert_element_type3A = arith.extui %eq3A_3 : i1 to i32
    %cond3A = arith.constant 0 : i32
    %cond3A_4 = arith.cmpi ne, %convert_element_type3A, %cond3A : i32
    scf.if %cond3A_4 {
      "tpu.region"() ({
        %run_scoped3A_29 = tpu.sem_alloc : memref<!tpu.dma_semaphore, #tpu.memory_space<semaphore_mem>>
        %dma_start3A = arith.constant 9984 : i32
        %dma_start3A_30 = arith.constant 0 : i32
        %dma_start3A_31 = tpu.memref_slice %arg10[%dma_start3A, %dma_start3A_30] : memref<10000x128xf32, #tpu.memory_space<vmem_shared>> -> memref<16x128xf32, #tpu.memory_space<vmem_shared>>
        %dma_start3A_32 = arith.constant 9984 : i32
        %dma_start3A_33 = arith.constant 0 : i32
        %dma_start3A_34 = tpu.memref_slice %arg5[%dma_start3A_32, %dma_start3A_33] : memref<10000x128xf32, #tpu.memory_space<hbm>> -> memref<16x128xf32, #tpu.memory_space<hbm>>
        tpu.enqueue_dma source(%dma_start3A_34 : memref<16x128xf32, #tpu.memory_space<hbm>>) target(%dma_start3A_31 : memref<16x128xf32, #tpu.memory_space<vmem_shared>>) target_semaphore(%run_scoped3A_29 : memref<!tpu.dma_semaphore, #tpu.memory_space<semaphore_mem>>)
        %dma_wait3A = arith.constant 9984 : i32
        %dma_wait3A_35 = arith.constant 0 : i32
        %dma_wait3A_36 = tpu.memref_slice %arg10[%dma_wait3A, %dma_wait3A_35] : memref<10000x128xf32, #tpu.memory_space<vmem_shared>> -> memref<16x128xf32, #tpu.memory_space<vmem_shared>>
        %dma_wait3A_37 = arith.constant 9984 : i32
        %dma_wait3A_38 = arith.constant 0 : i32
        %dma_wait3A_39 = tpu.memref_slice %arg5[%dma_wait3A_37, %dma_wait3A_38] : memref<10000x128xf32, #tpu.memory_space<hbm>> -> memref<16x128xf32, #tpu.memory_space<hbm>>
        tpu.wait_dma2 semaphore(%run_scoped3A_29 : memref<!tpu.dma_semaphore, #tpu.memory_space<semaphore_mem>>) src(%dma_wait3A_39 : memref<16x128xf32, #tpu.memory_space<hbm>>) dst(%dma_wait3A_36 : memref<16x128xf32, #tpu.memory_space<vmem_shared>>)
        tpu.yield
      }) : () -> ()
    } else {
    }
    %mul3A_5 = arith.constant 2 : i32
    %mul3A_6 = arith.muli %arg1, %mul3A_5 : i32
    %add3A = arith.addi %mul3A_6, %arg0 : i32
    "tpu.region"() ({
      %run_scoped3A_29 = tpu.sem_alloc : memref<!tpu.dma_semaphore, #tpu.memory_space<semaphore_mem>>
      %dma_start3A = arith.constant 0 : i32
      %dma_start3A_30 = arith.constant 0 : i32
      %dma_start3A_31 = tpu.memref_slice %arg2[%add3A, %dma_start3A, %dma_start3A_30] : memref<32x80x125xi32, #tpu.memory_space<hbm>> -> memref<1x80x125xi32, #tpu.memory_space<hbm>>
      %dma_start3A_32 = tpu.memref_squeeze %dma_start3A_31 : memref<1x80x125xi32, #tpu.memory_space<hbm>> -> memref<80x125xi32, #tpu.memory_space<hbm>>
      %dma_start3A_33 = arith.constant 0 : i32
      %dma_start3A_34 = arith.constant 0 : i32
      %dma_start3A_35 = tpu.memref_slice %arg2[%add3A, %dma_start3A_33, %dma_start3A_34] : memref<32x80x125xi32, #tpu.memory_space<hbm>> -> memref<1x80x125xi32, #tpu.memory_space<hbm>>
      %dma_start3A_36 = tpu.memref_squeeze %dma_start3A_35 : memref<1x80x125xi32, #tpu.memory_space<hbm>> -> memref<80x125xi32, #tpu.memory_space<hbm>>
      tpu.enqueue_dma source(%dma_start3A_36 : memref<80x125xi32, #tpu.memory_space<hbm>>) target(%arg7 : memref<80x125xi32, #tpu.memory_space<vmem>>) target_semaphore(%run_scoped3A_29 : memref<!tpu.dma_semaphore, #tpu.memory_space<semaphore_mem>>)
      %dma_wait3A = arith.constant 0 : i32
      %dma_wait3A_37 = arith.constant 0 : i32
      %dma_wait3A_38 = tpu.memref_slice %arg2[%add3A, %dma_wait3A, %dma_wait3A_37] : memref<32x80x125xi32, #tpu.memory_space<hbm>> -> memref<1x80x125xi32, #tpu.memory_space<hbm>>
      %dma_wait3A_39 = tpu.memref_squeeze %dma_wait3A_38 : memref<1x80x125xi32, #tpu.memory_space<hbm>> -> memref<80x125xi32, #tpu.memory_space<hbm>>
      %dma_wait3A_40 = arith.constant 0 : i32
      %dma_wait3A_41 = arith.constant 0 : i32
      %dma_wait3A_42 = tpu.memref_slice %arg2[%add3A, %dma_wait3A_40, %dma_wait3A_41] : memref<32x80x125xi32, #tpu.memory_space<hbm>> -> memref<1x80x125xi32, #tpu.memory_space<hbm>>
      %dma_wait3A_43 = tpu.memref_squeeze %dma_wait3A_42 : memref<1x80x125xi32, #tpu.memory_space<hbm>> -> memref<80x125xi32, #tpu.memory_space<hbm>>
      tpu.wait_dma2 semaphore(%run_scoped3A_29 : memref<!tpu.dma_semaphore, #tpu.memory_space<semaphore_mem>>) src(%dma_wait3A_43 : memref<80x125xi32, #tpu.memory_space<hbm>>) dst(%arg7 : memref<80x125xi32, #tpu.memory_space<vmem>>)
      tpu.yield
    }) : () -> ()
    "tpu.region"() ({
      %run_scoped3A_29 = tpu.sem_alloc : memref<!tpu.dma_semaphore, #tpu.memory_space<semaphore_mem>>
      %dma_start3A = arith.constant 0 : i32
      %dma_start3A_30 = arith.constant 0 : i32
      %dma_start3A_31 = tpu.memref_slice %arg3[%add3A, %dma_start3A, %dma_start3A_30] : memref<32x80x125xi32, #tpu.memory_space<hbm>> -> memref<1x80x125xi32, #tpu.memory_space<hbm>>
      %dma_start3A_32 = tpu.memref_squeeze %dma_start3A_31 : memref<1x80x125xi32, #tpu.memory_space<hbm>> -> memref<80x125xi32, #tpu.memory_space<hbm>>
      %dma_start3A_33 = arith.constant 0 : i32
      %dma_start3A_34 = arith.constant 0 : i32
      %dma_start3A_35 = tpu.memref_slice %arg3[%add3A, %dma_start3A_33, %dma_start3A_34] : memref<32x80x125xi32, #tpu.memory_space<hbm>> -> memref<1x80x125xi32, #tpu.memory_space<hbm>>
      %dma_start3A_36 = tpu.memref_squeeze %dma_start3A_35 : memref<1x80x125xi32, #tpu.memory_space<hbm>> -> memref<80x125xi32, #tpu.memory_space<hbm>>
      tpu.enqueue_dma source(%dma_start3A_36 : memref<80x125xi32, #tpu.memory_space<hbm>>) target(%arg8 : memref<80x125xi32, #tpu.memory_space<vmem>>) target_semaphore(%run_scoped3A_29 : memref<!tpu.dma_semaphore, #tpu.memory_space<semaphore_mem>>)
      %dma_wait3A = arith.constant 0 : i32
      %dma_wait3A_37 = arith.constant 0 : i32
      %dma_wait3A_38 = tpu.memref_slice %arg3[%add3A, %dma_wait3A, %dma_wait3A_37] : memref<32x80x125xi32, #tpu.memory_space<hbm>> -> memref<1x80x125xi32, #tpu.memory_space<hbm>>
      %dma_wait3A_39 = tpu.memref_squeeze %dma_wait3A_38 : memref<1x80x125xi32, #tpu.memory_space<hbm>> -> memref<80x125xi32, #tpu.memory_space<hbm>>
      %dma_wait3A_40 = arith.constant 0 : i32
      %dma_wait3A_41 = arith.constant 0 : i32
      %dma_wait3A_42 = tpu.memref_slice %arg3[%add3A, %dma_wait3A_40, %dma_wait3A_41] : memref<32x80x125xi32, #tpu.memory_space<hbm>> -> memref<1x80x125xi32, #tpu.memory_space<hbm>>
      %dma_wait3A_43 = tpu.memref_squeeze %dma_wait3A_42 : memref<1x80x125xi32, #tpu.memory_space<hbm>> -> memref<80x125xi32, #tpu.memory_space<hbm>>
      tpu.wait_dma2 semaphore(%run_scoped3A_29 : memref<!tpu.dma_semaphore, #tpu.memory_space<semaphore_mem>>) src(%dma_wait3A_43 : memref<80x125xi32, #tpu.memory_space<hbm>>) dst(%arg8 : memref<80x125xi32, #tpu.memory_space<vmem>>)
      tpu.yield
    }) : () -> ()
    %barrier3A = arith.constant 0 : index
    tpu.barrier barrier_id(%barrier3A)
    %run_scoped3A = arith.constant 0 : i32
    "tpu.region"() ({
      %run_scoped3A_29 = tpu.sem_alloc : memref<!tpu.dma_semaphore, #tpu.memory_space<semaphore_mem>>
      %dma_start3A = arith.constant 0 : i32
      %dma_start3A_30 = arith.constant 0 : i32
      %dma_start3A_31 = tpu.memref_slice %arg4[%run_scoped3A, %dma_start3A, %dma_start3A_30] : memref<2x125x128xf32, #tpu.memory_space<hbm>> -> memref<1x125x128xf32, #tpu.memory_space<hbm>>
      %dma_start3A_32 = tpu.memref_squeeze %dma_start3A_31 : memref<1x125x128xf32, #tpu.memory_space<hbm>> -> memref<125x128xf32, #tpu.memory_space<hbm>>
      %dma_start3A_33 = arith.constant 0 : i32
      %dma_start3A_34 = arith.constant 0 : i32
      %dma_start3A_35 = tpu.memref_slice %arg4[%run_scoped3A, %dma_start3A_33, %dma_start3A_34] : memref<2x125x128xf32, #tpu.memory_space<hbm>> -> memref<1x125x128xf32, #tpu.memory_space<hbm>>
      %dma_start3A_36 = tpu.memref_squeeze %dma_start3A_35 : memref<1x125x128xf32, #tpu.memory_space<hbm>> -> memref<125x128xf32, #tpu.memory_space<hbm>>
      tpu.enqueue_dma source(%dma_start3A_36 : memref<125x128xf32, #tpu.memory_space<hbm>>) target(%arg9 : memref<125x128xf32, #tpu.memory_space<vmem>>) target_semaphore(%run_scoped3A_29 : memref<!tpu.dma_semaphore, #tpu.memory_space<semaphore_mem>>)
      %dma_wait3A = arith.constant 0 : i32
      %dma_wait3A_37 = arith.constant 0 : i32
      %dma_wait3A_38 = tpu.memref_slice %arg4[%run_scoped3A, %dma_wait3A, %dma_wait3A_37] : memref<2x125x128xf32, #tpu.memory_space<hbm>> -> memref<1x125x128xf32, #tpu.memory_space<hbm>>
      %dma_wait3A_39 = tpu.memref_squeeze %dma_wait3A_38 : memref<1x125x128xf32, #tpu.memory_space<hbm>> -> memref<125x128xf32, #tpu.memory_space<hbm>>
      %dma_wait3A_40 = arith.constant 0 : i32
      %dma_wait3A_41 = arith.constant 0 : i32
      %dma_wait3A_42 = tpu.memref_slice %arg4[%run_scoped3A, %dma_wait3A_40, %dma_wait3A_41] : memref<2x125x128xf32, #tpu.memory_space<hbm>> -> memref<1x125x128xf32, #tpu.memory_space<hbm>>
      %dma_wait3A_43 = tpu.memref_squeeze %dma_wait3A_42 : memref<1x125x128xf32, #tpu.memory_space<hbm>> -> memref<125x128xf32, #tpu.memory_space<hbm>>
      tpu.wait_dma2 semaphore(%run_scoped3A_29 : memref<!tpu.dma_semaphore, #tpu.memory_space<semaphore_mem>>) src(%dma_wait3A_43 : memref<125x128xf32, #tpu.memory_space<hbm>>) dst(%arg9 : memref<125x128xf32, #tpu.memory_space<vmem>>)
      tpu.yield
    }) : () -> ()
    %scan3A = arith.constant 0 : i32
    %scan3A_7 = arith.constant 0 : i32
    %scan3A_8 = arith.constant 8 : i32
    %scan3A_9 = arith.addi %scan3A_7, %scan3A_8 : i32
    %scan3A_10 = arith.constant 1 : i32
    scf.for %scan3A_29 = %scan3A_7 to %scan3A_9 step %scan3A_10  : i32 {
      %mul3A_30 = arith.constant 10 : i32
      %mul3A_31 = arith.muli %scan3A_29, %mul3A_30 : i32
      %add3A_32 = arith.constant 0 : i32
      %add3A_33 = arith.addi %mul3A_31, %add3A_32 : i32
      %dma_start3A = arith.constant 0 : i32
      %dma_start3A_34 = tpu.memref_slice %arg7[%add3A_33, %dma_start3A] : memref<80x125xi32, #tpu.memory_space<vmem>> -> memref<1x125xi32, #tpu.memory_space<vmem>>
      %dma_start3A_35 = tpu.memref_squeeze %dma_start3A_34 : memref<1x125xi32, #tpu.memory_space<vmem>> -> memref<125xi32, #tpu.memory_space<vmem>>
      %dma_start3A_36 = arith.constant 0 : i32
      %dma_start3A_37 = arith.constant 0 : i32
      %dma_start3A_38 = tpu.memref_slice %arg10[%dma_start3A_36, %dma_start3A_37] : memref<10000x128xf32, #tpu.memory_space<vmem_shared>> -> memref<10000x128xf32, #tpu.memory_space<vmem_shared>>
      tpu.enqueue_indirect_dma source(%arg9 : memref<125x128xf32, #tpu.memory_space<vmem>>) target(%dma_start3A_38 : memref<10000x128xf32, #tpu.memory_space<vmem_shared>>) offsets(%dma_start3A_35 : memref<125xi32, #tpu.memory_space<vmem>>) semaphore(%arg11 : memref<!tpu.dma_semaphore, #tpu.memory_space<semaphore_mem>>) {add = true}
      %mul3A_39 = arith.constant 10 : i32
      %mul3A_40 = arith.muli %scan3A_29, %mul3A_39 : i32
      %add3A_41 = arith.constant 1 : i32
      %add3A_42 = arith.addi %mul3A_40, %add3A_41 : i32
      %dma_start3A_43 = arith.constant 0 : i32
      %dma_start3A_44 = tpu.memref_slice %arg7[%add3A_42, %dma_start3A_43] : memref<80x125xi32, #tpu.memory_space<vmem>> -> memref<1x125xi32, #tpu.memory_space<vmem>>
      %dma_start3A_45 = tpu.memref_squeeze %dma_start3A_44 : memref<1x125xi32, #tpu.memory_space<vmem>> -> memref<125xi32, #tpu.memory_space<vmem>>
      %dma_start3A_46 = arith.constant 0 : i32
      %dma_start3A_47 = arith.constant 0 : i32
      %dma_start3A_48 = tpu.memref_slice %arg10[%dma_start3A_46, %dma_start3A_47] : memref<10000x128xf32, #tpu.memory_space<vmem_shared>> -> memref<10000x128xf32, #tpu.memory_space<vmem_shared>>
      tpu.enqueue_indirect_dma source(%arg9 : memref<125x128xf32, #tpu.memory_space<vmem>>) target(%dma_start3A_48 : memref<10000x128xf32, #tpu.memory_space<vmem_shared>>) offsets(%dma_start3A_45 : memref<125xi32, #tpu.memory_space<vmem>>) semaphore(%arg11 : memref<!tpu.dma_semaphore, #tpu.memory_space<semaphore_mem>>) {add = true}
      %mul3A_49 = arith.constant 10 : i32
      %mul3A_50 = arith.muli %scan3A_29, %mul3A_49 : i32
      %add3A_51 = arith.constant 2 : i32
      %add3A_52 = arith.addi %mul3A_50, %add3A_51 : i32
      %dma_start3A_53 = arith.constant 0 : i32
      %dma_start3A_54 = tpu.memref_slice %arg7[%add3A_52, %dma_start3A_53] : memref<80x125xi32, #tpu.memory_space<vmem>> -> memref<1x125xi32, #tpu.memory_space<vmem>>
      %dma_start3A_55 = tpu.memref_squeeze %dma_start3A_54 : memref<1x125xi32, #tpu.memory_space<vmem>> -> memref<125xi32, #tpu.memory_space<vmem>>
      %dma_start3A_56 = arith.constant 0 : i32
      %dma_start3A_57 = arith.constant 0 : i32
      %dma_start3A_58 = tpu.memref_slice %arg10[%dma_start3A_56, %dma_start3A_57] : memref<10000x128xf32, #tpu.memory_space<vmem_shared>> -> memref<10000x128xf32, #tpu.memory_space<vmem_shared>>
      tpu.enqueue_indirect_dma source(%arg9 : memref<125x128xf32, #tpu.memory_space<vmem>>) target(%dma_start3A_58 : memref<10000x128xf32, #tpu.memory_space<vmem_shared>>) offsets(%dma_start3A_55 : memref<125xi32, #tpu.memory_space<vmem>>) semaphore(%arg11 : memref<!tpu.dma_semaphore, #tpu.memory_space<semaphore_mem>>) {add = true}
      %mul3A_59 = arith.constant 10 : i32
      %mul3A_60 = arith.muli %scan3A_29, %mul3A_59 : i32
      %add3A_61 = arith.constant 3 : i32
      %add3A_62 = arith.addi %mul3A_60, %add3A_61 : i32
      %dma_start3A_63 = arith.constant 0 : i32
      %dma_start3A_64 = tpu.memref_slice %arg7[%add3A_62, %dma_start3A_63] : memref<80x125xi32, #tpu.memory_space<vmem>> -> memref<1x125xi32, #tpu.memory_space<vmem>>
      %dma_start3A_65 = tpu.memref_squeeze %dma_start3A_64 : memref<1x125xi32, #tpu.memory_space<vmem>> -> memref<125xi32, #tpu.memory_space<vmem>>
      %dma_start3A_66 = arith.constant 0 : i32
      %dma_start3A_67 = arith.constant 0 : i32
      %dma_start3A_68 = tpu.memref_slice %arg10[%dma_start3A_66, %dma_start3A_67] : memref<10000x128xf32, #tpu.memory_space<vmem_shared>> -> memref<10000x128xf32, #tpu.memory_space<vmem_shared>>
      tpu.enqueue_indirect_dma source(%arg9 : memref<125x128xf32, #tpu.memory_space<vmem>>) target(%dma_start3A_68 : memref<10000x128xf32, #tpu.memory_space<vmem_shared>>) offsets(%dma_start3A_65 : memref<125xi32, #tpu.memory_space<vmem>>) semaphore(%arg11 : memref<!tpu.dma_semaphore, #tpu.memory_space<semaphore_mem>>) {add = true}
      %mul3A_69 = arith.constant 10 : i32
      %mul3A_70 = arith.muli %scan3A_29, %mul3A_69 : i32
      %add3A_71 = arith.constant 4 : i32
      %add3A_72 = arith.addi %mul3A_70, %add3A_71 : i32
      %dma_start3A_73 = arith.constant 0 : i32
      %dma_start3A_74 = tpu.memref_slice %arg7[%add3A_72, %dma_start3A_73] : memref<80x125xi32, #tpu.memory_space<vmem>> -> memref<1x125xi32, #tpu.memory_space<vmem>>
      %dma_start3A_75 = tpu.memref_squeeze %dma_start3A_74 : memref<1x125xi32, #tpu.memory_space<vmem>> -> memref<125xi32, #tpu.memory_space<vmem>>
      %dma_start3A_76 = arith.constant 0 : i32
      %dma_start3A_77 = arith.constant 0 : i32
      %dma_start3A_78 = tpu.memref_slice %arg10[%dma_start3A_76, %dma_start3A_77] : memref<10000x128xf32, #tpu.memory_space<vmem_shared>> -> memref<10000x128xf32, #tpu.memory_space<vmem_shared>>
      tpu.enqueue_indirect_dma source(%arg9 : memref<125x128xf32, #tpu.memory_space<vmem>>) target(%dma_start3A_78 : memref<10000x128xf32, #tpu.memory_space<vmem_shared>>) offsets(%dma_start3A_75 : memref<125xi32, #tpu.memory_space<vmem>>) semaphore(%arg11 : memref<!tpu.dma_semaphore, #tpu.memory_space<semaphore_mem>>) {add = true}
      %mul3A_79 = arith.constant 10 : i32
      %mul3A_80 = arith.muli %scan3A_29, %mul3A_79 : i32
      %add3A_81 = arith.constant 5 : i32
      %add3A_82 = arith.addi %mul3A_80, %add3A_81 : i32
      %dma_start3A_83 = arith.constant 0 : i32
      %dma_start3A_84 = tpu.memref_slice %arg7[%add3A_82, %dma_start3A_83] : memref<80x125xi32, #tpu.memory_space<vmem>> -> memref<1x125xi32, #tpu.memory_space<vmem>>
      %dma_start3A_85 = tpu.memref_squeeze %dma_start3A_84 : memref<1x125xi32, #tpu.memory_space<vmem>> -> memref<125xi32, #tpu.memory_space<vmem>>
      %dma_start3A_86 = arith.constant 0 : i32
      %dma_start3A_87 = arith.constant 0 : i32
      %dma_start3A_88 = tpu.memref_slice %arg10[%dma_start3A_86, %dma_start3A_87] : memref<10000x128xf32, #tpu.memory_space<vmem_shared>> -> memref<10000x128xf32, #tpu.memory_space<vmem_shared>>
      tpu.enqueue_indirect_dma source(%arg9 : memref<125x128xf32, #tpu.memory_space<vmem>>) target(%dma_start3A_88 : memref<10000x128xf32, #tpu.memory_space<vmem_shared>>) offsets(%dma_start3A_85 : memref<125xi32, #tpu.memory_space<vmem>>) semaphore(%arg11 : memref<!tpu.dma_semaphore, #tpu.memory_space<semaphore_mem>>) {add = true}
      %mul3A_89 = arith.constant 10 : i32
      %mul3A_90 = arith.muli %scan3A_29, %mul3A_89 : i32
      %add3A_91 = arith.constant 6 : i32
      %add3A_92 = arith.addi %mul3A_90, %add3A_91 : i32
      %dma_start3A_93 = arith.constant 0 : i32
      %dma_start3A_94 = tpu.memref_slice %arg7[%add3A_92, %dma_start3A_93] : memref<80x125xi32, #tpu.memory_space<vmem>> -> memref<1x125xi32, #tpu.memory_space<vmem>>
      %dma_start3A_95 = tpu.memref_squeeze %dma_start3A_94 : memref<1x125xi32, #tpu.memory_space<vmem>> -> memref<125xi32, #tpu.memory_space<vmem>>
      %dma_start3A_96 = arith.constant 0 : i32
      %dma_start3A_97 = arith.constant 0 : i32
      %dma_start3A_98 = tpu.memref_slice %arg10[%dma_start3A_96, %dma_start3A_97] : memref<10000x128xf32, #tpu.memory_space<vmem_shared>> -> memref<10000x128xf32, #tpu.memory_space<vmem_shared>>
      tpu.enqueue_indirect_dma source(%arg9 : memref<125x128xf32, #tpu.memory_space<vmem>>) target(%dma_start3A_98 : memref<10000x128xf32, #tpu.memory_space<vmem_shared>>) offsets(%dma_start3A_95 : memref<125xi32, #tpu.memory_space<vmem>>) semaphore(%arg11 : memref<!tpu.dma_semaphore, #tpu.memory_space<semaphore_mem>>) {add = true}
      %mul3A_99 = arith.constant 10 : i32
      %mul3A_100 = arith.muli %scan3A_29, %mul3A_99 : i32
      %add3A_101 = arith.constant 7 : i32
      %add3A_102 = arith.addi %mul3A_100, %add3A_101 : i32
      %dma_start3A_103 = arith.constant 0 : i32
      %dma_start3A_104 = tpu.memref_slice %arg7[%add3A_102, %dma_start3A_103] : memref<80x125xi32, #tpu.memory_space<vmem>> -> memref<1x125xi32, #tpu.memory_space<vmem>>
      %dma_start3A_105 = tpu.memref_squeeze %dma_start3A_104 : memref<1x125xi32, #tpu.memory_space<vmem>> -> memref<125xi32, #tpu.memory_space<vmem>>
      %dma_start3A_106 = arith.constant 0 : i32
      %dma_start3A_107 = arith.constant 0 : i32
      %dma_start3A_108 = tpu.memref_slice %arg10[%dma_start3A_106, %dma_start3A_107] : memref<10000x128xf32, #tpu.memory_space<vmem_shared>> -> memref<10000x128xf32, #tpu.memory_space<vmem_shared>>
      tpu.enqueue_indirect_dma source(%arg9 : memref<125x128xf32, #tpu.memory_space<vmem>>) target(%dma_start3A_108 : memref<10000x128xf32, #tpu.memory_space<vmem_shared>>) offsets(%dma_start3A_105 : memref<125xi32, #tpu.memory_space<vmem>>) semaphore(%arg11 : memref<!tpu.dma_semaphore, #tpu.memory_space<semaphore_mem>>) {add = true}
      %mul3A_109 = arith.constant 10 : i32
      %mul3A_110 = arith.muli %scan3A_29, %mul3A_109 : i32
      %add3A_111 = arith.constant 8 : i32
      %add3A_112 = arith.addi %mul3A_110, %add3A_111 : i32
      %dma_start3A_113 = arith.constant 0 : i32
      %dma_start3A_114 = tpu.memref_slice %arg7[%add3A_112, %dma_start3A_113] : memref<80x125xi32, #tpu.memory_space<vmem>> -> memref<1x125xi32, #tpu.memory_space<vmem>>
      %dma_start3A_115 = tpu.memref_squeeze %dma_start3A_114 : memref<1x125xi32, #tpu.memory_space<vmem>> -> memref<125xi32, #tpu.memory_space<vmem>>
      %dma_start3A_116 = arith.constant 0 : i32
      %dma_start3A_117 = arith.constant 0 : i32
      %dma_start3A_118 = tpu.memref_slice %arg10[%dma_start3A_116, %dma_start3A_117] : memref<10000x128xf32, #tpu.memory_space<vmem_shared>> -> memref<10000x128xf32, #tpu.memory_space<vmem_shared>>
      tpu.enqueue_indirect_dma source(%arg9 : memref<125x128xf32, #tpu.memory_space<vmem>>) target(%dma_start3A_118 : memref<10000x128xf32, #tpu.memory_space<vmem_shared>>) offsets(%dma_start3A_115 : memref<125xi32, #tpu.memory_space<vmem>>) semaphore(%arg11 : memref<!tpu.dma_semaphore, #tpu.memory_space<semaphore_mem>>) {add = true}
      %mul3A_119 = arith.constant 10 : i32
      %mul3A_120 = arith.muli %scan3A_29, %mul3A_119 : i32
      %add3A_121 = arith.constant 9 : i32
      %add3A_122 = arith.addi %mul3A_120, %add3A_121 : i32
      %dma_start3A_123 = arith.constant 0 : i32
      %dma_start3A_124 = tpu.memref_slice %arg7[%add3A_122, %dma_start3A_123] : memref<80x125xi32, #tpu.memory_space<vmem>> -> memref<1x125xi32, #tpu.memory_space<vmem>>
      %dma_start3A_125 = tpu.memref_squeeze %dma_start3A_124 : memref<1x125xi32, #tpu.memory_space<vmem>> -> memref<125xi32, #tpu.memory_space<vmem>>
      %dma_start3A_126 = arith.constant 0 : i32
      %dma_start3A_127 = arith.constant 0 : i32
      %dma_start3A_128 = tpu.memref_slice %arg10[%dma_start3A_126, %dma_start3A_127] : memref<10000x128xf32, #tpu.memory_space<vmem_shared>> -> memref<10000x128xf32, #tpu.memory_space<vmem_shared>>
      tpu.enqueue_indirect_dma source(%arg9 : memref<125x128xf32, #tpu.memory_space<vmem>>) target(%dma_start3A_128 : memref<10000x128xf32, #tpu.memory_space<vmem_shared>>) offsets(%dma_start3A_125 : memref<125xi32, #tpu.memory_space<vmem>>) semaphore(%arg11 : memref<!tpu.dma_semaphore, #tpu.memory_space<semaphore_mem>>) {add = true}
      %mul3A_129 = arith.constant 10 : i32
      %mul3A_130 = arith.muli %scan3A_29, %mul3A_129 : i32
      %add3A_131 = arith.constant 0 : i32
      %add3A_132 = arith.addi %mul3A_130, %add3A_131 : i32
      %dma_wait3A = arith.constant 0 : i32
      %dma_wait3A_133 = tpu.memref_slice %arg7[%add3A_132, %dma_wait3A] : memref<80x125xi32, #tpu.memory_space<vmem>> -> memref<1x125xi32, #tpu.memory_space<vmem>>
      %dma_wait3A_134 = tpu.memref_squeeze %dma_wait3A_133 : memref<1x125xi32, #tpu.memory_space<vmem>> -> memref<125xi32, #tpu.memory_space<vmem>>
      %dma_wait3A_135 = arith.constant 0 : i32
      %dma_wait3A_136 = arith.constant 0 : i32
      %dma_wait3A_137 = tpu.memref_slice %arg10[%dma_wait3A_135, %dma_wait3A_136] : memref<10000x128xf32, #tpu.memory_space<vmem_shared>> -> memref<10000x128xf32, #tpu.memory_space<vmem_shared>>
      tpu.wait_indirect_dma semaphore(%arg11 : memref<!tpu.dma_semaphore, #tpu.memory_space<semaphore_mem>>) src(%arg9 : memref<125x128xf32, #tpu.memory_space<vmem>>) dst(%dma_wait3A_137 : memref<10000x128xf32, #tpu.memory_space<vmem_shared>>)
      %mul3A_138 = arith.constant 10 : i32
      %mul3A_139 = arith.muli %scan3A_29, %mul3A_138 : i32
      %add3A_140 = arith.constant 1 : i32
      %add3A_141 = arith.addi %mul3A_139, %add3A_140 : i32
      %dma_wait3A_142 = arith.constant 0 : i32
      %dma_wait3A_143 = tpu.memref_slice %arg7[%add3A_141, %dma_wait3A_142] : memref<80x125xi32, #tpu.memory_space<vmem>> -> memref<1x125xi32, #tpu.memory_space<vmem>>
      %dma_wait3A_144 = tpu.memref_squeeze %dma_wait3A_143 : memref<1x125xi32, #tpu.memory_space<vmem>> -> memref<125xi32, #tpu.memory_space<vmem>>
      %dma_wait3A_145 = arith.constant 0 : i32
      %dma_wait3A_146 = arith.constant 0 : i32
      %dma_wait3A_147 = tpu.memref_slice %arg10[%dma_wait3A_145, %dma_wait3A_146] : memref<10000x128xf32, #tpu.memory_space<vmem_shared>> -> memref<10000x128xf32, #tpu.memory_space<vmem_shared>>
      tpu.wait_indirect_dma semaphore(%arg11 : memref<!tpu.dma_semaphore, #tpu.memory_space<semaphore_mem>>) src(%arg9 : memref<125x128xf32, #tpu.memory_space<vmem>>) dst(%dma_wait3A_147 : memref<10000x128xf32, #tpu.memory_space<vmem_shared>>)
      %mul3A_148 = arith.constant 10 : i32
      %mul3A_149 = arith.muli %scan3A_29, %mul3A_148 : i32
      %add3A_150 = arith.constant 2 : i32
      %add3A_151 = arith.addi %mul3A_149, %add3A_150 : i32
      %dma_wait3A_152 = arith.constant 0 : i32
      %dma_wait3A_153 = tpu.memref_slice %arg7[%add3A_151, %dma_wait3A_152] : memref<80x125xi32, #tpu.memory_space<vmem>> -> memref<1x125xi32, #tpu.memory_space<vmem>>
      %dma_wait3A_154 = tpu.memref_squeeze %dma_wait3A_153 : memref<1x125xi32, #tpu.memory_space<vmem>> -> memref<125xi32, #tpu.memory_space<vmem>>
      %dma_wait3A_155 = arith.constant 0 : i32
      %dma_wait3A_156 = arith.constant 0 : i32
      %dma_wait3A_157 = tpu.memref_slice %arg10[%dma_wait3A_155, %dma_wait3A_156] : memref<10000x128xf32, #tpu.memory_space<vmem_shared>> -> memref<10000x128xf32, #tpu.memory_space<vmem_shared>>
      tpu.wait_indirect_dma semaphore(%arg11 : memref<!tpu.dma_semaphore, #tpu.memory_space<semaphore_mem>>) src(%arg9 : memref<125x128xf32, #tpu.memory_space<vmem>>) dst(%dma_wait3A_157 : memref<10000x128xf32, #tpu.memory_space<vmem_shared>>)
      %mul3A_158 = arith.constant 10 : i32
      %mul3A_159 = arith.muli %scan3A_29, %mul3A_158 : i32
      %add3A_160 = arith.constant 3 : i32
      %add3A_161 = arith.addi %mul3A_159, %add3A_160 : i32
      %dma_wait3A_162 = arith.constant 0 : i32
      %dma_wait3A_163 = tpu.memref_slice %arg7[%add3A_161, %dma_wait3A_162] : memref<80x125xi32, #tpu.memory_space<vmem>> -> memref<1x125xi32, #tpu.memory_space<vmem>>
      %dma_wait3A_164 = tpu.memref_squeeze %dma_wait3A_163 : memref<1x125xi32, #tpu.memory_space<vmem>> -> memref<125xi32, #tpu.memory_space<vmem>>
      %dma_wait3A_165 = arith.constant 0 : i32
      %dma_wait3A_166 = arith.constant 0 : i32
      %dma_wait3A_167 = tpu.memref_slice %arg10[%dma_wait3A_165, %dma_wait3A_166] : memref<10000x128xf32, #tpu.memory_space<vmem_shared>> -> memref<10000x128xf32, #tpu.memory_space<vmem_shared>>
      tpu.wait_indirect_dma semaphore(%arg11 : memref<!tpu.dma_semaphore, #tpu.memory_space<semaphore_mem>>) src(%arg9 : memref<125x128xf32, #tpu.memory_space<vmem>>) dst(%dma_wait3A_167 : memref<10000x128xf32, #tpu.memory_space<vmem_shared>>)
      %mul3A_168 = arith.constant 10 : i32
      %mul3A_169 = arith.muli %scan3A_29, %mul3A_168 : i32
      %add3A_170 = arith.constant 4 : i32
      %add3A_171 = arith.addi %mul3A_169, %add3A_170 : i32
      %dma_wait3A_172 = arith.constant 0 : i32
      %dma_wait3A_173 = tpu.memref_slice %arg7[%add3A_171, %dma_wait3A_172] : memref<80x125xi32, #tpu.memory_space<vmem>> -> memref<1x125xi32, #tpu.memory_space<vmem>>
      %dma_wait3A_174 = tpu.memref_squeeze %dma_wait3A_173 : memref<1x125xi32, #tpu.memory_space<vmem>> -> memref<125xi32, #tpu.memory_space<vmem>>
      %dma_wait3A_175 = arith.constant 0 : i32
      %dma_wait3A_176 = arith.constant 0 : i32
      %dma_wait3A_177 = tpu.memref_slice %arg10[%dma_wait3A_175, %dma_wait3A_176] : memref<10000x128xf32, #tpu.memory_space<vmem_shared>> -> memref<10000x128xf32, #tpu.memory_space<vmem_shared>>
      tpu.wait_indirect_dma semaphore(%arg11 : memref<!tpu.dma_semaphore, #tpu.memory_space<semaphore_mem>>) src(%arg9 : memref<125x128xf32, #tpu.memory_space<vmem>>) dst(%dma_wait3A_177 : memref<10000x128xf32, #tpu.memory_space<vmem_shared>>)
      %mul3A_178 = arith.constant 10 : i32
      %mul3A_179 = arith.muli %scan3A_29, %mul3A_178 : i32
      %add3A_180 = arith.constant 5 : i32
      %add3A_181 = arith.addi %mul3A_179, %add3A_180 : i32
      %dma_wait3A_182 = arith.constant 0 : i32
      %dma_wait3A_183 = tpu.memref_slice %arg7[%add3A_181, %dma_wait3A_182] : memref<80x125xi32, #tpu.memory_space<vmem>> -> memref<1x125xi32, #tpu.memory_space<vmem>>
      %dma_wait3A_184 = tpu.memref_squeeze %dma_wait3A_183 : memref<1x125xi32, #tpu.memory_space<vmem>> -> memref<125xi32, #tpu.memory_space<vmem>>
      %dma_wait3A_185 = arith.constant 0 : i32
      %dma_wait3A_186 = arith.constant 0 : i32
      %dma_wait3A_187 = tpu.memref_slice %arg10[%dma_wait3A_185, %dma_wait3A_186] : memref<10000x128xf32, #tpu.memory_space<vmem_shared>> -> memref<10000x128xf32, #tpu.memory_space<vmem_shared>>
      tpu.wait_indirect_dma semaphore(%arg11 : memref<!tpu.dma_semaphore, #tpu.memory_space<semaphore_mem>>) src(%arg9 : memref<125x128xf32, #tpu.memory_space<vmem>>) dst(%dma_wait3A_187 : memref<10000x128xf32, #tpu.memory_space<vmem_shared>>)
      %mul3A_188 = arith.constant 10 : i32
      %mul3A_189 = arith.muli %scan3A_29, %mul3A_188 : i32
      %add3A_190 = arith.constant 6 : i32
      %add3A_191 = arith.addi %mul3A_189, %add3A_190 : i32
      %dma_wait3A_192 = arith.constant 0 : i32
      %dma_wait3A_193 = tpu.memref_slice %arg7[%add3A_191, %dma_wait3A_192] : memref<80x125xi32, #tpu.memory_space<vmem>> -> memref<1x125xi32, #tpu.memory_space<vmem>>
      %dma_wait3A_194 = tpu.memref_squeeze %dma_wait3A_193 : memref<1x125xi32, #tpu.memory_space<vmem>> -> memref<125xi32, #tpu.memory_space<vmem>>
      %dma_wait3A_195 = arith.constant 0 : i32
      %dma_wait3A_196 = arith.constant 0 : i32
      %dma_wait3A_197 = tpu.memref_slice %arg10[%dma_wait3A_195, %dma_wait3A_196] : memref<10000x128xf32, #tpu.memory_space<vmem_shared>> -> memref<10000x128xf32, #tpu.memory_space<vmem_shared>>
      tpu.wait_indirect_dma semaphore(%arg11 : memref<!tpu.dma_semaphore, #tpu.memory_space<semaphore_mem>>) src(%arg9 : memref<125x128xf32, #tpu.memory_space<vmem>>) dst(%dma_wait3A_197 : memref<10000x128xf32, #tpu.memory_space<vmem_shared>>)
      %mul3A_198 = arith.constant 10 : i32
      %mul3A_199 = arith.muli %scan3A_29, %mul3A_198 : i32
      %add3A_200 = arith.constant 7 : i32
      %add3A_201 = arith.addi %mul3A_199, %add3A_200 : i32
      %dma_wait3A_202 = arith.constant 0 : i32
      %dma_wait3A_203 = tpu.memref_slice %arg7[%add3A_201, %dma_wait3A_202] : memref<80x125xi32, #tpu.memory_space<vmem>> -> memref<1x125xi32, #tpu.memory_space<vmem>>
      %dma_wait3A_204 = tpu.memref_squeeze %dma_wait3A_203 : memref<1x125xi32, #tpu.memory_space<vmem>> -> memref<125xi32, #tpu.memory_space<vmem>>
      %dma_wait3A_205 = arith.constant 0 : i32
      %dma_wait3A_206 = arith.constant 0 : i32
      %dma_wait3A_207 = tpu.memref_slice %arg10[%dma_wait3A_205, %dma_wait3A_206] : memref<10000x128xf32, #tpu.memory_space<vmem_shared>> -> memref<10000x128xf32, #tpu.memory_space<vmem_shared>>
      tpu.wait_indirect_dma semaphore(%arg11 : memref<!tpu.dma_semaphore, #tpu.memory_space<semaphore_mem>>) src(%arg9 : memref<125x128xf32, #tpu.memory_space<vmem>>) dst(%dma_wait3A_207 : memref<10000x128xf32, #tpu.memory_space<vmem_shared>>)
      %mul3A_208 = arith.constant 10 : i32
      %mul3A_209 = arith.muli %scan3A_29, %mul3A_208 : i32
      %add3A_210 = arith.constant 8 : i32
      %add3A_211 = arith.addi %mul3A_209, %add3A_210 : i32
      %dma_wait3A_212 = arith.constant 0 : i32
      %dma_wait3A_213 = tpu.memref_slice %arg7[%add3A_211, %dma_wait3A_212] : memref<80x125xi32, #tpu.memory_space<vmem>> -> memref<1x125xi32, #tpu.memory_space<vmem>>
      %dma_wait3A_214 = tpu.memref_squeeze %dma_wait3A_213 : memref<1x125xi32, #tpu.memory_space<vmem>> -> memref<125xi32, #tpu.memory_space<vmem>>
      %dma_wait3A_215 = arith.constant 0 : i32
      %dma_wait3A_216 = arith.constant 0 : i32
      %dma_wait3A_217 = tpu.memref_slice %arg10[%dma_wait3A_215, %dma_wait3A_216] : memref<10000x128xf32, #tpu.memory_space<vmem_shared>> -> memref<10000x128xf32, #tpu.memory_space<vmem_shared>>
      tpu.wait_indirect_dma semaphore(%arg11 : memref<!tpu.dma_semaphore, #tpu.memory_space<semaphore_mem>>) src(%arg9 : memref<125x128xf32, #tpu.memory_space<vmem>>) dst(%dma_wait3A_217 : memref<10000x128xf32, #tpu.memory_space<vmem_shared>>)
      %mul3A_218 = arith.constant 10 : i32
      %mul3A_219 = arith.muli %scan3A_29, %mul3A_218 : i32
      %add3A_220 = arith.constant 9 : i32
      %add3A_221 = arith.addi %mul3A_219, %add3A_220 : i32
      %dma_wait3A_222 = arith.constant 0 : i32
      %dma_wait3A_223 = tpu.memref_slice %arg7[%add3A_221, %dma_wait3A_222] : memref<80x125xi32, #tpu.memory_space<vmem>> -> memref<1x125xi32, #tpu.memory_space<vmem>>
      %dma_wait3A_224 = tpu.memref_squeeze %dma_wait3A_223 : memref<1x125xi32, #tpu.memory_space<vmem>> -> memref<125xi32, #tpu.memory_space<vmem>>
      %dma_wait3A_225 = arith.constant 0 : i32
      %dma_wait3A_226 = arith.constant 0 : i32
      %dma_wait3A_227 = tpu.memref_slice %arg10[%dma_wait3A_225, %dma_wait3A_226] : memref<10000x128xf32, #tpu.memory_space<vmem_shared>> -> memref<10000x128xf32, #tpu.memory_space<vmem_shared>>
      tpu.wait_indirect_dma semaphore(%arg11 : memref<!tpu.dma_semaphore, #tpu.memory_space<semaphore_mem>>) src(%arg9 : memref<125x128xf32, #tpu.memory_space<vmem>>) dst(%dma_wait3A_227 : memref<10000x128xf32, #tpu.memory_space<vmem_shared>>)
    }
    %scan3A_11 = arith.constant 8 : i32
    %run_scoped3A_12 = arith.constant 1 : i32
    "tpu.region"() ({
      %run_scoped3A_29 = tpu.sem_alloc : memref<!tpu.dma_semaphore, #tpu.memory_space<semaphore_mem>>
      %dma_start3A = arith.constant 0 : i32
      %dma_start3A_30 = arith.constant 0 : i32
      %dma_start3A_31 = tpu.memref_slice %arg4[%run_scoped3A_12, %dma_start3A, %dma_start3A_30] : memref<2x125x128xf32, #tpu.memory_space<hbm>> -> memref<1x125x128xf32, #tpu.memory_space<hbm>>
      %dma_start3A_32 = tpu.memref_squeeze %dma_start3A_31 : memref<1x125x128xf32, #tpu.memory_space<hbm>> -> memref<125x128xf32, #tpu.memory_space<hbm>>
      %dma_start3A_33 = arith.constant 0 : i32
      %dma_start3A_34 = arith.constant 0 : i32
      %dma_start3A_35 = tpu.memref_slice %arg4[%run_scoped3A_12, %dma_start3A_33, %dma_start3A_34] : memref<2x125x128xf32, #tpu.memory_space<hbm>> -> memref<1x125x128xf32, #tpu.memory_space<hbm>>
      %dma_start3A_36 = tpu.memref_squeeze %dma_start3A_35 : memref<1x125x128xf32, #tpu.memory_space<hbm>> -> memref<125x128xf32, #tpu.memory_space<hbm>>
      tpu.enqueue_dma source(%dma_start3A_36 : memref<125x128xf32, #tpu.memory_space<hbm>>) target(%arg9 : memref<125x128xf32, #tpu.memory_space<vmem>>) target_semaphore(%run_scoped3A_29 : memref<!tpu.dma_semaphore, #tpu.memory_space<semaphore_mem>>)
      %dma_wait3A = arith.constant 0 : i32
      %dma_wait3A_37 = arith.constant 0 : i32
      %dma_wait3A_38 = tpu.memref_slice %arg4[%run_scoped3A_12, %dma_wait3A, %dma_wait3A_37] : memref<2x125x128xf32, #tpu.memory_space<hbm>> -> memref<1x125x128xf32, #tpu.memory_space<hbm>>
      %dma_wait3A_39 = tpu.memref_squeeze %dma_wait3A_38 : memref<1x125x128xf32, #tpu.memory_space<hbm>> -> memref<125x128xf32, #tpu.memory_space<hbm>>
      %dma_wait3A_40 = arith.constant 0 : i32
      %dma_wait3A_41 = arith.constant 0 : i32
      %dma_wait3A_42 = tpu.memref_slice %arg4[%run_scoped3A_12, %dma_wait3A_40, %dma_wait3A_41] : memref<2x125x128xf32, #tpu.memory_space<hbm>> -> memref<1x125x128xf32, #tpu.memory_space<hbm>>
      %dma_wait3A_43 = tpu.memref_squeeze %dma_wait3A_42 : memref<1x125x128xf32, #tpu.memory_space<hbm>> -> memref<125x128xf32, #tpu.memory_space<hbm>>
      tpu.wait_dma2 semaphore(%run_scoped3A_29 : memref<!tpu.dma_semaphore, #tpu.memory_space<semaphore_mem>>) src(%dma_wait3A_43 : memref<125x128xf32, #tpu.memory_space<hbm>>) dst(%arg9 : memref<125x128xf32, #tpu.memory_space<vmem>>)
      tpu.yield
    }) : () -> ()
    %scan3A_13 = arith.constant 0 : i32
    %scan3A_14 = arith.constant 0 : i32
    %scan3A_15 = arith.constant 8 : i32
    %scan3A_16 = arith.addi %scan3A_14, %scan3A_15 : i32
    %scan3A_17 = arith.constant 1 : i32
    scf.for %scan3A_29 = %scan3A_14 to %scan3A_16 step %scan3A_17  : i32 {
      %mul3A_30 = arith.constant 10 : i32
      %mul3A_31 = arith.muli %scan3A_29, %mul3A_30 : i32
      %add3A_32 = arith.constant 0 : i32
      %add3A_33 = arith.addi %mul3A_31, %add3A_32 : i32
      %dma_start3A = arith.constant 0 : i32
      %dma_start3A_34 = tpu.memref_slice %arg8[%add3A_33, %dma_start3A] : memref<80x125xi32, #tpu.memory_space<vmem>> -> memref<1x125xi32, #tpu.memory_space<vmem>>
      %dma_start3A_35 = tpu.memref_squeeze %dma_start3A_34 : memref<1x125xi32, #tpu.memory_space<vmem>> -> memref<125xi32, #tpu.memory_space<vmem>>
      %dma_start3A_36 = arith.constant 0 : i32
      %dma_start3A_37 = arith.constant 0 : i32
      %dma_start3A_38 = tpu.memref_slice %arg10[%dma_start3A_36, %dma_start3A_37] : memref<10000x128xf32, #tpu.memory_space<vmem_shared>> -> memref<10000x128xf32, #tpu.memory_space<vmem_shared>>
      tpu.enqueue_indirect_dma source(%arg9 : memref<125x128xf32, #tpu.memory_space<vmem>>) target(%dma_start3A_38 : memref<10000x128xf32, #tpu.memory_space<vmem_shared>>) offsets(%dma_start3A_35 : memref<125xi32, #tpu.memory_space<vmem>>) semaphore(%arg11 : memref<!tpu.dma_semaphore, #tpu.memory_space<semaphore_mem>>) {add = true}
      %mul3A_39 = arith.constant 10 : i32
      %mul3A_40 = arith.muli %scan3A_29, %mul3A_39 : i32
      %add3A_41 = arith.constant 1 : i32
      %add3A_42 = arith.addi %mul3A_40, %add3A_41 : i32
      %dma_start3A_43 = arith.constant 0 : i32
      %dma_start3A_44 = tpu.memref_slice %arg8[%add3A_42, %dma_start3A_43] : memref<80x125xi32, #tpu.memory_space<vmem>> -> memref<1x125xi32, #tpu.memory_space<vmem>>
      %dma_start3A_45 = tpu.memref_squeeze %dma_start3A_44 : memref<1x125xi32, #tpu.memory_space<vmem>> -> memref<125xi32, #tpu.memory_space<vmem>>
      %dma_start3A_46 = arith.constant 0 : i32
      %dma_start3A_47 = arith.constant 0 : i32
      %dma_start3A_48 = tpu.memref_slice %arg10[%dma_start3A_46, %dma_start3A_47] : memref<10000x128xf32, #tpu.memory_space<vmem_shared>> -> memref<10000x128xf32, #tpu.memory_space<vmem_shared>>
      tpu.enqueue_indirect_dma source(%arg9 : memref<125x128xf32, #tpu.memory_space<vmem>>) target(%dma_start3A_48 : memref<10000x128xf32, #tpu.memory_space<vmem_shared>>) offsets(%dma_start3A_45 : memref<125xi32, #tpu.memory_space<vmem>>) semaphore(%arg11 : memref<!tpu.dma_semaphore, #tpu.memory_space<semaphore_mem>>) {add = true}
      %mul3A_49 = arith.constant 10 : i32
      %mul3A_50 = arith.muli %scan3A_29, %mul3A_49 : i32
      %add3A_51 = arith.constant 2 : i32
      %add3A_52 = arith.addi %mul3A_50, %add3A_51 : i32
      %dma_start3A_53 = arith.constant 0 : i32
      %dma_start3A_54 = tpu.memref_slice %arg8[%add3A_52, %dma_start3A_53] : memref<80x125xi32, #tpu.memory_space<vmem>> -> memref<1x125xi32, #tpu.memory_space<vmem>>
      %dma_start3A_55 = tpu.memref_squeeze %dma_start3A_54 : memref<1x125xi32, #tpu.memory_space<vmem>> -> memref<125xi32, #tpu.memory_space<vmem>>
      %dma_start3A_56 = arith.constant 0 : i32
      %dma_start3A_57 = arith.constant 0 : i32
      %dma_start3A_58 = tpu.memref_slice %arg10[%dma_start3A_56, %dma_start3A_57] : memref<10000x128xf32, #tpu.memory_space<vmem_shared>> -> memref<10000x128xf32, #tpu.memory_space<vmem_shared>>
      tpu.enqueue_indirect_dma source(%arg9 : memref<125x128xf32, #tpu.memory_space<vmem>>) target(%dma_start3A_58 : memref<10000x128xf32, #tpu.memory_space<vmem_shared>>) offsets(%dma_start3A_55 : memref<125xi32, #tpu.memory_space<vmem>>) semaphore(%arg11 : memref<!tpu.dma_semaphore, #tpu.memory_space<semaphore_mem>>) {add = true}
      %mul3A_59 = arith.constant 10 : i32
      %mul3A_60 = arith.muli %scan3A_29, %mul3A_59 : i32
      %add3A_61 = arith.constant 3 : i32
      %add3A_62 = arith.addi %mul3A_60, %add3A_61 : i32
      %dma_start3A_63 = arith.constant 0 : i32
      %dma_start3A_64 = tpu.memref_slice %arg8[%add3A_62, %dma_start3A_63] : memref<80x125xi32, #tpu.memory_space<vmem>> -> memref<1x125xi32, #tpu.memory_space<vmem>>
      %dma_start3A_65 = tpu.memref_squeeze %dma_start3A_64 : memref<1x125xi32, #tpu.memory_space<vmem>> -> memref<125xi32, #tpu.memory_space<vmem>>
      %dma_start3A_66 = arith.constant 0 : i32
      %dma_start3A_67 = arith.constant 0 : i32
      %dma_start3A_68 = tpu.memref_slice %arg10[%dma_start3A_66, %dma_start3A_67] : memref<10000x128xf32, #tpu.memory_space<vmem_shared>> -> memref<10000x128xf32, #tpu.memory_space<vmem_shared>>
      tpu.enqueue_indirect_dma source(%arg9 : memref<125x128xf32, #tpu.memory_space<vmem>>) target(%dma_start3A_68 : memref<10000x128xf32, #tpu.memory_space<vmem_shared>>) offsets(%dma_start3A_65 : memref<125xi32, #tpu.memory_space<vmem>>) semaphore(%arg11 : memref<!tpu.dma_semaphore, #tpu.memory_space<semaphore_mem>>) {add = true}
      %mul3A_69 = arith.constant 10 : i32
      %mul3A_70 = arith.muli %scan3A_29, %mul3A_69 : i32
      %add3A_71 = arith.constant 4 : i32
      %add3A_72 = arith.addi %mul3A_70, %add3A_71 : i32
      %dma_start3A_73 = arith.constant 0 : i32
      %dma_start3A_74 = tpu.memref_slice %arg8[%add3A_72, %dma_start3A_73] : memref<80x125xi32, #tpu.memory_space<vmem>> -> memref<1x125xi32, #tpu.memory_space<vmem>>
      %dma_start3A_75 = tpu.memref_squeeze %dma_start3A_74 : memref<1x125xi32, #tpu.memory_space<vmem>> -> memref<125xi32, #tpu.memory_space<vmem>>
      %dma_start3A_76 = arith.constant 0 : i32
      %dma_start3A_77 = arith.constant 0 : i32
      %dma_start3A_78 = tpu.memref_slice %arg10[%dma_start3A_76, %dma_start3A_77] : memref<10000x128xf32, #tpu.memory_space<vmem_shared>> -> memref<10000x128xf32, #tpu.memory_space<vmem_shared>>
      tpu.enqueue_indirect_dma source(%arg9 : memref<125x128xf32, #tpu.memory_space<vmem>>) target(%dma_start3A_78 : memref<10000x128xf32, #tpu.memory_space<vmem_shared>>) offsets(%dma_start3A_75 : memref<125xi32, #tpu.memory_space<vmem>>) semaphore(%arg11 : memref<!tpu.dma_semaphore, #tpu.memory_space<semaphore_mem>>) {add = true}
      %mul3A_79 = arith.constant 10 : i32
      %mul3A_80 = arith.muli %scan3A_29, %mul3A_79 : i32
      %add3A_81 = arith.constant 5 : i32
      %add3A_82 = arith.addi %mul3A_80, %add3A_81 : i32
      %dma_start3A_83 = arith.constant 0 : i32
      %dma_start3A_84 = tpu.memref_slice %arg8[%add3A_82, %dma_start3A_83] : memref<80x125xi32, #tpu.memory_space<vmem>> -> memref<1x125xi32, #tpu.memory_space<vmem>>
      %dma_start3A_85 = tpu.memref_squeeze %dma_start3A_84 : memref<1x125xi32, #tpu.memory_space<vmem>> -> memref<125xi32, #tpu.memory_space<vmem>>
      %dma_start3A_86 = arith.constant 0 : i32
      %dma_start3A_87 = arith.constant 0 : i32
      %dma_start3A_88 = tpu.memref_slice %arg10[%dma_start3A_86, %dma_start3A_87] : memref<10000x128xf32, #tpu.memory_space<vmem_shared>> -> memref<10000x128xf32, #tpu.memory_space<vmem_shared>>
      tpu.enqueue_indirect_dma source(%arg9 : memref<125x128xf32, #tpu.memory_space<vmem>>) target(%dma_start3A_88 : memref<10000x128xf32, #tpu.memory_space<vmem_shared>>) offsets(%dma_start3A_85 : memref<125xi32, #tpu.memory_space<vmem>>) semaphore(%arg11 : memref<!tpu.dma_semaphore, #tpu.memory_space<semaphore_mem>>) {add = true}
      %mul3A_89 = arith.constant 10 : i32
      %mul3A_90 = arith.muli %scan3A_29, %mul3A_89 : i32
      %add3A_91 = arith.constant 6 : i32
      %add3A_92 = arith.addi %mul3A_90, %add3A_91 : i32
      %dma_start3A_93 = arith.constant 0 : i32
      %dma_start3A_94 = tpu.memref_slice %arg8[%add3A_92, %dma_start3A_93] : memref<80x125xi32, #tpu.memory_space<vmem>> -> memref<1x125xi32, #tpu.memory_space<vmem>>
      %dma_start3A_95 = tpu.memref_squeeze %dma_start3A_94 : memref<1x125xi32, #tpu.memory_space<vmem>> -> memref<125xi32, #tpu.memory_space<vmem>>
      %dma_start3A_96 = arith.constant 0 : i32
      %dma_start3A_97 = arith.constant 0 : i32
      %dma_start3A_98 = tpu.memref_slice %arg10[%dma_start3A_96, %dma_start3A_97] : memref<10000x128xf32, #tpu.memory_space<vmem_shared>> -> memref<10000x128xf32, #tpu.memory_space<vmem_shared>>
      tpu.enqueue_indirect_dma source(%arg9 : memref<125x128xf32, #tpu.memory_space<vmem>>) target(%dma_start3A_98 : memref<10000x128xf32, #tpu.memory_space<vmem_shared>>) offsets(%dma_start3A_95 : memref<125xi32, #tpu.memory_space<vmem>>) semaphore(%arg11 : memref<!tpu.dma_semaphore, #tpu.memory_space<semaphore_mem>>) {add = true}
      %mul3A_99 = arith.constant 10 : i32
      %mul3A_100 = arith.muli %scan3A_29, %mul3A_99 : i32
      %add3A_101 = arith.constant 7 : i32
      %add3A_102 = arith.addi %mul3A_100, %add3A_101 : i32
      %dma_start3A_103 = arith.constant 0 : i32
      %dma_start3A_104 = tpu.memref_slice %arg8[%add3A_102, %dma_start3A_103] : memref<80x125xi32, #tpu.memory_space<vmem>> -> memref<1x125xi32, #tpu.memory_space<vmem>>
      %dma_start3A_105 = tpu.memref_squeeze %dma_start3A_104 : memref<1x125xi32, #tpu.memory_space<vmem>> -> memref<125xi32, #tpu.memory_space<vmem>>
      %dma_start3A_106 = arith.constant 0 : i32
      %dma_start3A_107 = arith.constant 0 : i32
      %dma_start3A_108 = tpu.memref_slice %arg10[%dma_start3A_106, %dma_start3A_107] : memref<10000x128xf32, #tpu.memory_space<vmem_shared>> -> memref<10000x128xf32, #tpu.memory_space<vmem_shared>>
      tpu.enqueue_indirect_dma source(%arg9 : memref<125x128xf32, #tpu.memory_space<vmem>>) target(%dma_start3A_108 : memref<10000x128xf32, #tpu.memory_space<vmem_shared>>) offsets(%dma_start3A_105 : memref<125xi32, #tpu.memory_space<vmem>>) semaphore(%arg11 : memref<!tpu.dma_semaphore, #tpu.memory_space<semaphore_mem>>) {add = true}
      %mul3A_109 = arith.constant 10 : i32
      %mul3A_110 = arith.muli %scan3A_29, %mul3A_109 : i32
      %add3A_111 = arith.constant 8 : i32
      %add3A_112 = arith.addi %mul3A_110, %add3A_111 : i32
      %dma_start3A_113 = arith.constant 0 : i32
      %dma_start3A_114 = tpu.memref_slice %arg8[%add3A_112, %dma_start3A_113] : memref<80x125xi32, #tpu.memory_space<vmem>> -> memref<1x125xi32, #tpu.memory_space<vmem>>
      %dma_start3A_115 = tpu.memref_squeeze %dma_start3A_114 : memref<1x125xi32, #tpu.memory_space<vmem>> -> memref<125xi32, #tpu.memory_space<vmem>>
      %dma_start3A_116 = arith.constant 0 : i32
      %dma_start3A_117 = arith.constant 0 : i32
      %dma_start3A_118 = tpu.memref_slice %arg10[%dma_start3A_116, %dma_start3A_117] : memref<10000x128xf32, #tpu.memory_space<vmem_shared>> -> memref<10000x128xf32, #tpu.memory_space<vmem_shared>>
      tpu.enqueue_indirect_dma source(%arg9 : memref<125x128xf32, #tpu.memory_space<vmem>>) target(%dma_start3A_118 : memref<10000x128xf32, #tpu.memory_space<vmem_shared>>) offsets(%dma_start3A_115 : memref<125xi32, #tpu.memory_space<vmem>>) semaphore(%arg11 : memref<!tpu.dma_semaphore, #tpu.memory_space<semaphore_mem>>) {add = true}
      %mul3A_119 = arith.constant 10 : i32
      %mul3A_120 = arith.muli %scan3A_29, %mul3A_119 : i32
      %add3A_121 = arith.constant 9 : i32
      %add3A_122 = arith.addi %mul3A_120, %add3A_121 : i32
      %dma_start3A_123 = arith.constant 0 : i32
      %dma_start3A_124 = tpu.memref_slice %arg8[%add3A_122, %dma_start3A_123] : memref<80x125xi32, #tpu.memory_space<vmem>> -> memref<1x125xi32, #tpu.memory_space<vmem>>
      %dma_start3A_125 = tpu.memref_squeeze %dma_start3A_124 : memref<1x125xi32, #tpu.memory_space<vmem>> -> memref<125xi32, #tpu.memory_space<vmem>>
      %dma_start3A_126 = arith.constant 0 : i32
      %dma_start3A_127 = arith.constant 0 : i32
      %dma_start3A_128 = tpu.memref_slice %arg10[%dma_start3A_126, %dma_start3A_127] : memref<10000x128xf32, #tpu.memory_space<vmem_shared>> -> memref<10000x128xf32, #tpu.memory_space<vmem_shared>>
      tpu.enqueue_indirect_dma source(%arg9 : memref<125x128xf32, #tpu.memory_space<vmem>>) target(%dma_start3A_128 : memref<10000x128xf32, #tpu.memory_space<vmem_shared>>) offsets(%dma_start3A_125 : memref<125xi32, #tpu.memory_space<vmem>>) semaphore(%arg11 : memref<!tpu.dma_semaphore, #tpu.memory_space<semaphore_mem>>) {add = true}
      %mul3A_129 = arith.constant 10 : i32
      %mul3A_130 = arith.muli %scan3A_29, %mul3A_129 : i32
      %add3A_131 = arith.constant 0 : i32
      %add3A_132 = arith.addi %mul3A_130, %add3A_131 : i32
      %dma_wait3A = arith.constant 0 : i32
      %dma_wait3A_133 = tpu.memref_slice %arg8[%add3A_132, %dma_wait3A] : memref<80x125xi32, #tpu.memory_space<vmem>> -> memref<1x125xi32, #tpu.memory_space<vmem>>
      %dma_wait3A_134 = tpu.memref_squeeze %dma_wait3A_133 : memref<1x125xi32, #tpu.memory_space<vmem>> -> memref<125xi32, #tpu.memory_space<vmem>>
      %dma_wait3A_135 = arith.constant 0 : i32
      %dma_wait3A_136 = arith.constant 0 : i32
      %dma_wait3A_137 = tpu.memref_slice %arg10[%dma_wait3A_135, %dma_wait3A_136] : memref<10000x128xf32, #tpu.memory_space<vmem_shared>> -> memref<10000x128xf32, #tpu.memory_space<vmem_shared>>
      tpu.wait_indirect_dma semaphore(%arg11 : memref<!tpu.dma_semaphore, #tpu.memory_space<semaphore_mem>>) src(%arg9 : memref<125x128xf32, #tpu.memory_space<vmem>>) dst(%dma_wait3A_137 : memref<10000x128xf32, #tpu.memory_space<vmem_shared>>)
      %mul3A_138 = arith.constant 10 : i32
      %mul3A_139 = arith.muli %scan3A_29, %mul3A_138 : i32
      %add3A_140 = arith.constant 1 : i32
      %add3A_141 = arith.addi %mul3A_139, %add3A_140 : i32
      %dma_wait3A_142 = arith.constant 0 : i32
      %dma_wait3A_143 = tpu.memref_slice %arg8[%add3A_141, %dma_wait3A_142] : memref<80x125xi32, #tpu.memory_space<vmem>> -> memref<1x125xi32, #tpu.memory_space<vmem>>
      %dma_wait3A_144 = tpu.memref_squeeze %dma_wait3A_143 : memref<1x125xi32, #tpu.memory_space<vmem>> -> memref<125xi32, #tpu.memory_space<vmem>>
      %dma_wait3A_145 = arith.constant 0 : i32
      %dma_wait3A_146 = arith.constant 0 : i32
      %dma_wait3A_147 = tpu.memref_slice %arg10[%dma_wait3A_145, %dma_wait3A_146] : memref<10000x128xf32, #tpu.memory_space<vmem_shared>> -> memref<10000x128xf32, #tpu.memory_space<vmem_shared>>
      tpu.wait_indirect_dma semaphore(%arg11 : memref<!tpu.dma_semaphore, #tpu.memory_space<semaphore_mem>>) src(%arg9 : memref<125x128xf32, #tpu.memory_space<vmem>>) dst(%dma_wait3A_147 : memref<10000x128xf32, #tpu.memory_space<vmem_shared>>)
      %mul3A_148 = arith.constant 10 : i32
      %mul3A_149 = arith.muli %scan3A_29, %mul3A_148 : i32
      %add3A_150 = arith.constant 2 : i32
      %add3A_151 = arith.addi %mul3A_149, %add3A_150 : i32
      %dma_wait3A_152 = arith.constant 0 : i32
      %dma_wait3A_153 = tpu.memref_slice %arg8[%add3A_151, %dma_wait3A_152] : memref<80x125xi32, #tpu.memory_space<vmem>> -> memref<1x125xi32, #tpu.memory_space<vmem>>
      %dma_wait3A_154 = tpu.memref_squeeze %dma_wait3A_153 : memref<1x125xi32, #tpu.memory_space<vmem>> -> memref<125xi32, #tpu.memory_space<vmem>>
      %dma_wait3A_155 = arith.constant 0 : i32
      %dma_wait3A_156 = arith.constant 0 : i32
      %dma_wait3A_157 = tpu.memref_slice %arg10[%dma_wait3A_155, %dma_wait3A_156] : memref<10000x128xf32, #tpu.memory_space<vmem_shared>> -> memref<10000x128xf32, #tpu.memory_space<vmem_shared>>
      tpu.wait_indirect_dma semaphore(%arg11 : memref<!tpu.dma_semaphore, #tpu.memory_space<semaphore_mem>>) src(%arg9 : memref<125x128xf32, #tpu.memory_space<vmem>>) dst(%dma_wait3A_157 : memref<10000x128xf32, #tpu.memory_space<vmem_shared>>)
      %mul3A_158 = arith.constant 10 : i32
      %mul3A_159 = arith.muli %scan3A_29, %mul3A_158 : i32
      %add3A_160 = arith.constant 3 : i32
      %add3A_161 = arith.addi %mul3A_159, %add3A_160 : i32
      %dma_wait3A_162 = arith.constant 0 : i32
      %dma_wait3A_163 = tpu.memref_slice %arg8[%add3A_161, %dma_wait3A_162] : memref<80x125xi32, #tpu.memory_space<vmem>> -> memref<1x125xi32, #tpu.memory_space<vmem>>
      %dma_wait3A_164 = tpu.memref_squeeze %dma_wait3A_163 : memref<1x125xi32, #tpu.memory_space<vmem>> -> memref<125xi32, #tpu.memory_space<vmem>>
      %dma_wait3A_165 = arith.constant 0 : i32
      %dma_wait3A_166 = arith.constant 0 : i32
      %dma_wait3A_167 = tpu.memref_slice %arg10[%dma_wait3A_165, %dma_wait3A_166] : memref<10000x128xf32, #tpu.memory_space<vmem_shared>> -> memref<10000x128xf32, #tpu.memory_space<vmem_shared>>
      tpu.wait_indirect_dma semaphore(%arg11 : memref<!tpu.dma_semaphore, #tpu.memory_space<semaphore_mem>>) src(%arg9 : memref<125x128xf32, #tpu.memory_space<vmem>>) dst(%dma_wait3A_167 : memref<10000x128xf32, #tpu.memory_space<vmem_shared>>)
      %mul3A_168 = arith.constant 10 : i32
      %mul3A_169 = arith.muli %scan3A_29, %mul3A_168 : i32
      %add3A_170 = arith.constant 4 : i32
      %add3A_171 = arith.addi %mul3A_169, %add3A_170 : i32
      %dma_wait3A_172 = arith.constant 0 : i32
      %dma_wait3A_173 = tpu.memref_slice %arg8[%add3A_171, %dma_wait3A_172] : memref<80x125xi32, #tpu.memory_space<vmem>> -> memref<1x125xi32, #tpu.memory_space<vmem>>
      %dma_wait3A_174 = tpu.memref_squeeze %dma_wait3A_173 : memref<1x125xi32, #tpu.memory_space<vmem>> -> memref<125xi32, #tpu.memory_space<vmem>>
      %dma_wait3A_175 = arith.constant 0 : i32
      %dma_wait3A_176 = arith.constant 0 : i32
      %dma_wait3A_177 = tpu.memref_slice %arg10[%dma_wait3A_175, %dma_wait3A_176] : memref<10000x128xf32, #tpu.memory_space<vmem_shared>> -> memref<10000x128xf32, #tpu.memory_space<vmem_shared>>
      tpu.wait_indirect_dma semaphore(%arg11 : memref<!tpu.dma_semaphore, #tpu.memory_space<semaphore_mem>>) src(%arg9 : memref<125x128xf32, #tpu.memory_space<vmem>>) dst(%dma_wait3A_177 : memref<10000x128xf32, #tpu.memory_space<vmem_shared>>)
      %mul3A_178 = arith.constant 10 : i32
      %mul3A_179 = arith.muli %scan3A_29, %mul3A_178 : i32
      %add3A_180 = arith.constant 5 : i32
      %add3A_181 = arith.addi %mul3A_179, %add3A_180 : i32
      %dma_wait3A_182 = arith.constant 0 : i32
      %dma_wait3A_183 = tpu.memref_slice %arg8[%add3A_181, %dma_wait3A_182] : memref<80x125xi32, #tpu.memory_space<vmem>> -> memref<1x125xi32, #tpu.memory_space<vmem>>
      %dma_wait3A_184 = tpu.memref_squeeze %dma_wait3A_183 : memref<1x125xi32, #tpu.memory_space<vmem>> -> memref<125xi32, #tpu.memory_space<vmem>>
      %dma_wait3A_185 = arith.constant 0 : i32
      %dma_wait3A_186 = arith.constant 0 : i32
      %dma_wait3A_187 = tpu.memref_slice %arg10[%dma_wait3A_185, %dma_wait3A_186] : memref<10000x128xf32, #tpu.memory_space<vmem_shared>> -> memref<10000x128xf32, #tpu.memory_space<vmem_shared>>
      tpu.wait_indirect_dma semaphore(%arg11 : memref<!tpu.dma_semaphore, #tpu.memory_space<semaphore_mem>>) src(%arg9 : memref<125x128xf32, #tpu.memory_space<vmem>>) dst(%dma_wait3A_187 : memref<10000x128xf32, #tpu.memory_space<vmem_shared>>)
      %mul3A_188 = arith.constant 10 : i32
      %mul3A_189 = arith.muli %scan3A_29, %mul3A_188 : i32
      %add3A_190 = arith.constant 6 : i32
      %add3A_191 = arith.addi %mul3A_189, %add3A_190 : i32
      %dma_wait3A_192 = arith.constant 0 : i32
      %dma_wait3A_193 = tpu.memref_slice %arg8[%add3A_191, %dma_wait3A_192] : memref<80x125xi32, #tpu.memory_space<vmem>> -> memref<1x125xi32, #tpu.memory_space<vmem>>
      %dma_wait3A_194 = tpu.memref_squeeze %dma_wait3A_193 : memref<1x125xi32, #tpu.memory_space<vmem>> -> memref<125xi32, #tpu.memory_space<vmem>>
      %dma_wait3A_195 = arith.constant 0 : i32
      %dma_wait3A_196 = arith.constant 0 : i32
      %dma_wait3A_197 = tpu.memref_slice %arg10[%dma_wait3A_195, %dma_wait3A_196] : memref<10000x128xf32, #tpu.memory_space<vmem_shared>> -> memref<10000x128xf32, #tpu.memory_space<vmem_shared>>
      tpu.wait_indirect_dma semaphore(%arg11 : memref<!tpu.dma_semaphore, #tpu.memory_space<semaphore_mem>>) src(%arg9 : memref<125x128xf32, #tpu.memory_space<vmem>>) dst(%dma_wait3A_197 : memref<10000x128xf32, #tpu.memory_space<vmem_shared>>)
      %mul3A_198 = arith.constant 10 : i32
      %mul3A_199 = arith.muli %scan3A_29, %mul3A_198 : i32
      %add3A_200 = arith.constant 7 : i32
      %add3A_201 = arith.addi %mul3A_199, %add3A_200 : i32
      %dma_wait3A_202 = arith.constant 0 : i32
      %dma_wait3A_203 = tpu.memref_slice %arg8[%add3A_201, %dma_wait3A_202] : memref<80x125xi32, #tpu.memory_space<vmem>> -> memref<1x125xi32, #tpu.memory_space<vmem>>
      %dma_wait3A_204 = tpu.memref_squeeze %dma_wait3A_203 : memref<1x125xi32, #tpu.memory_space<vmem>> -> memref<125xi32, #tpu.memory_space<vmem>>
      %dma_wait3A_205 = arith.constant 0 : i32
      %dma_wait3A_206 = arith.constant 0 : i32
      %dma_wait3A_207 = tpu.memref_slice %arg10[%dma_wait3A_205, %dma_wait3A_206] : memref<10000x128xf32, #tpu.memory_space<vmem_shared>> -> memref<10000x128xf32, #tpu.memory_space<vmem_shared>>
      tpu.wait_indirect_dma semaphore(%arg11 : memref<!tpu.dma_semaphore, #tpu.memory_space<semaphore_mem>>) src(%arg9 : memref<125x128xf32, #tpu.memory_space<vmem>>) dst(%dma_wait3A_207 : memref<10000x128xf32, #tpu.memory_space<vmem_shared>>)
      %mul3A_208 = arith.constant 10 : i32
      %mul3A_209 = arith.muli %scan3A_29, %mul3A_208 : i32
      %add3A_210 = arith.constant 8 : i32
      %add3A_211 = arith.addi %mul3A_209, %add3A_210 : i32
      %dma_wait3A_212 = arith.constant 0 : i32
      %dma_wait3A_213 = tpu.memref_slice %arg8[%add3A_211, %dma_wait3A_212] : memref<80x125xi32, #tpu.memory_space<vmem>> -> memref<1x125xi32, #tpu.memory_space<vmem>>
      %dma_wait3A_214 = tpu.memref_squeeze %dma_wait3A_213 : memref<1x125xi32, #tpu.memory_space<vmem>> -> memref<125xi32, #tpu.memory_space<vmem>>
      %dma_wait3A_215 = arith.constant 0 : i32
      %dma_wait3A_216 = arith.constant 0 : i32
      %dma_wait3A_217 = tpu.memref_slice %arg10[%dma_wait3A_215, %dma_wait3A_216] : memref<10000x128xf32, #tpu.memory_space<vmem_shared>> -> memref<10000x128xf32, #tpu.memory_space<vmem_shared>>
      tpu.wait_indirect_dma semaphore(%arg11 : memref<!tpu.dma_semaphore, #tpu.memory_space<semaphore_mem>>) src(%arg9 : memref<125x128xf32, #tpu.memory_space<vmem>>) dst(%dma_wait3A_217 : memref<10000x128xf32, #tpu.memory_space<vmem_shared>>)
      %mul3A_218 = arith.constant 10 : i32
      %mul3A_219 = arith.muli %scan3A_29, %mul3A_218 : i32
      %add3A_220 = arith.constant 9 : i32
      %add3A_221 = arith.addi %mul3A_219, %add3A_220 : i32
      %dma_wait3A_222 = arith.constant 0 : i32
      %dma_wait3A_223 = tpu.memref_slice %arg8[%add3A_221, %dma_wait3A_222] : memref<80x125xi32, #tpu.memory_space<vmem>> -> memref<1x125xi32, #tpu.memory_space<vmem>>
      %dma_wait3A_224 = tpu.memref_squeeze %dma_wait3A_223 : memref<1x125xi32, #tpu.memory_space<vmem>> -> memref<125xi32, #tpu.memory_space<vmem>>
      %dma_wait3A_225 = arith.constant 0 : i32
      %dma_wait3A_226 = arith.constant 0 : i32
      %dma_wait3A_227 = tpu.memref_slice %arg10[%dma_wait3A_225, %dma_wait3A_226] : memref<10000x128xf32, #tpu.memory_space<vmem_shared>> -> memref<10000x128xf32, #tpu.memory_space<vmem_shared>>
      tpu.wait_indirect_dma semaphore(%arg11 : memref<!tpu.dma_semaphore, #tpu.memory_space<semaphore_mem>>) src(%arg9 : memref<125x128xf32, #tpu.memory_space<vmem>>) dst(%dma_wait3A_227 : memref<10000x128xf32, #tpu.memory_space<vmem_shared>>)
    }
    %scan3A_18 = arith.constant 8 : i32
    %barrier3A_19 = arith.constant 0 : index
    tpu.barrier barrier_id(%barrier3A_19)
    %mul3A_20 = arith.constant 624 : i32
    %mul3A_21 = arith.muli %arg1, %mul3A_20 : i32
    %mul3A_22 = arith.constant 624 : i32
    %mul3A_23 = arith.muli %arg1, %mul3A_22 : i32
    "tpu.region"() ({
      %run_scoped3A_29 = tpu.sem_alloc : memref<!tpu.dma_semaphore, #tpu.memory_space<semaphore_mem>>
      %dma_start3A = arith.constant 0 : i32
      %dma_start3A_30 = tpu.memref_slice %arg6[%arg0, %mul3A_23, %dma_start3A] : memref<2x10000x128xf32, #tpu.memory_space<hbm>> -> memref<1x624x128xf32, #tpu.memory_space<hbm>>
      %dma_start3A_31 = tpu.memref_squeeze %dma_start3A_30 : memref<1x624x128xf32, #tpu.memory_space<hbm>> -> memref<624x128xf32, #tpu.memory_space<hbm>>
      %dma_start3A_32 = arith.constant 0 : i32
      %dma_start3A_33 = tpu.memref_slice %arg10[%mul3A_21, %dma_start3A_32] : memref<10000x128xf32, #tpu.memory_space<vmem_shared>> -> memref<624x128xf32, #tpu.memory_space<vmem_shared>>
      tpu.enqueue_dma source(%dma_start3A_33 : memref<624x128xf32, #tpu.memory_space<vmem_shared>>) target(%dma_start3A_31 : memref<624x128xf32, #tpu.memory_space<hbm>>) target_semaphore(%run_scoped3A_29 : memref<!tpu.dma_semaphore, #tpu.memory_space<semaphore_mem>>)
      %dma_wait3A = arith.constant 0 : i32
      %dma_wait3A_34 = tpu.memref_slice %arg6[%arg0, %mul3A_23, %dma_wait3A] : memref<2x10000x128xf32, #tpu.memory_space<hbm>> -> memref<1x624x128xf32, #tpu.memory_space<hbm>>
      %dma_wait3A_35 = tpu.memref_squeeze %dma_wait3A_34 : memref<1x624x128xf32, #tpu.memory_space<hbm>> -> memref<624x128xf32, #tpu.memory_space<hbm>>
      %dma_wait3A_36 = arith.constant 0 : i32
      %dma_wait3A_37 = tpu.memref_slice %arg10[%mul3A_21, %dma_wait3A_36] : memref<10000x128xf32, #tpu.memory_space<vmem_shared>> -> memref<624x128xf32, #tpu.memory_space<vmem_shared>>
      tpu.wait_dma2 semaphore(%run_scoped3A_29 : memref<!tpu.dma_semaphore, #tpu.memory_space<semaphore_mem>>) src(%dma_wait3A_37 : memref<624x128xf32, #tpu.memory_space<vmem_shared>>) dst(%dma_wait3A_35 : memref<624x128xf32, #tpu.memory_space<hbm>>)
      tpu.yield
    }) : () -> ()
    %eq3A_24 = arith.constant 15 : i32
    %eq3A_25 = arith.cmpi eq, %arg1, %eq3A_24 : i32
    %convert_element_type3A_26 = arith.extui %eq3A_25 : i1 to i32
    %cond3A_27 = arith.constant 0 : i32
    %cond3A_28 = arith.cmpi ne, %convert_element_type3A_26, %cond3A_27 : i32
    scf.if %cond3A_28 {
      "tpu.region"() ({
        %run_scoped3A_29 = tpu.sem_alloc : memref<!tpu.dma_semaphore, #tpu.memory_space<semaphore_mem>>
        %dma_start3A = arith.constant 9984 : i32
        %dma_start3A_30 = arith.constant 0 : i32
        %dma_start3A_31 = tpu.memref_slice %arg6[%arg0, %dma_start3A, %dma_start3A_30] : memref<2x10000x128xf32, #tpu.memory_space<hbm>> -> memref<1x16x128xf32, #tpu.memory_space<hbm>>
        %dma_start3A_32 = tpu.memref_squeeze %dma_start3A_31 : memref<1x16x128xf32, #tpu.memory_space<hbm>> -> memref<16x128xf32, #tpu.memory_space<hbm>>
        %dma_start3A_33 = arith.constant 9984 : i32
        %dma_start3A_34 = arith.constant 0 : i32
        %dma_start3A_35 = tpu.memref_slice %arg10[%dma_start3A_33, %dma_start3A_34] : memref<10000x128xf32, #tpu.memory_space<vmem_shared>> -> memref<16x128xf32, #tpu.memory_space<vmem_shared>>
        tpu.enqueue_dma source(%dma_start3A_35 : memref<16x128xf32, #tpu.memory_space<vmem_shared>>) target(%dma_start3A_32 : memref<16x128xf32, #tpu.memory_space<hbm>>) target_semaphore(%run_scoped3A_29 : memref<!tpu.dma_semaphore, #tpu.memory_space<semaphore_mem>>)
        %dma_wait3A = arith.constant 9984 : i32
        %dma_wait3A_36 = arith.constant 0 : i32
        %dma_wait3A_37 = tpu.memref_slice %arg6[%arg0, %dma_wait3A, %dma_wait3A_36] : memref<2x10000x128xf32, #tpu.memory_space<hbm>> -> memref<1x16x128xf32, #tpu.memory_space<hbm>>
        %dma_wait3A_38 = tpu.memref_squeeze %dma_wait3A_37 : memref<1x16x128xf32, #tpu.memory_space<hbm>> -> memref<16x128xf32, #tpu.memory_space<hbm>>
        %dma_wait3A_39 = arith.constant 9984 : i32
        %dma_wait3A_40 = arith.constant 0 : i32
        %dma_wait3A_41 = tpu.memref_slice %arg10[%dma_wait3A_39, %dma_wait3A_40] : memref<10000x128xf32, #tpu.memory_space<vmem_shared>> -> memref<16x128xf32, #tpu.memory_space<vmem_shared>>
        tpu.wait_dma2 semaphore(%run_scoped3A_29 : memref<!tpu.dma_semaphore, #tpu.memory_space<semaphore_mem>>) src(%dma_wait3A_41 : memref<16x128xf32, #tpu.memory_space<vmem_shared>>) dst(%dma_wait3A_38 : memref<16x128xf32, #tpu.memory_space<hbm>>)
        tpu.yield
      }) : () -> ()
    } else {
    }
    return
  }
}

#map = affine_map<(d0, d1) -> (0, 0)>
#map1 = affine_map<(d0, d1) -> (0, 0, 0)>
module attributes {stable_mosaic.version = 14 : i64} {
  func.func @_sc_aggregate_body(%arg0: i32, %arg1: i32, %arg2: memref<10000x128xf32, #tpu.memory_space<hbm>>, %arg3: memref<32x80x125xi32, #tpu.memory_space<hbm>>, %arg4: memref<32x80x125xi32, #tpu.memory_space<hbm>>, %arg5: memref<10000x128xf32, #tpu.memory_space<hbm>>, %arg6: memref<2x10000x128xf32, #tpu.memory_space<hbm>>, %arg7: memref<40x125xi32, #tpu.memory_space<vmem>>, %arg8: memref<40x125xi32, #tpu.memory_space<vmem>>, %arg9: memref<125x128xf32, #tpu.memory_space<vmem>>, %arg10: memref<125x128xf32, #tpu.memory_space<vmem>>, %arg11: memref<10000x128xf32, #tpu.memory_space<vmem_shared>>, %arg12: memref<!tpu.dma_semaphore, #tpu.memory_space<semaphore_mem>>, %arg13: memref<!tpu.dma_semaphore, #tpu.memory_space<semaphore_mem>>) attributes {dimension_semantics = [#tpu.dimension_semantics<core_parallel>, #tpu.dimension_semantics<subcore_parallel>], iteration_bounds = array<i64: 2, 16>, scalar_prefetch = 0 : i64, scratch_operands = 7 : i64, tpu.core_type = #tpu.core_type<sc_vector_subcore>, window_params = [{transform_indices = #map}, {transform_indices = #map1}, {transform_indices = #map1}, {transform_indices = #map}, {transform_indices = #map1}]} {
    %mul3A = arith.constant 624 : i32
    %mul3A_0 = arith.muli %arg1, %mul3A : i32
    %mul3A_1 = arith.constant 624 : i32
    %mul3A_2 = arith.muli %arg1, %mul3A_1 : i32
    "tpu.region"() ({
      %run_scoped3A = tpu.sem_alloc : memref<!tpu.dma_semaphore, #tpu.memory_space<semaphore_mem>>
      %dma_start3A_41 = arith.constant 0 : i32
      %dma_start3A_42 = tpu.memref_slice %arg11[%mul3A_2, %dma_start3A_41] : memref<10000x128xf32, #tpu.memory_space<vmem_shared>> -> memref<624x128xf32, #tpu.memory_space<vmem_shared>>
      %dma_start3A_43 = arith.constant 0 : i32
      %dma_start3A_44 = tpu.memref_slice %arg5[%mul3A_0, %dma_start3A_43] : memref<10000x128xf32, #tpu.memory_space<hbm>> -> memref<624x128xf32, #tpu.memory_space<hbm>>
      tpu.enqueue_dma source(%dma_start3A_44 : memref<624x128xf32, #tpu.memory_space<hbm>>) target(%dma_start3A_42 : memref<624x128xf32, #tpu.memory_space<vmem_shared>>) target_semaphore(%run_scoped3A : memref<!tpu.dma_semaphore, #tpu.memory_space<semaphore_mem>>)
      %dma_wait3A = arith.constant 0 : i32
      %dma_wait3A_45 = tpu.memref_slice %arg11[%mul3A_2, %dma_wait3A] : memref<10000x128xf32, #tpu.memory_space<vmem_shared>> -> memref<624x128xf32, #tpu.memory_space<vmem_shared>>
      %dma_wait3A_46 = arith.constant 0 : i32
      %dma_wait3A_47 = tpu.memref_slice %arg5[%mul3A_0, %dma_wait3A_46] : memref<10000x128xf32, #tpu.memory_space<hbm>> -> memref<624x128xf32, #tpu.memory_space<hbm>>
      tpu.wait_dma2 semaphore(%run_scoped3A : memref<!tpu.dma_semaphore, #tpu.memory_space<semaphore_mem>>) src(%dma_wait3A_47 : memref<624x128xf32, #tpu.memory_space<hbm>>) dst(%dma_wait3A_45 : memref<624x128xf32, #tpu.memory_space<vmem_shared>>)
      tpu.yield
    }) : () -> ()
    %eq3A = arith.constant 15 : i32
    %eq3A_3 = arith.cmpi eq, %arg1, %eq3A : i32
    %convert_element_type3A = arith.extui %eq3A_3 : i1 to i32
    %cond3A = arith.constant 0 : i32
    %cond3A_4 = arith.cmpi ne, %convert_element_type3A, %cond3A : i32
    scf.if %cond3A_4 {
      "tpu.region"() ({
        %run_scoped3A = tpu.sem_alloc : memref<!tpu.dma_semaphore, #tpu.memory_space<semaphore_mem>>
        %dma_start3A_41 = arith.constant 9984 : i32
        %dma_start3A_42 = arith.constant 0 : i32
        %dma_start3A_43 = tpu.memref_slice %arg11[%dma_start3A_41, %dma_start3A_42] : memref<10000x128xf32, #tpu.memory_space<vmem_shared>> -> memref<16x128xf32, #tpu.memory_space<vmem_shared>>
        %dma_start3A_44 = arith.constant 9984 : i32
        %dma_start3A_45 = arith.constant 0 : i32
        %dma_start3A_46 = tpu.memref_slice %arg5[%dma_start3A_44, %dma_start3A_45] : memref<10000x128xf32, #tpu.memory_space<hbm>> -> memref<16x128xf32, #tpu.memory_space<hbm>>
        tpu.enqueue_dma source(%dma_start3A_46 : memref<16x128xf32, #tpu.memory_space<hbm>>) target(%dma_start3A_43 : memref<16x128xf32, #tpu.memory_space<vmem_shared>>) target_semaphore(%run_scoped3A : memref<!tpu.dma_semaphore, #tpu.memory_space<semaphore_mem>>)
        %dma_wait3A = arith.constant 9984 : i32
        %dma_wait3A_47 = arith.constant 0 : i32
        %dma_wait3A_48 = tpu.memref_slice %arg11[%dma_wait3A, %dma_wait3A_47] : memref<10000x128xf32, #tpu.memory_space<vmem_shared>> -> memref<16x128xf32, #tpu.memory_space<vmem_shared>>
        %dma_wait3A_49 = arith.constant 9984 : i32
        %dma_wait3A_50 = arith.constant 0 : i32
        %dma_wait3A_51 = tpu.memref_slice %arg5[%dma_wait3A_49, %dma_wait3A_50] : memref<10000x128xf32, #tpu.memory_space<hbm>> -> memref<16x128xf32, #tpu.memory_space<hbm>>
        tpu.wait_dma2 semaphore(%run_scoped3A : memref<!tpu.dma_semaphore, #tpu.memory_space<semaphore_mem>>) src(%dma_wait3A_51 : memref<16x128xf32, #tpu.memory_space<hbm>>) dst(%dma_wait3A_48 : memref<16x128xf32, #tpu.memory_space<vmem_shared>>)
        tpu.yield
      }) : () -> ()
    } else {
    }
    %mul3A_5 = arith.constant 2 : i32
    %mul3A_6 = arith.muli %arg1, %mul3A_5 : i32
    %add3A = arith.addi %mul3A_6, %arg0 : i32
    "tpu.region"() ({
      %run_scoped3A = tpu.sem_alloc : memref<!tpu.dma_semaphore, #tpu.memory_space<semaphore_mem>>
      %dma_start3A_41 = arith.constant 0 : i32
      %dma_start3A_42 = arith.constant 0 : i32
      %dma_start3A_43 = tpu.memref_slice %arg7[%dma_start3A_41, %dma_start3A_42] : memref<40x125xi32, #tpu.memory_space<vmem>> -> memref<40x125xi32, #tpu.memory_space<vmem>>
      %dma_start3A_44 = arith.constant 0 : i32
      %dma_start3A_45 = arith.constant 0 : i32
      %dma_start3A_46 = tpu.memref_slice %arg3[%add3A, %dma_start3A_44, %dma_start3A_45] : memref<32x80x125xi32, #tpu.memory_space<hbm>> -> memref<1x40x125xi32, #tpu.memory_space<hbm>>
      %dma_start3A_47 = tpu.memref_squeeze %dma_start3A_46 : memref<1x40x125xi32, #tpu.memory_space<hbm>> -> memref<40x125xi32, #tpu.memory_space<hbm>>
      %dma_start3A_48 = arith.constant 0 : i32
      %dma_start3A_49 = arith.constant 0 : i32
      %dma_start3A_50 = tpu.memref_slice %arg7[%dma_start3A_48, %dma_start3A_49] : memref<40x125xi32, #tpu.memory_space<vmem>> -> memref<40x125xi32, #tpu.memory_space<vmem>>
      %dma_start3A_51 = arith.constant 0 : i32
      %dma_start3A_52 = arith.constant 0 : i32
      %dma_start3A_53 = tpu.memref_slice %arg3[%add3A, %dma_start3A_51, %dma_start3A_52] : memref<32x80x125xi32, #tpu.memory_space<hbm>> -> memref<1x40x125xi32, #tpu.memory_space<hbm>>
      %dma_start3A_54 = tpu.memref_squeeze %dma_start3A_53 : memref<1x40x125xi32, #tpu.memory_space<hbm>> -> memref<40x125xi32, #tpu.memory_space<hbm>>
      tpu.enqueue_dma source(%dma_start3A_54 : memref<40x125xi32, #tpu.memory_space<hbm>>) target(%dma_start3A_50 : memref<40x125xi32, #tpu.memory_space<vmem>>) target_semaphore(%run_scoped3A : memref<!tpu.dma_semaphore, #tpu.memory_space<semaphore_mem>>)
      %dma_wait3A = arith.constant 0 : i32
      %dma_wait3A_55 = arith.constant 0 : i32
      %dma_wait3A_56 = tpu.memref_slice %arg7[%dma_wait3A, %dma_wait3A_55] : memref<40x125xi32, #tpu.memory_space<vmem>> -> memref<40x125xi32, #tpu.memory_space<vmem>>
      %dma_wait3A_57 = arith.constant 0 : i32
      %dma_wait3A_58 = arith.constant 0 : i32
      %dma_wait3A_59 = tpu.memref_slice %arg3[%add3A, %dma_wait3A_57, %dma_wait3A_58] : memref<32x80x125xi32, #tpu.memory_space<hbm>> -> memref<1x40x125xi32, #tpu.memory_space<hbm>>
      %dma_wait3A_60 = tpu.memref_squeeze %dma_wait3A_59 : memref<1x40x125xi32, #tpu.memory_space<hbm>> -> memref<40x125xi32, #tpu.memory_space<hbm>>
      %dma_wait3A_61 = arith.constant 0 : i32
      %dma_wait3A_62 = arith.constant 0 : i32
      %dma_wait3A_63 = tpu.memref_slice %arg7[%dma_wait3A_61, %dma_wait3A_62] : memref<40x125xi32, #tpu.memory_space<vmem>> -> memref<40x125xi32, #tpu.memory_space<vmem>>
      %dma_wait3A_64 = arith.constant 0 : i32
      %dma_wait3A_65 = arith.constant 0 : i32
      %dma_wait3A_66 = tpu.memref_slice %arg3[%add3A, %dma_wait3A_64, %dma_wait3A_65] : memref<32x80x125xi32, #tpu.memory_space<hbm>> -> memref<1x40x125xi32, #tpu.memory_space<hbm>>
      %dma_wait3A_67 = tpu.memref_squeeze %dma_wait3A_66 : memref<1x40x125xi32, #tpu.memory_space<hbm>> -> memref<40x125xi32, #tpu.memory_space<hbm>>
      tpu.wait_dma2 semaphore(%run_scoped3A : memref<!tpu.dma_semaphore, #tpu.memory_space<semaphore_mem>>) src(%dma_wait3A_67 : memref<40x125xi32, #tpu.memory_space<hbm>>) dst(%dma_wait3A_63 : memref<40x125xi32, #tpu.memory_space<vmem>>)
      tpu.yield
    }) : () -> ()
    "tpu.region"() ({
      %run_scoped3A = tpu.sem_alloc : memref<!tpu.dma_semaphore, #tpu.memory_space<semaphore_mem>>
      %dma_start3A_41 = arith.constant 0 : i32
      %dma_start3A_42 = arith.constant 0 : i32
      %dma_start3A_43 = tpu.memref_slice %arg8[%dma_start3A_41, %dma_start3A_42] : memref<40x125xi32, #tpu.memory_space<vmem>> -> memref<40x125xi32, #tpu.memory_space<vmem>>
      %dma_start3A_44 = arith.constant 0 : i32
      %dma_start3A_45 = arith.constant 0 : i32
      %dma_start3A_46 = tpu.memref_slice %arg4[%add3A, %dma_start3A_44, %dma_start3A_45] : memref<32x80x125xi32, #tpu.memory_space<hbm>> -> memref<1x40x125xi32, #tpu.memory_space<hbm>>
      %dma_start3A_47 = tpu.memref_squeeze %dma_start3A_46 : memref<1x40x125xi32, #tpu.memory_space<hbm>> -> memref<40x125xi32, #tpu.memory_space<hbm>>
      %dma_start3A_48 = arith.constant 0 : i32
      %dma_start3A_49 = arith.constant 0 : i32
      %dma_start3A_50 = tpu.memref_slice %arg8[%dma_start3A_48, %dma_start3A_49] : memref<40x125xi32, #tpu.memory_space<vmem>> -> memref<40x125xi32, #tpu.memory_space<vmem>>
      %dma_start3A_51 = arith.constant 0 : i32
      %dma_start3A_52 = arith.constant 0 : i32
      %dma_start3A_53 = tpu.memref_slice %arg4[%add3A, %dma_start3A_51, %dma_start3A_52] : memref<32x80x125xi32, #tpu.memory_space<hbm>> -> memref<1x40x125xi32, #tpu.memory_space<hbm>>
      %dma_start3A_54 = tpu.memref_squeeze %dma_start3A_53 : memref<1x40x125xi32, #tpu.memory_space<hbm>> -> memref<40x125xi32, #tpu.memory_space<hbm>>
      tpu.enqueue_dma source(%dma_start3A_54 : memref<40x125xi32, #tpu.memory_space<hbm>>) target(%dma_start3A_50 : memref<40x125xi32, #tpu.memory_space<vmem>>) target_semaphore(%run_scoped3A : memref<!tpu.dma_semaphore, #tpu.memory_space<semaphore_mem>>)
      %dma_wait3A = arith.constant 0 : i32
      %dma_wait3A_55 = arith.constant 0 : i32
      %dma_wait3A_56 = tpu.memref_slice %arg8[%dma_wait3A, %dma_wait3A_55] : memref<40x125xi32, #tpu.memory_space<vmem>> -> memref<40x125xi32, #tpu.memory_space<vmem>>
      %dma_wait3A_57 = arith.constant 0 : i32
      %dma_wait3A_58 = arith.constant 0 : i32
      %dma_wait3A_59 = tpu.memref_slice %arg4[%add3A, %dma_wait3A_57, %dma_wait3A_58] : memref<32x80x125xi32, #tpu.memory_space<hbm>> -> memref<1x40x125xi32, #tpu.memory_space<hbm>>
      %dma_wait3A_60 = tpu.memref_squeeze %dma_wait3A_59 : memref<1x40x125xi32, #tpu.memory_space<hbm>> -> memref<40x125xi32, #tpu.memory_space<hbm>>
      %dma_wait3A_61 = arith.constant 0 : i32
      %dma_wait3A_62 = arith.constant 0 : i32
      %dma_wait3A_63 = tpu.memref_slice %arg8[%dma_wait3A_61, %dma_wait3A_62] : memref<40x125xi32, #tpu.memory_space<vmem>> -> memref<40x125xi32, #tpu.memory_space<vmem>>
      %dma_wait3A_64 = arith.constant 0 : i32
      %dma_wait3A_65 = arith.constant 0 : i32
      %dma_wait3A_66 = tpu.memref_slice %arg4[%add3A, %dma_wait3A_64, %dma_wait3A_65] : memref<32x80x125xi32, #tpu.memory_space<hbm>> -> memref<1x40x125xi32, #tpu.memory_space<hbm>>
      %dma_wait3A_67 = tpu.memref_squeeze %dma_wait3A_66 : memref<1x40x125xi32, #tpu.memory_space<hbm>> -> memref<40x125xi32, #tpu.memory_space<hbm>>
      tpu.wait_dma2 semaphore(%run_scoped3A : memref<!tpu.dma_semaphore, #tpu.memory_space<semaphore_mem>>) src(%dma_wait3A_67 : memref<40x125xi32, #tpu.memory_space<hbm>>) dst(%dma_wait3A_63 : memref<40x125xi32, #tpu.memory_space<vmem>>)
      tpu.yield
    }) : () -> ()
    %barrier3A = arith.constant 0 : index
    tpu.barrier barrier_id(%barrier3A)
    %dma_start3A = arith.constant 0 : i32
    %dma_start3A_7 = arith.constant 0 : i32
    %dma_start3A_8 = tpu.memref_slice %arg7[%dma_start3A, %dma_start3A_7] : memref<40x125xi32, #tpu.memory_space<vmem>> -> memref<1x125xi32, #tpu.memory_space<vmem>>
    %dma_start3A_9 = tpu.memref_squeeze %dma_start3A_8 : memref<1x125xi32, #tpu.memory_space<vmem>> -> memref<125xi32, #tpu.memory_space<vmem>>
    %dma_start3A_10 = arith.constant 0 : i32
    %dma_start3A_11 = arith.constant 0 : i32
    %dma_start3A_12 = tpu.memref_slice %arg2[%dma_start3A_10, %dma_start3A_11] : memref<10000x128xf32, #tpu.memory_space<hbm>> -> memref<10000x128xf32, #tpu.memory_space<hbm>>
    tpu.enqueue_indirect_dma source(%dma_start3A_12 : memref<10000x128xf32, #tpu.memory_space<hbm>>) target(%arg9 : memref<125x128xf32, #tpu.memory_space<vmem>>) offsets(%dma_start3A_9 : memref<125xi32, #tpu.memory_space<vmem>>) semaphore(%arg12 : memref<!tpu.dma_semaphore, #tpu.memory_space<semaphore_mem>>)
    %scan3A = arith.constant 0 : i32
    %scan3A_13 = arith.constant 0 : i32
    %scan3A_14 = arith.constant 20 : i32
    %scan3A_15 = arith.addi %scan3A_13, %scan3A_14 : i32
    %scan3A_16 = arith.constant 1 : i32
    scf.for %scan3A_41 = %scan3A_13 to %scan3A_15 step %scan3A_16  : i32 {
      %mul3A_42 = arith.constant 2 : i32
      %mul3A_43 = arith.muli %mul3A_42, %scan3A_41 : i32
      %mul3A_44 = arith.constant 2 : i32
      %mul3A_45 = arith.muli %mul3A_44, %scan3A_41 : i32
      %add3A_46 = arith.constant 1 : i32
      %add3A_47 = arith.addi %mul3A_45, %add3A_46 : i32
      %dma_wait3A = arith.constant 0 : i32
      %dma_wait3A_48 = tpu.memref_slice %arg7[%mul3A_43, %dma_wait3A] : memref<40x125xi32, #tpu.memory_space<vmem>> -> memref<1x125xi32, #tpu.memory_space<vmem>>
      %dma_wait3A_49 = tpu.memref_squeeze %dma_wait3A_48 : memref<1x125xi32, #tpu.memory_space<vmem>> -> memref<125xi32, #tpu.memory_space<vmem>>
      %dma_wait3A_50 = arith.constant 0 : i32
      %dma_wait3A_51 = arith.constant 0 : i32
      %dma_wait3A_52 = tpu.memref_slice %arg2[%dma_wait3A_50, %dma_wait3A_51] : memref<10000x128xf32, #tpu.memory_space<hbm>> -> memref<10000x128xf32, #tpu.memory_space<hbm>>
      tpu.wait_indirect_dma semaphore(%arg12 : memref<!tpu.dma_semaphore, #tpu.memory_space<semaphore_mem>>) src(%dma_wait3A_52 : memref<10000x128xf32, #tpu.memory_space<hbm>>) dst(%arg9 : memref<125x128xf32, #tpu.memory_space<vmem>>)
      %dma_start3A_53 = arith.constant 0 : i32
      %dma_start3A_54 = tpu.memref_slice %arg7[%add3A_47, %dma_start3A_53] : memref<40x125xi32, #tpu.memory_space<vmem>> -> memref<1x125xi32, #tpu.memory_space<vmem>>
      %dma_start3A_55 = tpu.memref_squeeze %dma_start3A_54 : memref<1x125xi32, #tpu.memory_space<vmem>> -> memref<125xi32, #tpu.memory_space<vmem>>
      %dma_start3A_56 = arith.constant 0 : i32
      %dma_start3A_57 = arith.constant 0 : i32
      %dma_start3A_58 = tpu.memref_slice %arg2[%dma_start3A_56, %dma_start3A_57] : memref<10000x128xf32, #tpu.memory_space<hbm>> -> memref<10000x128xf32, #tpu.memory_space<hbm>>
      tpu.enqueue_indirect_dma source(%dma_start3A_58 : memref<10000x128xf32, #tpu.memory_space<hbm>>) target(%arg10 : memref<125x128xf32, #tpu.memory_space<vmem>>) offsets(%dma_start3A_55 : memref<125xi32, #tpu.memory_space<vmem>>) semaphore(%arg13 : memref<!tpu.dma_semaphore, #tpu.memory_space<semaphore_mem>>)
      "tpu.region"() ({
        %run_scoped3A = tpu.sem_alloc : memref<!tpu.dma_semaphore, #tpu.memory_space<semaphore_mem>>
        %dma_start3A_69 = arith.constant 0 : i32
        %dma_start3A_70 = tpu.memref_slice %arg8[%mul3A_43, %dma_start3A_69] : memref<40x125xi32, #tpu.memory_space<vmem>> -> memref<1x125xi32, #tpu.memory_space<vmem>>
        %dma_start3A_71 = tpu.memref_squeeze %dma_start3A_70 : memref<1x125xi32, #tpu.memory_space<vmem>> -> memref<125xi32, #tpu.memory_space<vmem>>
        %dma_start3A_72 = arith.constant 0 : i32
        %dma_start3A_73 = arith.constant 0 : i32
        %dma_start3A_74 = tpu.memref_slice %arg11[%dma_start3A_72, %dma_start3A_73] : memref<10000x128xf32, #tpu.memory_space<vmem_shared>> -> memref<10000x128xf32, #tpu.memory_space<vmem_shared>>
        tpu.enqueue_indirect_dma source(%arg9 : memref<125x128xf32, #tpu.memory_space<vmem>>) target(%dma_start3A_74 : memref<10000x128xf32, #tpu.memory_space<vmem_shared>>) offsets(%dma_start3A_71 : memref<125xi32, #tpu.memory_space<vmem>>) semaphore(%run_scoped3A : memref<!tpu.dma_semaphore, #tpu.memory_space<semaphore_mem>>) {add = true}
        %dma_wait3A_75 = arith.constant 0 : i32
        %dma_wait3A_76 = tpu.memref_slice %arg8[%mul3A_43, %dma_wait3A_75] : memref<40x125xi32, #tpu.memory_space<vmem>> -> memref<1x125xi32, #tpu.memory_space<vmem>>
        %dma_wait3A_77 = tpu.memref_squeeze %dma_wait3A_76 : memref<1x125xi32, #tpu.memory_space<vmem>> -> memref<125xi32, #tpu.memory_space<vmem>>
        %dma_wait3A_78 = arith.constant 0 : i32
        %dma_wait3A_79 = arith.constant 0 : i32
        %dma_wait3A_80 = tpu.memref_slice %arg11[%dma_wait3A_78, %dma_wait3A_79] : memref<10000x128xf32, #tpu.memory_space<vmem_shared>> -> memref<10000x128xf32, #tpu.memory_space<vmem_shared>>
        tpu.wait_indirect_dma semaphore(%run_scoped3A : memref<!tpu.dma_semaphore, #tpu.memory_space<semaphore_mem>>) src(%arg9 : memref<125x128xf32, #tpu.memory_space<vmem>>) dst(%dma_wait3A_80 : memref<10000x128xf32, #tpu.memory_space<vmem_shared>>)
        tpu.yield
      }) : () -> ()
      %dma_wait3A_59 = arith.constant 0 : i32
      %dma_wait3A_60 = tpu.memref_slice %arg7[%add3A_47, %dma_wait3A_59] : memref<40x125xi32, #tpu.memory_space<vmem>> -> memref<1x125xi32, #tpu.memory_space<vmem>>
      %dma_wait3A_61 = tpu.memref_squeeze %dma_wait3A_60 : memref<1x125xi32, #tpu.memory_space<vmem>> -> memref<125xi32, #tpu.memory_space<vmem>>
      %dma_wait3A_62 = arith.constant 0 : i32
      %dma_wait3A_63 = arith.constant 0 : i32
      %dma_wait3A_64 = tpu.memref_slice %arg2[%dma_wait3A_62, %dma_wait3A_63] : memref<10000x128xf32, #tpu.memory_space<hbm>> -> memref<10000x128xf32, #tpu.memory_space<hbm>>
      tpu.wait_indirect_dma semaphore(%arg13 : memref<!tpu.dma_semaphore, #tpu.memory_space<semaphore_mem>>) src(%dma_wait3A_64 : memref<10000x128xf32, #tpu.memory_space<hbm>>) dst(%arg10 : memref<125x128xf32, #tpu.memory_space<vmem>>)
      %lt3A = arith.constant 19 : i32
      %lt3A_65 = arith.cmpi slt, %scan3A_41, %lt3A : i32
      %convert_element_type3A_66 = arith.extui %lt3A_65 : i1 to i32
      %cond3A_67 = arith.constant 0 : i32
      %cond3A_68 = arith.cmpi ne, %convert_element_type3A_66, %cond3A_67 : i32
      scf.if %cond3A_68 {
        %add3A_69 = arith.constant 1 : i32
        %add3A_70 = arith.addi %add3A_47, %add3A_69 : i32
        %dma_start3A_71 = arith.constant 0 : i32
        %dma_start3A_72 = tpu.memref_slice %arg7[%add3A_70, %dma_start3A_71] : memref<40x125xi32, #tpu.memory_space<vmem>> -> memref<1x125xi32, #tpu.memory_space<vmem>>
        %dma_start3A_73 = tpu.memref_squeeze %dma_start3A_72 : memref<1x125xi32, #tpu.memory_space<vmem>> -> memref<125xi32, #tpu.memory_space<vmem>>
        %dma_start3A_74 = arith.constant 0 : i32
        %dma_start3A_75 = arith.constant 0 : i32
        %dma_start3A_76 = tpu.memref_slice %arg2[%dma_start3A_74, %dma_start3A_75] : memref<10000x128xf32, #tpu.memory_space<hbm>> -> memref<10000x128xf32, #tpu.memory_space<hbm>>
        tpu.enqueue_indirect_dma source(%dma_start3A_76 : memref<10000x128xf32, #tpu.memory_space<hbm>>) target(%arg9 : memref<125x128xf32, #tpu.memory_space<vmem>>) offsets(%dma_start3A_73 : memref<125xi32, #tpu.memory_space<vmem>>) semaphore(%arg12 : memref<!tpu.dma_semaphore, #tpu.memory_space<semaphore_mem>>)
      } else {
      }
      "tpu.region"() ({
        %run_scoped3A = tpu.sem_alloc : memref<!tpu.dma_semaphore, #tpu.memory_space<semaphore_mem>>
        %dma_start3A_69 = arith.constant 0 : i32
        %dma_start3A_70 = tpu.memref_slice %arg8[%add3A_47, %dma_start3A_69] : memref<40x125xi32, #tpu.memory_space<vmem>> -> memref<1x125xi32, #tpu.memory_space<vmem>>
        %dma_start3A_71 = tpu.memref_squeeze %dma_start3A_70 : memref<1x125xi32, #tpu.memory_space<vmem>> -> memref<125xi32, #tpu.memory_space<vmem>>
        %dma_start3A_72 = arith.constant 0 : i32
        %dma_start3A_73 = arith.constant 0 : i32
        %dma_start3A_74 = tpu.memref_slice %arg11[%dma_start3A_72, %dma_start3A_73] : memref<10000x128xf32, #tpu.memory_space<vmem_shared>> -> memref<10000x128xf32, #tpu.memory_space<vmem_shared>>
        tpu.enqueue_indirect_dma source(%arg10 : memref<125x128xf32, #tpu.memory_space<vmem>>) target(%dma_start3A_74 : memref<10000x128xf32, #tpu.memory_space<vmem_shared>>) offsets(%dma_start3A_71 : memref<125xi32, #tpu.memory_space<vmem>>) semaphore(%run_scoped3A : memref<!tpu.dma_semaphore, #tpu.memory_space<semaphore_mem>>) {add = true}
        %dma_wait3A_75 = arith.constant 0 : i32
        %dma_wait3A_76 = tpu.memref_slice %arg8[%add3A_47, %dma_wait3A_75] : memref<40x125xi32, #tpu.memory_space<vmem>> -> memref<1x125xi32, #tpu.memory_space<vmem>>
        %dma_wait3A_77 = tpu.memref_squeeze %dma_wait3A_76 : memref<1x125xi32, #tpu.memory_space<vmem>> -> memref<125xi32, #tpu.memory_space<vmem>>
        %dma_wait3A_78 = arith.constant 0 : i32
        %dma_wait3A_79 = arith.constant 0 : i32
        %dma_wait3A_80 = tpu.memref_slice %arg11[%dma_wait3A_78, %dma_wait3A_79] : memref<10000x128xf32, #tpu.memory_space<vmem_shared>> -> memref<10000x128xf32, #tpu.memory_space<vmem_shared>>
        tpu.wait_indirect_dma semaphore(%run_scoped3A : memref<!tpu.dma_semaphore, #tpu.memory_space<semaphore_mem>>) src(%arg10 : memref<125x128xf32, #tpu.memory_space<vmem>>) dst(%dma_wait3A_80 : memref<10000x128xf32, #tpu.memory_space<vmem_shared>>)
        tpu.yield
      }) : () -> ()
    }
    %scan3A_17 = arith.constant 20 : i32
    "tpu.region"() ({
      %run_scoped3A = tpu.sem_alloc : memref<!tpu.dma_semaphore, #tpu.memory_space<semaphore_mem>>
      %dma_start3A_41 = arith.constant 0 : i32
      %dma_start3A_42 = arith.constant 0 : i32
      %dma_start3A_43 = tpu.memref_slice %arg7[%dma_start3A_41, %dma_start3A_42] : memref<40x125xi32, #tpu.memory_space<vmem>> -> memref<40x125xi32, #tpu.memory_space<vmem>>
      %dma_start3A_44 = arith.constant 40 : i32
      %dma_start3A_45 = arith.constant 0 : i32
      %dma_start3A_46 = tpu.memref_slice %arg3[%add3A, %dma_start3A_44, %dma_start3A_45] : memref<32x80x125xi32, #tpu.memory_space<hbm>> -> memref<1x40x125xi32, #tpu.memory_space<hbm>>
      %dma_start3A_47 = tpu.memref_squeeze %dma_start3A_46 : memref<1x40x125xi32, #tpu.memory_space<hbm>> -> memref<40x125xi32, #tpu.memory_space<hbm>>
      %dma_start3A_48 = arith.constant 0 : i32
      %dma_start3A_49 = arith.constant 0 : i32
      %dma_start3A_50 = tpu.memref_slice %arg7[%dma_start3A_48, %dma_start3A_49] : memref<40x125xi32, #tpu.memory_space<vmem>> -> memref<40x125xi32, #tpu.memory_space<vmem>>
      %dma_start3A_51 = arith.constant 40 : i32
      %dma_start3A_52 = arith.constant 0 : i32
      %dma_start3A_53 = tpu.memref_slice %arg3[%add3A, %dma_start3A_51, %dma_start3A_52] : memref<32x80x125xi32, #tpu.memory_space<hbm>> -> memref<1x40x125xi32, #tpu.memory_space<hbm>>
      %dma_start3A_54 = tpu.memref_squeeze %dma_start3A_53 : memref<1x40x125xi32, #tpu.memory_space<hbm>> -> memref<40x125xi32, #tpu.memory_space<hbm>>
      tpu.enqueue_dma source(%dma_start3A_54 : memref<40x125xi32, #tpu.memory_space<hbm>>) target(%dma_start3A_50 : memref<40x125xi32, #tpu.memory_space<vmem>>) target_semaphore(%run_scoped3A : memref<!tpu.dma_semaphore, #tpu.memory_space<semaphore_mem>>)
      %dma_wait3A = arith.constant 0 : i32
      %dma_wait3A_55 = arith.constant 0 : i32
      %dma_wait3A_56 = tpu.memref_slice %arg7[%dma_wait3A, %dma_wait3A_55] : memref<40x125xi32, #tpu.memory_space<vmem>> -> memref<40x125xi32, #tpu.memory_space<vmem>>
      %dma_wait3A_57 = arith.constant 40 : i32
      %dma_wait3A_58 = arith.constant 0 : i32
      %dma_wait3A_59 = tpu.memref_slice %arg3[%add3A, %dma_wait3A_57, %dma_wait3A_58] : memref<32x80x125xi32, #tpu.memory_space<hbm>> -> memref<1x40x125xi32, #tpu.memory_space<hbm>>
      %dma_wait3A_60 = tpu.memref_squeeze %dma_wait3A_59 : memref<1x40x125xi32, #tpu.memory_space<hbm>> -> memref<40x125xi32, #tpu.memory_space<hbm>>
      %dma_wait3A_61 = arith.constant 0 : i32
      %dma_wait3A_62 = arith.constant 0 : i32
      %dma_wait3A_63 = tpu.memref_slice %arg7[%dma_wait3A_61, %dma_wait3A_62] : memref<40x125xi32, #tpu.memory_space<vmem>> -> memref<40x125xi32, #tpu.memory_space<vmem>>
      %dma_wait3A_64 = arith.constant 40 : i32
      %dma_wait3A_65 = arith.constant 0 : i32
      %dma_wait3A_66 = tpu.memref_slice %arg3[%add3A, %dma_wait3A_64, %dma_wait3A_65] : memref<32x80x125xi32, #tpu.memory_space<hbm>> -> memref<1x40x125xi32, #tpu.memory_space<hbm>>
      %dma_wait3A_67 = tpu.memref_squeeze %dma_wait3A_66 : memref<1x40x125xi32, #tpu.memory_space<hbm>> -> memref<40x125xi32, #tpu.memory_space<hbm>>
      tpu.wait_dma2 semaphore(%run_scoped3A : memref<!tpu.dma_semaphore, #tpu.memory_space<semaphore_mem>>) src(%dma_wait3A_67 : memref<40x125xi32, #tpu.memory_space<hbm>>) dst(%dma_wait3A_63 : memref<40x125xi32, #tpu.memory_space<vmem>>)
      tpu.yield
    }) : () -> ()
    "tpu.region"() ({
      %run_scoped3A = tpu.sem_alloc : memref<!tpu.dma_semaphore, #tpu.memory_space<semaphore_mem>>
      %dma_start3A_41 = arith.constant 0 : i32
      %dma_start3A_42 = arith.constant 0 : i32
      %dma_start3A_43 = tpu.memref_slice %arg8[%dma_start3A_41, %dma_start3A_42] : memref<40x125xi32, #tpu.memory_space<vmem>> -> memref<40x125xi32, #tpu.memory_space<vmem>>
      %dma_start3A_44 = arith.constant 40 : i32
      %dma_start3A_45 = arith.constant 0 : i32
      %dma_start3A_46 = tpu.memref_slice %arg4[%add3A, %dma_start3A_44, %dma_start3A_45] : memref<32x80x125xi32, #tpu.memory_space<hbm>> -> memref<1x40x125xi32, #tpu.memory_space<hbm>>
      %dma_start3A_47 = tpu.memref_squeeze %dma_start3A_46 : memref<1x40x125xi32, #tpu.memory_space<hbm>> -> memref<40x125xi32, #tpu.memory_space<hbm>>
      %dma_start3A_48 = arith.constant 0 : i32
      %dma_start3A_49 = arith.constant 0 : i32
      %dma_start3A_50 = tpu.memref_slice %arg8[%dma_start3A_48, %dma_start3A_49] : memref<40x125xi32, #tpu.memory_space<vmem>> -> memref<40x125xi32, #tpu.memory_space<vmem>>
      %dma_start3A_51 = arith.constant 40 : i32
      %dma_start3A_52 = arith.constant 0 : i32
      %dma_start3A_53 = tpu.memref_slice %arg4[%add3A, %dma_start3A_51, %dma_start3A_52] : memref<32x80x125xi32, #tpu.memory_space<hbm>> -> memref<1x40x125xi32, #tpu.memory_space<hbm>>
      %dma_start3A_54 = tpu.memref_squeeze %dma_start3A_53 : memref<1x40x125xi32, #tpu.memory_space<hbm>> -> memref<40x125xi32, #tpu.memory_space<hbm>>
      tpu.enqueue_dma source(%dma_start3A_54 : memref<40x125xi32, #tpu.memory_space<hbm>>) target(%dma_start3A_50 : memref<40x125xi32, #tpu.memory_space<vmem>>) target_semaphore(%run_scoped3A : memref<!tpu.dma_semaphore, #tpu.memory_space<semaphore_mem>>)
      %dma_wait3A = arith.constant 0 : i32
      %dma_wait3A_55 = arith.constant 0 : i32
      %dma_wait3A_56 = tpu.memref_slice %arg8[%dma_wait3A, %dma_wait3A_55] : memref<40x125xi32, #tpu.memory_space<vmem>> -> memref<40x125xi32, #tpu.memory_space<vmem>>
      %dma_wait3A_57 = arith.constant 40 : i32
      %dma_wait3A_58 = arith.constant 0 : i32
      %dma_wait3A_59 = tpu.memref_slice %arg4[%add3A, %dma_wait3A_57, %dma_wait3A_58] : memref<32x80x125xi32, #tpu.memory_space<hbm>> -> memref<1x40x125xi32, #tpu.memory_space<hbm>>
      %dma_wait3A_60 = tpu.memref_squeeze %dma_wait3A_59 : memref<1x40x125xi32, #tpu.memory_space<hbm>> -> memref<40x125xi32, #tpu.memory_space<hbm>>
      %dma_wait3A_61 = arith.constant 0 : i32
      %dma_wait3A_62 = arith.constant 0 : i32
      %dma_wait3A_63 = tpu.memref_slice %arg8[%dma_wait3A_61, %dma_wait3A_62] : memref<40x125xi32, #tpu.memory_space<vmem>> -> memref<40x125xi32, #tpu.memory_space<vmem>>
      %dma_wait3A_64 = arith.constant 40 : i32
      %dma_wait3A_65 = arith.constant 0 : i32
      %dma_wait3A_66 = tpu.memref_slice %arg4[%add3A, %dma_wait3A_64, %dma_wait3A_65] : memref<32x80x125xi32, #tpu.memory_space<hbm>> -> memref<1x40x125xi32, #tpu.memory_space<hbm>>
      %dma_wait3A_67 = tpu.memref_squeeze %dma_wait3A_66 : memref<1x40x125xi32, #tpu.memory_space<hbm>> -> memref<40x125xi32, #tpu.memory_space<hbm>>
      tpu.wait_dma2 semaphore(%run_scoped3A : memref<!tpu.dma_semaphore, #tpu.memory_space<semaphore_mem>>) src(%dma_wait3A_67 : memref<40x125xi32, #tpu.memory_space<hbm>>) dst(%dma_wait3A_63 : memref<40x125xi32, #tpu.memory_space<vmem>>)
      tpu.yield
    }) : () -> ()
    %dma_start3A_18 = arith.constant 0 : i32
    %dma_start3A_19 = arith.constant 0 : i32
    %dma_start3A_20 = tpu.memref_slice %arg7[%dma_start3A_18, %dma_start3A_19] : memref<40x125xi32, #tpu.memory_space<vmem>> -> memref<1x125xi32, #tpu.memory_space<vmem>>
    %dma_start3A_21 = tpu.memref_squeeze %dma_start3A_20 : memref<1x125xi32, #tpu.memory_space<vmem>> -> memref<125xi32, #tpu.memory_space<vmem>>
    %dma_start3A_22 = arith.constant 0 : i32
    %dma_start3A_23 = arith.constant 0 : i32
    %dma_start3A_24 = tpu.memref_slice %arg2[%dma_start3A_22, %dma_start3A_23] : memref<10000x128xf32, #tpu.memory_space<hbm>> -> memref<10000x128xf32, #tpu.memory_space<hbm>>
    tpu.enqueue_indirect_dma source(%dma_start3A_24 : memref<10000x128xf32, #tpu.memory_space<hbm>>) target(%arg9 : memref<125x128xf32, #tpu.memory_space<vmem>>) offsets(%dma_start3A_21 : memref<125xi32, #tpu.memory_space<vmem>>) semaphore(%arg12 : memref<!tpu.dma_semaphore, #tpu.memory_space<semaphore_mem>>)
    %scan3A_25 = arith.constant 0 : i32
    %scan3A_26 = arith.constant 0 : i32
    %scan3A_27 = arith.constant 20 : i32
    %scan3A_28 = arith.addi %scan3A_26, %scan3A_27 : i32
    %scan3A_29 = arith.constant 1 : i32
    scf.for %scan3A_41 = %scan3A_26 to %scan3A_28 step %scan3A_29  : i32 {
      %mul3A_42 = arith.constant 2 : i32
      %mul3A_43 = arith.muli %mul3A_42, %scan3A_41 : i32
      %mul3A_44 = arith.constant 2 : i32
      %mul3A_45 = arith.muli %mul3A_44, %scan3A_41 : i32
      %add3A_46 = arith.constant 1 : i32
      %add3A_47 = arith.addi %mul3A_45, %add3A_46 : i32
      %dma_wait3A = arith.constant 0 : i32
      %dma_wait3A_48 = tpu.memref_slice %arg7[%mul3A_43, %dma_wait3A] : memref<40x125xi32, #tpu.memory_space<vmem>> -> memref<1x125xi32, #tpu.memory_space<vmem>>
      %dma_wait3A_49 = tpu.memref_squeeze %dma_wait3A_48 : memref<1x125xi32, #tpu.memory_space<vmem>> -> memref<125xi32, #tpu.memory_space<vmem>>
      %dma_wait3A_50 = arith.constant 0 : i32
      %dma_wait3A_51 = arith.constant 0 : i32
      %dma_wait3A_52 = tpu.memref_slice %arg2[%dma_wait3A_50, %dma_wait3A_51] : memref<10000x128xf32, #tpu.memory_space<hbm>> -> memref<10000x128xf32, #tpu.memory_space<hbm>>
      tpu.wait_indirect_dma semaphore(%arg12 : memref<!tpu.dma_semaphore, #tpu.memory_space<semaphore_mem>>) src(%dma_wait3A_52 : memref<10000x128xf32, #tpu.memory_space<hbm>>) dst(%arg9 : memref<125x128xf32, #tpu.memory_space<vmem>>)
      %dma_start3A_53 = arith.constant 0 : i32
      %dma_start3A_54 = tpu.memref_slice %arg7[%add3A_47, %dma_start3A_53] : memref<40x125xi32, #tpu.memory_space<vmem>> -> memref<1x125xi32, #tpu.memory_space<vmem>>
      %dma_start3A_55 = tpu.memref_squeeze %dma_start3A_54 : memref<1x125xi32, #tpu.memory_space<vmem>> -> memref<125xi32, #tpu.memory_space<vmem>>
      %dma_start3A_56 = arith.constant 0 : i32
      %dma_start3A_57 = arith.constant 0 : i32
      %dma_start3A_58 = tpu.memref_slice %arg2[%dma_start3A_56, %dma_start3A_57] : memref<10000x128xf32, #tpu.memory_space<hbm>> -> memref<10000x128xf32, #tpu.memory_space<hbm>>
      tpu.enqueue_indirect_dma source(%dma_start3A_58 : memref<10000x128xf32, #tpu.memory_space<hbm>>) target(%arg10 : memref<125x128xf32, #tpu.memory_space<vmem>>) offsets(%dma_start3A_55 : memref<125xi32, #tpu.memory_space<vmem>>) semaphore(%arg13 : memref<!tpu.dma_semaphore, #tpu.memory_space<semaphore_mem>>)
      "tpu.region"() ({
        %run_scoped3A = tpu.sem_alloc : memref<!tpu.dma_semaphore, #tpu.memory_space<semaphore_mem>>
        %dma_start3A_69 = arith.constant 0 : i32
        %dma_start3A_70 = tpu.memref_slice %arg8[%mul3A_43, %dma_start3A_69] : memref<40x125xi32, #tpu.memory_space<vmem>> -> memref<1x125xi32, #tpu.memory_space<vmem>>
        %dma_start3A_71 = tpu.memref_squeeze %dma_start3A_70 : memref<1x125xi32, #tpu.memory_space<vmem>> -> memref<125xi32, #tpu.memory_space<vmem>>
        %dma_start3A_72 = arith.constant 0 : i32
        %dma_start3A_73 = arith.constant 0 : i32
        %dma_start3A_74 = tpu.memref_slice %arg11[%dma_start3A_72, %dma_start3A_73] : memref<10000x128xf32, #tpu.memory_space<vmem_shared>> -> memref<10000x128xf32, #tpu.memory_space<vmem_shared>>
        tpu.enqueue_indirect_dma source(%arg9 : memref<125x128xf32, #tpu.memory_space<vmem>>) target(%dma_start3A_74 : memref<10000x128xf32, #tpu.memory_space<vmem_shared>>) offsets(%dma_start3A_71 : memref<125xi32, #tpu.memory_space<vmem>>) semaphore(%run_scoped3A : memref<!tpu.dma_semaphore, #tpu.memory_space<semaphore_mem>>) {add = true}
        %dma_wait3A_75 = arith.constant 0 : i32
        %dma_wait3A_76 = tpu.memref_slice %arg8[%mul3A_43, %dma_wait3A_75] : memref<40x125xi32, #tpu.memory_space<vmem>> -> memref<1x125xi32, #tpu.memory_space<vmem>>
        %dma_wait3A_77 = tpu.memref_squeeze %dma_wait3A_76 : memref<1x125xi32, #tpu.memory_space<vmem>> -> memref<125xi32, #tpu.memory_space<vmem>>
        %dma_wait3A_78 = arith.constant 0 : i32
        %dma_wait3A_79 = arith.constant 0 : i32
        %dma_wait3A_80 = tpu.memref_slice %arg11[%dma_wait3A_78, %dma_wait3A_79] : memref<10000x128xf32, #tpu.memory_space<vmem_shared>> -> memref<10000x128xf32, #tpu.memory_space<vmem_shared>>
        tpu.wait_indirect_dma semaphore(%run_scoped3A : memref<!tpu.dma_semaphore, #tpu.memory_space<semaphore_mem>>) src(%arg9 : memref<125x128xf32, #tpu.memory_space<vmem>>) dst(%dma_wait3A_80 : memref<10000x128xf32, #tpu.memory_space<vmem_shared>>)
        tpu.yield
      }) : () -> ()
      %dma_wait3A_59 = arith.constant 0 : i32
      %dma_wait3A_60 = tpu.memref_slice %arg7[%add3A_47, %dma_wait3A_59] : memref<40x125xi32, #tpu.memory_space<vmem>> -> memref<1x125xi32, #tpu.memory_space<vmem>>
      %dma_wait3A_61 = tpu.memref_squeeze %dma_wait3A_60 : memref<1x125xi32, #tpu.memory_space<vmem>> -> memref<125xi32, #tpu.memory_space<vmem>>
      %dma_wait3A_62 = arith.constant 0 : i32
      %dma_wait3A_63 = arith.constant 0 : i32
      %dma_wait3A_64 = tpu.memref_slice %arg2[%dma_wait3A_62, %dma_wait3A_63] : memref<10000x128xf32, #tpu.memory_space<hbm>> -> memref<10000x128xf32, #tpu.memory_space<hbm>>
      tpu.wait_indirect_dma semaphore(%arg13 : memref<!tpu.dma_semaphore, #tpu.memory_space<semaphore_mem>>) src(%dma_wait3A_64 : memref<10000x128xf32, #tpu.memory_space<hbm>>) dst(%arg10 : memref<125x128xf32, #tpu.memory_space<vmem>>)
      %lt3A = arith.constant 19 : i32
      %lt3A_65 = arith.cmpi slt, %scan3A_41, %lt3A : i32
      %convert_element_type3A_66 = arith.extui %lt3A_65 : i1 to i32
      %cond3A_67 = arith.constant 0 : i32
      %cond3A_68 = arith.cmpi ne, %convert_element_type3A_66, %cond3A_67 : i32
      scf.if %cond3A_68 {
        %add3A_69 = arith.constant 1 : i32
        %add3A_70 = arith.addi %add3A_47, %add3A_69 : i32
        %dma_start3A_71 = arith.constant 0 : i32
        %dma_start3A_72 = tpu.memref_slice %arg7[%add3A_70, %dma_start3A_71] : memref<40x125xi32, #tpu.memory_space<vmem>> -> memref<1x125xi32, #tpu.memory_space<vmem>>
        %dma_start3A_73 = tpu.memref_squeeze %dma_start3A_72 : memref<1x125xi32, #tpu.memory_space<vmem>> -> memref<125xi32, #tpu.memory_space<vmem>>
        %dma_start3A_74 = arith.constant 0 : i32
        %dma_start3A_75 = arith.constant 0 : i32
        %dma_start3A_76 = tpu.memref_slice %arg2[%dma_start3A_74, %dma_start3A_75] : memref<10000x128xf32, #tpu.memory_space<hbm>> -> memref<10000x128xf32, #tpu.memory_space<hbm>>
        tpu.enqueue_indirect_dma source(%dma_start3A_76 : memref<10000x128xf32, #tpu.memory_space<hbm>>) target(%arg9 : memref<125x128xf32, #tpu.memory_space<vmem>>) offsets(%dma_start3A_73 : memref<125xi32, #tpu.memory_space<vmem>>) semaphore(%arg12 : memref<!tpu.dma_semaphore, #tpu.memory_space<semaphore_mem>>)
      } else {
      }
      "tpu.region"() ({
        %run_scoped3A = tpu.sem_alloc : memref<!tpu.dma_semaphore, #tpu.memory_space<semaphore_mem>>
        %dma_start3A_69 = arith.constant 0 : i32
        %dma_start3A_70 = tpu.memref_slice %arg8[%add3A_47, %dma_start3A_69] : memref<40x125xi32, #tpu.memory_space<vmem>> -> memref<1x125xi32, #tpu.memory_space<vmem>>
        %dma_start3A_71 = tpu.memref_squeeze %dma_start3A_70 : memref<1x125xi32, #tpu.memory_space<vmem>> -> memref<125xi32, #tpu.memory_space<vmem>>
        %dma_start3A_72 = arith.constant 0 : i32
        %dma_start3A_73 = arith.constant 0 : i32
        %dma_start3A_74 = tpu.memref_slice %arg11[%dma_start3A_72, %dma_start3A_73] : memref<10000x128xf32, #tpu.memory_space<vmem_shared>> -> memref<10000x128xf32, #tpu.memory_space<vmem_shared>>
        tpu.enqueue_indirect_dma source(%arg10 : memref<125x128xf32, #tpu.memory_space<vmem>>) target(%dma_start3A_74 : memref<10000x128xf32, #tpu.memory_space<vmem_shared>>) offsets(%dma_start3A_71 : memref<125xi32, #tpu.memory_space<vmem>>) semaphore(%run_scoped3A : memref<!tpu.dma_semaphore, #tpu.memory_space<semaphore_mem>>) {add = true}
        %dma_wait3A_75 = arith.constant 0 : i32
        %dma_wait3A_76 = tpu.memref_slice %arg8[%add3A_47, %dma_wait3A_75] : memref<40x125xi32, #tpu.memory_space<vmem>> -> memref<1x125xi32, #tpu.memory_space<vmem>>
        %dma_wait3A_77 = tpu.memref_squeeze %dma_wait3A_76 : memref<1x125xi32, #tpu.memory_space<vmem>> -> memref<125xi32, #tpu.memory_space<vmem>>
        %dma_wait3A_78 = arith.constant 0 : i32
        %dma_wait3A_79 = arith.constant 0 : i32
        %dma_wait3A_80 = tpu.memref_slice %arg11[%dma_wait3A_78, %dma_wait3A_79] : memref<10000x128xf32, #tpu.memory_space<vmem_shared>> -> memref<10000x128xf32, #tpu.memory_space<vmem_shared>>
        tpu.wait_indirect_dma semaphore(%run_scoped3A : memref<!tpu.dma_semaphore, #tpu.memory_space<semaphore_mem>>) src(%arg10 : memref<125x128xf32, #tpu.memory_space<vmem>>) dst(%dma_wait3A_80 : memref<10000x128xf32, #tpu.memory_space<vmem_shared>>)
        tpu.yield
      }) : () -> ()
    }
    %scan3A_30 = arith.constant 20 : i32
    %barrier3A_31 = arith.constant 0 : index
    tpu.barrier barrier_id(%barrier3A_31)
    %mul3A_32 = arith.constant 624 : i32
    %mul3A_33 = arith.muli %arg1, %mul3A_32 : i32
    %mul3A_34 = arith.constant 624 : i32
    %mul3A_35 = arith.muli %arg1, %mul3A_34 : i32
    "tpu.region"() ({
      %run_scoped3A = tpu.sem_alloc : memref<!tpu.dma_semaphore, #tpu.memory_space<semaphore_mem>>
      %dma_start3A_41 = arith.constant 0 : i32
      %dma_start3A_42 = tpu.memref_slice %arg6[%arg0, %mul3A_35, %dma_start3A_41] : memref<2x10000x128xf32, #tpu.memory_space<hbm>> -> memref<1x624x128xf32, #tpu.memory_space<hbm>>
      %dma_start3A_43 = tpu.memref_squeeze %dma_start3A_42 : memref<1x624x128xf32, #tpu.memory_space<hbm>> -> memref<624x128xf32, #tpu.memory_space<hbm>>
      %dma_start3A_44 = arith.constant 0 : i32
      %dma_start3A_45 = tpu.memref_slice %arg11[%mul3A_33, %dma_start3A_44] : memref<10000x128xf32, #tpu.memory_space<vmem_shared>> -> memref<624x128xf32, #tpu.memory_space<vmem_shared>>
      tpu.enqueue_dma source(%dma_start3A_45 : memref<624x128xf32, #tpu.memory_space<vmem_shared>>) target(%dma_start3A_43 : memref<624x128xf32, #tpu.memory_space<hbm>>) target_semaphore(%run_scoped3A : memref<!tpu.dma_semaphore, #tpu.memory_space<semaphore_mem>>)
      %dma_wait3A = arith.constant 0 : i32
      %dma_wait3A_46 = tpu.memref_slice %arg6[%arg0, %mul3A_35, %dma_wait3A] : memref<2x10000x128xf32, #tpu.memory_space<hbm>> -> memref<1x624x128xf32, #tpu.memory_space<hbm>>
      %dma_wait3A_47 = tpu.memref_squeeze %dma_wait3A_46 : memref<1x624x128xf32, #tpu.memory_space<hbm>> -> memref<624x128xf32, #tpu.memory_space<hbm>>
      %dma_wait3A_48 = arith.constant 0 : i32
      %dma_wait3A_49 = tpu.memref_slice %arg11[%mul3A_33, %dma_wait3A_48] : memref<10000x128xf32, #tpu.memory_space<vmem_shared>> -> memref<624x128xf32, #tpu.memory_space<vmem_shared>>
      tpu.wait_dma2 semaphore(%run_scoped3A : memref<!tpu.dma_semaphore, #tpu.memory_space<semaphore_mem>>) src(%dma_wait3A_49 : memref<624x128xf32, #tpu.memory_space<vmem_shared>>) dst(%dma_wait3A_47 : memref<624x128xf32, #tpu.memory_space<hbm>>)
      tpu.yield
    }) : () -> ()
    %eq3A_36 = arith.constant 15 : i32
    %eq3A_37 = arith.cmpi eq, %arg1, %eq3A_36 : i32
    %convert_element_type3A_38 = arith.extui %eq3A_37 : i1 to i32
    %cond3A_39 = arith.constant 0 : i32
    %cond3A_40 = arith.cmpi ne, %convert_element_type3A_38, %cond3A_39 : i32
    scf.if %cond3A_40 {
      "tpu.region"() ({
        %run_scoped3A = tpu.sem_alloc : memref<!tpu.dma_semaphore, #tpu.memory_space<semaphore_mem>>
        %dma_start3A_41 = arith.constant 9984 : i32
        %dma_start3A_42 = arith.constant 0 : i32
        %dma_start3A_43 = tpu.memref_slice %arg6[%arg0, %dma_start3A_41, %dma_start3A_42] : memref<2x10000x128xf32, #tpu.memory_space<hbm>> -> memref<1x16x128xf32, #tpu.memory_space<hbm>>
        %dma_start3A_44 = tpu.memref_squeeze %dma_start3A_43 : memref<1x16x128xf32, #tpu.memory_space<hbm>> -> memref<16x128xf32, #tpu.memory_space<hbm>>
        %dma_start3A_45 = arith.constant 9984 : i32
        %dma_start3A_46 = arith.constant 0 : i32
        %dma_start3A_47 = tpu.memref_slice %arg11[%dma_start3A_45, %dma_start3A_46] : memref<10000x128xf32, #tpu.memory_space<vmem_shared>> -> memref<16x128xf32, #tpu.memory_space<vmem_shared>>
        tpu.enqueue_dma source(%dma_start3A_47 : memref<16x128xf32, #tpu.memory_space<vmem_shared>>) target(%dma_start3A_44 : memref<16x128xf32, #tpu.memory_space<hbm>>) target_semaphore(%run_scoped3A : memref<!tpu.dma_semaphore, #tpu.memory_space<semaphore_mem>>)
        %dma_wait3A = arith.constant 9984 : i32
        %dma_wait3A_48 = arith.constant 0 : i32
        %dma_wait3A_49 = tpu.memref_slice %arg6[%arg0, %dma_wait3A, %dma_wait3A_48] : memref<2x10000x128xf32, #tpu.memory_space<hbm>> -> memref<1x16x128xf32, #tpu.memory_space<hbm>>
        %dma_wait3A_50 = tpu.memref_squeeze %dma_wait3A_49 : memref<1x16x128xf32, #tpu.memory_space<hbm>> -> memref<16x128xf32, #tpu.memory_space<hbm>>
        %dma_wait3A_51 = arith.constant 9984 : i32
        %dma_wait3A_52 = arith.constant 0 : i32
        %dma_wait3A_53 = tpu.memref_slice %arg11[%dma_wait3A_51, %dma_wait3A_52] : memref<10000x128xf32, #tpu.memory_space<vmem_shared>> -> memref<16x128xf32, #tpu.memory_space<vmem_shared>>
        tpu.wait_dma2 semaphore(%run_scoped3A : memref<!tpu.dma_semaphore, #tpu.memory_space<semaphore_mem>>) src(%dma_wait3A_53 : memref<16x128xf32, #tpu.memory_space<vmem_shared>>) dst(%dma_wait3A_50 : memref<16x128xf32, #tpu.memory_space<hbm>>)
        tpu.yield
      }) : () -> ()
    } else {
    }
    return
  }
}

module attributes {stable_mosaic.version = 14 : i64} {
  func.func @_tc_prep_body(%arg0: i32, %arg1: memref<2x2000x128xf32, #tpu.memory_space<vmem>>, %arg2: memref<2000x128xf32, #tpu.memory_space<vmem>>, %arg3: memref<2000x128xf32, #tpu.memory_space<vmem>>, %arg4: memref<2000x2xf32, #tpu.memory_space<vmem>>) attributes {dimension_semantics = [#tpu.dimension_semantics<arbitrary>], iteration_bounds = array<i64: 5>, scalar_prefetch = 0 : i64, scratch_operands = 0 : i64, tpu.core_type = #tpu.core_type<tc>, window_params = [{transform_indices = @transform_0, window_bounds = array<i64: 2, 2000, 128>}, {transform_indices = @transform_1, window_bounds = array<i64: 2000, 128>}, {transform_indices = @transform_2, window_bounds = array<i64: 2000, 128>}, {transform_indices = @transform_3, window_bounds = array<i64: 2000, 2>}]} {
    %get3A = arith.constant 0 : index
    %get3A_0 = arith.constant 0 : index
    %get3A_1 = arith.constant 0 : index
    %get3A_2 = vector.load %arg1[%get3A, %get3A_0, %get3A_1] : memref<2x2000x128xf32, #tpu.memory_space<vmem>>, vector<1x2000x1xf32>
    %get3A_3 = vector.shape_cast %get3A_2 : vector<1x2000x1xf32> to vector<2000xf32>
    %get3A_4 = arith.constant 1 : index
    %get3A_5 = arith.constant 0 : index
    %get3A_6 = arith.constant 0 : index
    %get3A_7 = vector.load %arg1[%get3A_4, %get3A_5, %get3A_6] : memref<2x2000x128xf32, #tpu.memory_space<vmem>>, vector<1x2000x1xf32>
    %get3A_8 = vector.shape_cast %get3A_7 : vector<1x2000x1xf32> to vector<2000xf32>
    %add3A = arith.addf %get3A_3, %get3A_8 : vector<2000xf32>
    %max3A = arith.constant 1.000000e+00 : f32
    %max3A_9 = vector.broadcast %max3A : f32 to vector<2000xf32>
    %max3A_10 = arith.maximumf %add3A, %max3A_9 : vector<2000xf32>
    %rsqrt3A = math.rsqrt %max3A_10 : vector<2000xf32>
    %get3A_11 = arith.constant 0 : index
    %get3A_12 = arith.constant 0 : index
    %get3A_13 = arith.constant 1 : index
    %get3A_14 = vector.load %arg1[%get3A_11, %get3A_12, %get3A_13] : memref<2x2000x128xf32, #tpu.memory_space<vmem>>, vector<1x2000x1xf32>
    %get3A_15 = vector.shape_cast %get3A_14 : vector<1x2000x1xf32> to vector<2000xf32>
    %get3A_16 = arith.constant 1 : index
    %get3A_17 = arith.constant 0 : index
    %get3A_18 = arith.constant 1 : index
    %get3A_19 = vector.load %arg1[%get3A_16, %get3A_17, %get3A_18] : memref<2x2000x128xf32, #tpu.memory_space<vmem>>, vector<1x2000x1xf32>
    %get3A_20 = vector.shape_cast %get3A_19 : vector<1x2000x1xf32> to vector<2000xf32>
    %add3A_21 = arith.addf %get3A_15, %get3A_20 : vector<2000xf32>
    %max3A_22 = arith.constant 1.000000e+00 : f32
    %max3A_23 = vector.broadcast %max3A_22 : f32 to vector<2000xf32>
    %max3A_24 = arith.maximumf %add3A_21, %max3A_23 : vector<2000xf32>
    %rsqrt3A_25 = math.rsqrt %max3A_24 : vector<2000xf32>
    %get3A_26 = arith.constant 0 : index
    %get3A_27 = arith.constant 0 : index
    %get3A_28 = vector.load %arg2[%get3A_26, %get3A_27] : memref<2000x128xf32, #tpu.memory_space<vmem>>, vector<2000x128xf32>
    %broadcast_in_dim3A = vector.shape_cast %rsqrt3A : vector<2000xf32> to vector<2000x1xf32>
    %mul3A = vector.broadcast %broadcast_in_dim3A : vector<2000x1xf32> to vector<2000x128xf32>
    %mul3A_29 = arith.mulf %get3A_28, %mul3A : vector<2000x128xf32>
    %swap3A = arith.constant 0 : index
    %swap3A_30 = arith.constant 0 : index
    %swap3A_31 = vector.load %arg3[%swap3A, %swap3A_30] : memref<2000x128xf32, #tpu.memory_space<vmem>>, vector<2000x128xf32>
    tpu.vector_store %arg3[%swap3A, %swap3A_30], %mul3A_29 {strides = array<i32>} : memref<2000x128xf32, #tpu.memory_space<vmem>>, vector<2000x128xf32>,
    %stack3A = vector.shape_cast %rsqrt3A_25 : vector<2000xf32> to vector<2000x1xf32>
    %stack3A_32 = vector.shape_cast %rsqrt3A : vector<2000xf32> to vector<2000x1xf32>
    %stack3A_33 = tpu.concatenate %stack3A, %stack3A_32 in 1 : vector<2000x1xf32>, vector<2000x1xf32> -> vector<2000x2xf32>
    %swap3A_34 = arith.constant 0 : index
    %swap3A_35 = arith.constant 0 : index
    %swap3A_36 = vector.load %arg4[%swap3A_34, %swap3A_35] : memref<2000x2xf32, #tpu.memory_space<vmem>>, vector<2000x2xf32>
    tpu.vector_store %arg4[%swap3A_34, %swap3A_35], %stack3A_33 {strides = array<i32>} : memref<2000x2xf32, #tpu.memory_space<vmem>>, vector<2000x2xf32>,
    return
  }
  func.func @transform_0(%arg0: i32) -> (i32, i32, i32) {
    %c0_i32 = arith.constant 0 : i32
    %c0_i32_0 = arith.constant 0 : i32
    %c0_i32_1 = arith.constant 0 : i32
    return %c0_i32, %arg0, %c0_i32_0 : i32, i32, i32
  }
  func.func @transform_1(%arg0: i32) -> (i32, i32) {
    %c0_i32 = arith.constant 0 : i32
    %c0_i32_0 = arith.constant 0 : i32
    return %arg0, %c0_i32 : i32, i32
  }
  func.func @transform_2(%arg0: i32) -> (i32, i32) {
    %c0_i32 = arith.constant 0 : i32
    %c0_i32_0 = arith.constant 0 : i32
    return %arg0, %c0_i32 : i32, i32
  }
  func.func @transform_3(%arg0: i32) -> (i32, i32) {
    %c0_i32 = arith.constant 0 : i32
    %c0_i32_0 = arith.constant 0 : i32
    return %arg0, %c0_i32 : i32, i32
  }
}

module attributes {stable_mosaic.version = 14 : i64} {
  func.func @_tc_dense_body(%arg0: i32, %arg1: memref<2x2000x128xf32, #tpu.memory_space<vmem>>, %arg2: memref<2000x2xf32, #tpu.memory_space<vmem>>, %arg3: memref<128x256xf32, #tpu.memory_space<vmem>>, %arg4: memref<1x256xf32, #tpu.memory_space<vmem>>, %arg5: memref<256x128xf32, #tpu.memory_space<vmem>>, %arg6: memref<2000x128xf32, #tpu.memory_space<vmem>>) attributes {dimension_semantics = [#tpu.dimension_semantics<arbitrary>], iteration_bounds = array<i64: 5>, scalar_prefetch = 0 : i64, scratch_operands = 0 : i64, tpu.core_type = #tpu.core_type<tc>, window_params = [{transform_indices = @transform_0, window_bounds = array<i64: 2, 2000, 128>}, {transform_indices = @transform_1, window_bounds = array<i64: 2000, 2>}, {pipeline_mode = #tpu.pipeline_mode<synchronous>, transform_indices = @transform_2, window_bounds = array<i64: 128, 256>}, {pipeline_mode = #tpu.pipeline_mode<synchronous>, transform_indices = @transform_3, window_bounds = array<i64: 1, 256>}, {pipeline_mode = #tpu.pipeline_mode<synchronous>, transform_indices = @transform_4, window_bounds = array<i64: 256, 128>}, {transform_indices = @transform_5, window_bounds = array<i64: 2000, 128>}]} {
    %get3A = arith.constant 0 : index
    %get3A_0 = arith.constant 0 : index
    %get3A_1 = arith.constant 0 : index
    %get3A_2 = vector.load %arg1[%get3A, %get3A_0, %get3A_1] : memref<2x2000x128xf32, #tpu.memory_space<vmem>>, vector<1x2000x128xf32>
    %get3A_3 = vector.shape_cast %get3A_2 : vector<1x2000x128xf32> to vector<2000x128xf32>
    %get3A_4 = arith.constant 1 : index
    %get3A_5 = arith.constant 0 : index
    %get3A_6 = arith.constant 0 : index
    %get3A_7 = vector.load %arg1[%get3A_4, %get3A_5, %get3A_6] : memref<2x2000x128xf32, #tpu.memory_space<vmem>>, vector<1x2000x128xf32>
    %get3A_8 = vector.shape_cast %get3A_7 : vector<1x2000x128xf32> to vector<2000x128xf32>
    %add3A = arith.addf %get3A_3, %get3A_8 : vector<2000x128xf32>
    %get3A_9 = arith.constant 0 : index
    %get3A_10 = arith.constant 0 : index
    %get3A_11 = vector.load %arg2[%get3A_9, %get3A_10] : memref<2000x2xf32, #tpu.memory_space<vmem>>, vector<2000x1xf32>
    %get3A_12 = vector.shape_cast %get3A_11 : vector<2000x1xf32> to vector<2000xf32>
    %get3A_13 = arith.constant 0 : index
    %get3A_14 = arith.constant 1 : index
    %get3A_15 = vector.load %arg2[%get3A_13, %get3A_14] : memref<2000x2xf32, #tpu.memory_space<vmem>>, vector<2000x1xf32>
    %get3A_16 = vector.shape_cast %get3A_15 : vector<2000x1xf32> to vector<2000xf32>
    %get3A_17 = arith.constant 0 : index
    %get3A_18 = arith.constant 0 : index
    %get3A_19 = vector.load %arg3[%get3A_17, %get3A_18] : memref<128x256xf32, #tpu.memory_space<vmem>>, vector<128x256xf32>
    %dot_general3A = arith.constant dense<0.000000e+00> : vector<2000x256xf32>
    %dot_general3A_20 = tpu.matmul %add3A, %get3A_19, %dot_general3A {dimension_numbers = #tpu.dot_dimension_numbers<[1], [0], [0], [1], [0, 0, 1, 1], [], []>, transpose_lhs_hint = false} : vector<2000x128xf32>, vector<128x256xf32>, vector<2000x256xf32> -> vector<2000x256xf32>
    %broadcast_in_dim3A = vector.shape_cast %get3A_12 : vector<2000xf32> to vector<2000x1xf32>
    %mul3A = vector.broadcast %broadcast_in_dim3A : vector<2000x1xf32> to vector<2000x256xf32>
    %mul3A_21 = arith.mulf %dot_general3A_20, %mul3A : vector<2000x256xf32>
    %get3A_22 = arith.constant 0 : index
    %get3A_23 = arith.constant 0 : index
    %get3A_24 = vector.load %arg4[%get3A_22, %get3A_23] : memref<1x256xf32, #tpu.memory_space<vmem>>, vector<1x256xf32>
    %add3A_25 = vector.broadcast %get3A_24 : vector<1x256xf32> to vector<2000x256xf32>
    %add3A_26 = arith.addf %mul3A_21, %add3A_25 : vector<2000x256xf32>
    %max3A = arith.constant 0.000000e+00 : f32
    %max3A_27 = vector.broadcast %max3A : f32 to vector<2000x256xf32>
    %max3A_28 = arith.maximumf %add3A_26, %max3A_27 : vector<2000x256xf32>
    %broadcast_in_dim3A_29 = vector.shape_cast %get3A_16 : vector<2000xf32> to vector<2000x1xf32>
    %mul3A_30 = vector.broadcast %broadcast_in_dim3A_29 : vector<2000x1xf32> to vector<2000x256xf32>
    %mul3A_31 = arith.mulf %max3A_28, %mul3A_30 : vector<2000x256xf32>
    %get3A_32 = arith.constant 0 : index
    %get3A_33 = arith.constant 0 : index
    %get3A_34 = vector.load %arg5[%get3A_32, %get3A_33] : memref<256x128xf32, #tpu.memory_space<vmem>>, vector<256x128xf32>
    %dot_general3A_35 = arith.constant dense<0.000000e+00> : vector<2000x128xf32>
    %dot_general3A_36 = tpu.matmul %mul3A_31, %get3A_34, %dot_general3A_35 {dimension_numbers = #tpu.dot_dimension_numbers<[1], [0], [0], [1], [0, 0, 1, 1], [], []>, transpose_lhs_hint = false} : vector<2000x256xf32>, vector<256x128xf32>, vector<2000x128xf32> -> vector<2000x128xf32>
    %swap3A = arith.constant 0 : index
    %swap3A_37 = arith.constant 0 : index
    %swap3A_38 = vector.load %arg6[%swap3A, %swap3A_37] : memref<2000x128xf32, #tpu.memory_space<vmem>>, vector<2000x128xf32>
    tpu.vector_store %arg6[%swap3A, %swap3A_37], %dot_general3A_36 {strides = array<i32>} : memref<2000x128xf32, #tpu.memory_space<vmem>>, vector<2000x128xf32>,
    return
  }
  func.func @transform_0(%arg0: i32) -> (i32, i32, i32) {
    %c0_i32 = arith.constant 0 : i32
    %c0_i32_0 = arith.constant 0 : i32
    %c0_i32_1 = arith.constant 0 : i32
    return %c0_i32, %arg0, %c0_i32_0 : i32, i32, i32
  }
  func.func @transform_1(%arg0: i32) -> (i32, i32) {
    %c0_i32 = arith.constant 0 : i32
    %c0_i32_0 = arith.constant 0 : i32
    return %arg0, %c0_i32 : i32, i32
  }
  func.func @transform_2(%arg0: i32) -> (i32, i32) {
    %c0_i32 = arith.constant 0 : i32
    %c0_i32_0 = arith.constant 0 : i32
    %c0_i32_1 = arith.constant 0 : i32
    return %c0_i32, %c0_i32_0 : i32, i32
  }
  func.func @transform_3(%arg0: i32) -> (i32, i32) {
    %c0_i32 = arith.constant 0 : i32
    %c0_i32_0 = arith.constant 0 : i32
    %c0_i32_1 = arith.constant 0 : i32
    return %c0_i32, %c0_i32_0 : i32, i32
  }
  func.func @transform_4(%arg0: i32) -> (i32, i32) {
    %c0_i32 = arith.constant 0 : i32
    %c0_i32_0 = arith.constant 0 : i32
    %c0_i32_1 = arith.constant 0 : i32
    return %c0_i32, %c0_i32_0 : i32, i32
  }
  func.func @transform_5(%arg0: i32) -> (i32, i32) {
    %c0_i32 = arith.constant 0 : i32
    %c0_i32_0 = arith.constant 0 : i32
    return %arg0, %c0_i32 : i32, i32
  }
}

module attributes {stable_mosaic.version = 14 : i64} {
  func.func @_tc_final_body(%arg0: i32, %arg1: memref<2x2000x128xf32, #tpu.memory_space<vmem>>, %arg2: memref<2000x2xf32, #tpu.memory_space<vmem>>, %arg3: memref<1x128xf32, #tpu.memory_space<vmem>>, %arg4: memref<2000x128xf32, #tpu.memory_space<vmem>>) attributes {dimension_semantics = [#tpu.dimension_semantics<arbitrary>], iteration_bounds = array<i64: 5>, scalar_prefetch = 0 : i64, scratch_operands = 0 : i64, tpu.core_type = #tpu.core_type<tc>, window_params = [{transform_indices = @transform_0, window_bounds = array<i64: 2, 2000, 128>}, {transform_indices = @transform_1, window_bounds = array<i64: 2000, 2>}, {pipeline_mode = #tpu.pipeline_mode<synchronous>, transform_indices = @transform_2, window_bounds = array<i64: 1, 128>}, {transform_indices = @transform_3, window_bounds = array<i64: 2000, 128>}]} {
    %get3A = arith.constant 0 : index
    %get3A_0 = arith.constant 0 : index
    %get3A_1 = arith.constant 0 : index
    %get3A_2 = vector.load %arg1[%get3A, %get3A_0, %get3A_1] : memref<2x2000x128xf32, #tpu.memory_space<vmem>>, vector<1x2000x128xf32>
    %get3A_3 = vector.shape_cast %get3A_2 : vector<1x2000x128xf32> to vector<2000x128xf32>
    %get3A_4 = arith.constant 1 : index
    %get3A_5 = arith.constant 0 : index
    %get3A_6 = arith.constant 0 : index
    %get3A_7 = vector.load %arg1[%get3A_4, %get3A_5, %get3A_6] : memref<2x2000x128xf32, #tpu.memory_space<vmem>>, vector<1x2000x128xf32>
    %get3A_8 = vector.shape_cast %get3A_7 : vector<1x2000x128xf32> to vector<2000x128xf32>
    %add3A = arith.addf %get3A_3, %get3A_8 : vector<2000x128xf32>
    %get3A_9 = arith.constant 0 : index
    %get3A_10 = arith.constant 0 : index
    %get3A_11 = vector.load %arg2[%get3A_9, %get3A_10] : memref<2000x2xf32, #tpu.memory_space<vmem>>, vector<2000x1xf32>
    %get3A_12 = vector.shape_cast %get3A_11 : vector<2000x1xf32> to vector<2000xf32>
    %broadcast_in_dim3A = vector.shape_cast %get3A_12 : vector<2000xf32> to vector<2000x1xf32>
    %mul3A = vector.broadcast %broadcast_in_dim3A : vector<2000x1xf32> to vector<2000x128xf32>
    %mul3A_13 = arith.mulf %add3A, %mul3A : vector<2000x128xf32>
    %get3A_14 = arith.constant 0 : index
    %get3A_15 = arith.constant 0 : index
    %get3A_16 = vector.load %arg3[%get3A_14, %get3A_15] : memref<1x128xf32, #tpu.memory_space<vmem>>, vector<1x128xf32>
    %add3A_17 = vector.broadcast %get3A_16 : vector<1x128xf32> to vector<2000x128xf32>
    %add3A_18 = arith.addf %mul3A_13, %add3A_17 : vector<2000x128xf32>
    %swap3A = arith.constant 0 : index
    %swap3A_19 = arith.constant 0 : index
    %swap3A_20 = vector.load %arg4[%swap3A, %swap3A_19] : memref<2000x128xf32, #tpu.memory_space<vmem>>, vector<2000x128xf32>
    tpu.vector_store %arg4[%swap3A, %swap3A_19], %add3A_18 {strides = array<i32>} : memref<2000x128xf32, #tpu.memory_space<vmem>>, vector<2000x128xf32>,
    return
  }
  func.func @transform_0(%arg0: i32) -> (i32, i32, i32) {
    %c0_i32 = arith.constant 0 : i32
    %c0_i32_0 = arith.constant 0 : i32
    %c0_i32_1 = arith.constant 0 : i32
    return %c0_i32, %arg0, %c0_i32_0 : i32, i32, i32
  }
  func.func @transform_1(%arg0: i32) -> (i32, i32) {
    %c0_i32 = arith.constant 0 : i32
    %c0_i32_0 = arith.constant 0 : i32
    return %arg0, %c0_i32 : i32, i32
  }
  func.func @transform_2(%arg0: i32) -> (i32, i32) {
    %c0_i32 = arith.constant 0 : i32
    %c0_i32_0 = arith.constant 0 : i32
    %c0_i32_1 = arith.constant 0 : i32
    return %c0_i32, %c0_i32_0 : i32, i32
  }
  func.func @transform_3(%arg0: i32) -> (i32, i32) {
    %c0_i32 = arith.constant 0 : i32
    %c0_i32_0 = arith.constant 0 : i32
    return %arg0, %c0_i32 : i32, i32
  }
}

</mosaic_0001>

<sc_bundles>
// kernel: kernel.11.cloned.1.call-start
scs
__scs_entry_jumppad:
0x0: {  	(pc) =	sbr.rel $0x88, $3  }
0x1: {  	(tag) =	ssettag $0x0;
	lr =	simm.s32 $0x1  }
0x2: {  	[smem:$0x3F9B] =	sst lr;
	_ =	strace $0xD0000000  }
0x3: {  	_ = 	snop  }
0x4: {  	_ = 	snop  }
0x5: {  	_ = 	snop  }
0x6: {  	_ = 	snop  }
0x7: {  	_ = 	snop  }
__scs_overlays_trampoline_lowered:
0x8: {  	[smem:$0x3FAA] =	sst s0  }
0x9: {  	[smem:$0x3FAB] =	sst s1  }
0xa: {  	[smem:$0x3FAC] =	sst s2  }
0xb: {  	[smem:$0x3FAD] =	sst s3  }
0xc: {  	[smem:$0x3FAE] =	sst s4  }
0xd: {  	[smem:$0x3FAF] =	sst s5  }
0xe: {  	[smem:$0x3FB0] =	sst s6  }
0xf: {  	[smem:$0x3FB1] =	sst s7  }
0x10: {  	[smem:$0x3FB2] =	sst s8  }
0x11: {  	[smem:$0x3FB3] =	sst s9;
	s0 =	simm.s32 @!p0 $0x0  }
0x12: {  	s1 =	sld [smem:$0x3F99];
	s0 =	simm.s32 @p0 $0x1  }
0x13: {  	[smem:$0x3FB4] =	sst s0;
	s0 =	simm.s32 @!p1 $0x0  }
0x14: {  	s2 =	sld [smem:$0x3F98];
	s0 =	simm.s32 @p1 $0x1  }
0x15: {  	[smem:$0x3FB5] =	sst s0;
	s0 =	simm.s32 @!p2 $0x0  }
0x16: {  	s3 =	sld [smem:$0x3FDB];
	s0 =	simm.s32 @p2 $0x1  }
0x17: {  	s4 =	simm.s32 $0x1BF5;
	[smem:$0x3FB7] =	sst s0  }
0x18: {  	s0 =	sld [smem:$0x3F9A];
	_ =	swait.ge [sflag:s4], $0x0  }
0x19: {  	s7 =	sld [smem:$0x3F9B]  }
0x1a: {  	s8 =	sadd.s32 $0xFFFFE003, lr  }
0x1b: {  	s9 =	sadd.s32 $0xFFFFFEF7, lr;
	s5 =	simm.s32 $0xFFFFFFFF;
	p2 =	slt.u32 s8, $0xFFFFF086  }
0x1c: {  	p1 =	slt.u32 s9, $0xF7A;
	s5 =	simm.s32 @!p2 $0x0  }
0x1d: {  	s5 =	simm.s32 @p1 $0x1;
	p0 =	seq.s32 s7, s2  }
0x1e: {  	s7 =	smul.u32 @!p0 $0xF7A, s2;
	p2 =	seq.s32 @!p0 s5, $0x0  }
0x1f: {  	s9 =	smul.u32 $0xF7A, s1;
	s8 =	simm.s32 @!p0 $0x1BF5;
	p2 =	por !p2, p0  }
0x20: {  	[sflag:s8] =	ssyncset.s32 @!p0 $0xFFFFF086;
	s6 =	sadd.s32 @!p0 s3, s7;
	s7 =	simm.s32 @!p0 $0x108  }
0x21: {  	s3 =	sadd.s32 s3, s9;
	s6 =	sadd.s32 @!p0 $0x88, s6;
	s7 =	simm.s32 @p2 $0x1082  }
0x22: {  	[simem:s7], [sflag:s8] =	dma.local @!p0 [hbm:s6], $0xF7A  }
0x23: {  	s9 =	sor.u32 $0xD0000000, s2;
	s6 =	simm.s32 $0x108;
	_ =	swait.ge @!p0 [sflag:s8], $0x0  }
0x24: {  	s3 =	sadd.s32 $0x88, s3;
	s6 =	simm.s32 @!p1 $0x1082;
	[sflag:s4] =	ssyncset.s32 $0xFFFFF086  }
0x25: {  	[simem:s6], [sflag:s4] =	dma.local [hbm:s3], $0xF7A  }
0x26: {  	[smem:$0x3F9B] =	sst s1;
	(tag) =	ssettag s2;
	_ =	strace s9  }
0x27: {  	s1 =	sld [smem:$0x3FAB]  }
0x28: {  	s2 =	sld [smem:$0x3FAC]  }
0x29: {  	s4 =	sld [smem:$0x3FAE]  }
0x2a: {  	p0 =	seq.s32 s5, $0x0;
	s5 =	sld [smem:$0x3FAF]  }
0x2b: {  	s6 =	sld [smem:$0x3FB0]  }
0x2c: {  	s7 =	sld [smem:$0x3FB1]  }
0x2d: {  	s3 =	simm.s32 $0x108;
	s8 =	sld [smem:$0x3FB2]  }
0x2e: {  	s3 =	simm.s32 @!p0 $0x1082;
	s9 =	sld [smem:$0x3FB3]  }
0x2f: {  	lr =	sadd.s32 s0, s3;
	s0 =	sld [smem:$0x3FAA]  }
0x30: {  	s3 =	sld [smem:$0x3FAD]  }
0x31: {  	[smem:$0x3FB6] =	sst s10  }
0x32: {  	s10 =	sld [smem:$0x3FB4];
	_ =	sdelay $0x3  }
0x33: {  	p0 =	seq.s32 s10, $0x1;
	s10 =	sld [smem:$0x3FB6];
	_ =	sdelay $0x3  }
0x34: {  	[smem:$0x3FB6] =	sst s10  }
0x35: {  	s10 =	sld [smem:$0x3FB5];
	_ =	sdelay $0x3  }
0x36: {  	p1 =	seq.s32 s10, $0x1;
	s10 =	sld [smem:$0x3FB6];
	_ =	sdelay $0x3  }
0x37: {  	[smem:$0x3FB6] =	sst s10  }
0x38: {  	s10 =	sld [smem:$0x3FB7]  }
0x39: {  	_ = 	snop;
	(pc) =	sbr.ind lr, $3  }
0x3a: {  	_ = 	snop  }
0x3b: {  	_ = 	snop  }
0x3c: {  	p2 =	seq.s32 s10, $0x1;
	s10 =	sld [smem:$0x3FB6]  }
0x3d: {  	_ =	shalt  }
0x3e: {  	_ =	shalt  }
0x3f: {  	_ =	shalt  }
0x40: {  	_ =	shalt  }
0x41: {  	_ =	shalt  }
0x42: {  	_ =	shalt  }
0x43: {  	_ =	shalt  }
0x44: {  	_ =	shalt  }
0x45: {  	_ =	shalt  }
0x46: {  	_ =	shalt  }
0x47: {  	_ =	shalt  }
0x48: {  	_ =	shalt  }
0x49: {  	_ =	shalt  }
0x4a: {  	_ =	shalt  }
0x4b: {  	_ =	shalt  }
0x4c: {  	_ =	shalt  }
0x4d: {  	_ =	shalt  }
0x4e: {  	_ =	shalt  }
0x4f: {  	_ =	shalt  }
0x50: {  	_ =	shalt  }
0x51: {  	_ =	shalt  }
0x52: {  	_ =	shalt  }
0x53: {  	_ =	shalt  }
0x54: {  	_ =	shalt  }
0x55: {  	_ =	shalt  }
0x56: {  	_ =	shalt  }
0x57: {  	_ =	shalt  }
0x58: {  	_ =	shalt  }
0x59: {  	_ =	shalt  }
0x5a: {  	_ =	shalt  }
0x5b: {  	_ =	shalt  }
0x5c: {  	_ =	shalt  }
0x5d: {  	_ =	shalt  }
0x5e: {  	_ =	shalt  }
0x5f: {  	_ =	shalt  }
0x60: {  	_ =	shalt  }
0x61: {  	_ =	shalt  }
0x62: {  	_ =	shalt  }
0x63: {  	_ =	shalt  }
0x64: {  	_ =	shalt  }
0x65: {  	_ =	shalt  }
0x66: {  	_ =	shalt  }
0x67: {  	_ =	shalt  }
0x68: {  	_ =	shalt  }
0x69: {  	_ =	shalt  }
0x6a: {  	_ =	shalt  }
0x6b: {  	_ =	shalt  }
0x6c: {  	_ =	shalt  }
0x6d: {  	_ =	shalt  }
0x6e: {  	_ =	shalt  }
0x6f: {  	_ =	shalt  }
0x70: {  	_ =	shalt  }
0x71: {  	_ =	shalt  }
0x72: {  	_ =	shalt  }
0x73: {  	_ =	shalt  }
0x74: {  	_ =	shalt  }
0x75: {  	_ =	shalt  }
0x76: {  	_ =	shalt  }
0x77: {  	_ =	shalt  }
0x78: {  	_ =	shalt  }
0x79: {  	_ =	shalt  }
0x7a: {  	_ =	shalt  }
0x7b: {  	_ =	shalt  }
0x7c: {  	_ =	shalt  }
0x7d: {  	_ =	shalt  }
0x7e: {  	_ =	shalt  }
0x7f: {  	_ =	shalt  }
0x80: {  	_ =	shalt  }
0x81: {  	_ =	shalt  }
0x82: {  	_ =	shalt  }
0x83: {  	_ =	shalt  }
0x84: {  	_ =	shalt  }
0x85: {  	_ =	shalt  }
0x86: {  	_ =	shalt  }
0x87: {  	_ =	shalt  }
.Lfunc_end0:
.L_simem_size_0:
called_computation.1_lowered:
.L_overlay_start_0:
0x88: {  	s2 =	sld [smem:$0x3FD9]  }
0x89: {  	s3 =	sld [smem:$0x3FFE];
	_ =	sdelay $0x1  }
0x8a: {  	s1 =	srdreg.scid  }
0x8b: {  	s0 =	sand.u32 $0x1, s1  }
0x8c: {  	s17 =	sshll.u32 s0, $0xA;
	s2 =	sadd.s32 s3, s2  }
0x8d: {  	s2 =	sadd.s32 s2, s17  }
0x8e: {  	[smem:$0x3FC2] =	sst s2  }
0x8f: {  	_ = 	snop  }
0x90: {  	s2 =	sld [smem:$0x3FD0];
	(tm) =	ssettm $0x1  }
0x91: {  	s18 =	sld [smem:$0x3FFB];
	_ =	sdelay $0x3  }
0x92: {  	_ =	strace s18  }
0x93: {  	s3 =	sld [smem:$0x3FFC];
	_ =	sdelay $0x3  }
0x94: {  	_ =	strace s3  }
0x95: {  	s3 =	sld [smem:$0x3FFD];
	_ =	sdelay $0x3  }
0x96: {  	_ =	strace s3  }
0x97: {  	_ =	strace $0x8FFFFFFF  }
0x98: {  	s19 =	sld [smem:$0x3FDB];
	_ =	sdelay $0x1  }
0x99: {  	s4 =	simm.s32 $_scs_section_size  }
0x9a: {  	s5 =	simm.s32 $_size__tile_overlayer_lowered;
	s6 =	simm.s32 $_tile_overlayer_lowered  }
0x9b: {  	s22 =	simm.s32 $0x1BFF;
	s21 =	sshll.u32 s6, $0x1;
	s3 =	sadd.s32 s4, s19  }
0x9c: {  	s7 =	simm.s32 $0x0;
	s20 =	sshll.u32 s5, $0x1;
	s5 =	sadd.s32 s21, s3  }
0x9d: {  	[timem:s7], [sflag:s22] =	dma.local [hbm:s5], s20  }
0x9e: {  	_ =	swait.ge [sflag:s22], s20  }
0x9f: {  	s4 =	ssub.s32 $0x0, s20;
	[sflag:s22] =	ssyncset.done $0x0  }
0xa0: {  	[sflag:s22] =	ssyncadd.s32 s4;
	_ =	sdelay $0x1  }
0xa1: {  	s23 =	simm.s32 $0x1B8B  }
0xa2: {  	_ =	swait.ge [sflag:s23], $0x1  }
0xa3: {  	[sflag:s23] =	ssyncset.done $0x0  }
0xa4: {  	s25 =	simm.s32 $0x1B8E;
	s24 =	sld [smem:$0x3FFE];
	[sflag:s23] =	ssyncadd.s32 $0xFFFFFFFF  }
0xa5: {  	s26 =	simm.s32 $execute0_lowered;
	[smem:$0x3FD2] =	sst s25  }
0xa6: {  	s5 =	sshll.u32 s26, $0x1;
	_ =	strace $0x80000049;
	[dreg:$0x1] =	wrdreg $0xFFFFFFFF  }
0xa7: {  	s28 =	simm.s32 $_size_execute0_lowered;
	s3 =	sadd.s32 s3, s5;
	[dreg:$0x0] =	wrdreg $0x0  }
0xa8: {  	s5 =	sshll.u32 s28, $0x1;
	[dreg:$0x2] =	wrdreg s3  }
0xa9: {  	[dreg:$0x3] =	wrdreg s5  }
0xaa: {  	[dreg:$0x4] =	wrdreg $0xC0  }
0xab: {  	_ =	task [dreg:s7], $0x5FFFF  }
0xac: {  	[dreg:$0x1] =	wrdreg $0xFFFFFFFF  }
0xad: {  	[dreg:$0x0] =	wrdreg $0x60  }
0xae: {  	[dreg:$0x2] =	wrdreg s24  }
0xaf: {  	[dreg:$0x3] =	wrdreg s2  }
0xb0: {  	[dreg:$0x4] =	wrdreg $0xA8000  }
0xb1: {  	[dreg:$0x5] =	wrdreg $0x9  }
0xb2: {  	_ =	task.clear_ibuf [dreg:s7], $0x6FFFF;
	_ =	strace $0x90000049  }
0xb3: {  	s29 =	simm.s32 $0x9;
	_ =	strace $0x8000004B  }
0xb4: {  	_ =	swait.ge [sflag:s29], $0x1  }
0xb5: {  	[sflag:s29] =	ssyncadd.s32 $0xFFFFFFFF  }
0xb6: {  	_ =	strace $0x9000004B  }
0xb7: {  	_ =	sfence  }
0xb8: {  	s30 =	sld [smem:$0x0];
	_ =	sdelay $0x2  }
0xb9: {  	s31 =	sshll.u32 s1, $0xD;
	s1 =	sshrl.u32 s1, $0x2  }
0xba: {  	s3 =	sand.u32 $0x4000, s31;
	s1 =	sadd.s32 s1, s30  }
0xbb: {  	s0 =	sor.u32 s3, s0;
	s1 =	sshll.u32 s1, $0x11  }
0xbc: {  	s0 =	sor.u32 s1, s0  }
0xbd: {  	s0 =	sadd.s32 $0x8F2B, s0  }
0xbe: {  	[sflag:s0] =	ssyncadd.remote.s32 $0x1  }
0xbf: {  	_ =	sfence.sel $0xFFFF  }
0xc0: {  	[dreg:$0x0] =	wrdreg $0xFFFFFFFF;
	(pc) =	sbr.abs _section_cstart, $3  }
0xc1: {  	[dreg:$0x1] =	wrdreg $0xFFFFFFFF  }
0xc2: {  	_ =	task.clear_ibuf [dreg:s7], $0x2FFFF;
	_ =	strace $0x9FFFFFFF  }
0xc3: {  	(tm) =	ssettm $0x7FFFFFFF  }
tec
execute0_lowered:
.L_overlay_start_1:
0x0: {  	(tag) =	ssettag $0x1  }
0x1: {  	s5 =	rddreg [dreg:$0x0]  }
0x2: {  	s7 =	rddreg [dreg:$0x1]  }
0x3: {  	s1 =	rddreg [dreg:$0x2]  }
0x4: {  	s0 =	rddreg [dreg:$0x3]  }
0x5: {  	s2 =	simm.s32 $0x0;
	s6 =	srdreg.scid;
	s3 =	stileid.u32  }
0x6: {  	s19 =	simm.s32 $0x7D;
	s20 =	simm.s32 $0x2800;
	s21 =	simm.s32 $0x1  }
0x7: {  	s28 =	simm.s32 $0x0;
	[smem:$0x7FF] =	sst s2;
	s4 =	sadd.s32 $0x16000, s5  }
0x8: {  	s10 =	sadd.s32 $0xC000, s5;
	s11 =	sadd.s32 $0x2000, s5;
	s23 =	smul.u32 $0x4E000, s3  }
0x9: {  	s8 =	sand.u32 $0x1, s6;
	s12 =	sadd.s32 $0x3D200, s5;
	s13 =	smul.u32 $0x13800, s3  }
0xa: {  	s14 =	sshll.u32 s3, $0x1;
	s29 =	sshll.u32 s3, $0x6;
	s18 =	sadd.s32 $0x138000, s1  }
0xb: {  	p0 =	sne.s32 s3, $0xF;
	_ =	strace $0x8000004A;
	s22 =	ssub.s32 $0x2, s8  }
0xc: {  	s25 =	sor.u32 s8, s14;
	s6 =	sor.u32 $0x1C03, s29;
	s31 =	smul.u32 $0x138800, s8  }
0xd: {  	s9 =	sshrl.u32 s22, $0x1;
	s24 =	sshrl.u32 s23, $0x2;
	s26 =	sshrl.u32 s13, $0x3  }
0xe: {  	s16 =	smul.u32 $0x2800, s25;
	s23 =	simm.s32 $0x2;
	s25 =	simm.s32 $0x2700  }
0xf: {  	s15 =	ssub.s32 s22, s9;
	s17 =	sadd.s32 s24, s1;
	s5 =	sadd.s32 s7, s26  }
0x10: {  	s7 =	sadd.s32 $0x27000, s7;
	s13 =	sadd.s32 s13, s31;
	s22 =	simm.s32 $0x6800  }
0x11: {  	s24 =	simm.s32 $0x1380;
	s26 =	simm.s32 $0x2780;
	s30 =	sshrl.u32 s16, $0x3  }
0x12: {  	s16 =	sshrl.u32 s31, $0x3;
	s13 =	sshrl.u32 s13, $0x3;
	s8 =	sadd.s32 s10, s30  }
0x13: {  	s9 =	sadd.s32 s11, s30;
	s14 =	sadd.s32 $0x280, s30;
	s16 =	sadd.s32 s12, s16  }
0x14: {  	s12 =	sadd.s32 s12, s13;
	s10 =	sadd.s32 s10, s14;
	s11 =	sadd.s32 s11, s14  }
0x15: {  	s13 =	sadd.s32 $0x27000, s16;
	s14 =	smax.u32 s15, $0x1;
	s15 =	sshrl.u32 s17, $0x3  }
0x16: {  	s16 =	simm.s32 $0x3;
	s17 =	sshrl.u32 @!p0 s18, $0x3;
	s18 =	simm.s32 $0x1400  }
.LBB2_1:
0x17: {  	[spmem:s15], [sflag:s6] =	dma.local [hbm:s5], $0x2700  }
0x18: {  	_ =	swait.ge [sflag:s16], $0x2700  }
0x19: {  	[sflag:s16] =	ssyncset.done $0x0  }
0x1a: {  	s29 =	simm.s32 @!p0 $0x3;
	[sflag:s16] =	ssyncadd.s32 $0xFFFFD900  }
0x1b: {  	[spmem:s17], [sflag:s6] =	dma.local @!p0 [hbm:s7], $0x100  }
0x1c: {  	_ =	swait.ge @!p0 [sflag:s29], $0x100  }
0x1d: {  	[sflag:s29] =	ssyncset.done @!p0 $0x0  }
0x1e: {  	[sflag:s29] =	ssyncadd.s32 @!p0 $0xFFFFFF00  }
0x1f: {  	[tilespmem:s2], [sflag:$0x3] =	stream.linear.gather [hbm4b:s8+s2], $0x1400, $0x38;
	[tilespmem:$0x1E080] =	vst v63  }
0x20: {  	_ =	swait.ge [sflag:s16], $0x1400  }
0x21: {  	[sflag:s16] =	ssyncset.done $0x0  }
0x22: {  	[sflag:s16] =	ssyncadd.s32 $0xFFFFEC00  }
0x23: {  	[tilespmem:s18], [sflag:$0x3] =	stream.linear.gather [hbm4b:s9+s2], $0x1400, $0x38;
	[tilespmem:$0x1E080] =	vst v63  }
0x24: {  	_ =	swait.ge [sflag:s16], $0x1400  }
0x25: {  	[sflag:s16] =	ssyncset.done $0x0  }
0x26: {  	[sflag:s16] =	ssyncadd.s32 $0xFFFFEC00  }
0x27: {  	[bflag:$0x0] =	sbarrier.arrive $0xFFFF  }
0x28: {  	[tilespmem:s20], [sflag:$0x1] =	stream.indirect.gather [hbm4b:s4+s19], $0x80, s2, s19, $0xb8;
	[tilespmem:$0x1E080] =	vst v63  }
0x29: {  	_ =	swait.ge [sflag:s21], $0x3E80  }
0x2a: {  	[sflag:s21] =	ssyncset.done $0x0  }
0x2b: {  	s29 =	simm.s32 $0x80;
	[sflag:s21] =	ssyncadd.s32 $0xFFFFC180  }
0x2c: {  	[tilespmem:s22], [sflag:$0x2] =	stream.indirect.gather [hbm4b:s4+s19], $0x80, s29, s19, $0xb8;
	[tilespmem:$0x1E080] =	vst v63  }
0x2d: {  	s29 =	simm.s32 $0x1400  }
0x2e: {  	[spmem:s1] =	stream.indirect.scatter.add.f32 [tilespmem:s20], [sflag:$0x3], $0x80, s29, s19, $0xb8;
	[tilespmem:$0x1E080] =	vst v63  }
0x2f: {  	_ =	swait.ge [sflag:s16], $0x3E80  }
0x30: {  	[sflag:s16] =	ssyncset.done $0x0  }
0x31: {  	[sflag:s16] =	ssyncadd.s32 $0xFFFFC180  }
0x32: {  	_ =	swait.ge [sflag:s23], $0x3E80  }
0x33: {  	[sflag:s23] =	ssyncset.done $0x0  }
0x34: {  	s29 =	simm.s32 $0x100;
	[sflag:s23] =	ssyncadd.s32 $0xFFFFC180  }
0x35: {  	[tilespmem:s20], [sflag:$0x1] =	stream.indirect.gather [hbm4b:s4+s19], $0x80, s29, s19, $0xb8;
	[tilespmem:$0x1E080] =	vst v63  }
0x36: {  	s29 =	simm.s32 $0x1480  }
0x37: {  	[spmem:s1] =	stream.indirect.scatter.add.f32 [tilespmem:s22], [sflag:$0x3], $0x80, s29, s19, $0xb8;
	[tilespmem:$0x1E080] =	vst v63  }
0x38: {  	_ =	swait.ge [sflag:s16], $0x3E80  }
0x39: {  	s29 =	simm.s32 $0x400;
	[sflag:s16] =	ssyncset.done $0x0  }
.LBB2_2:
0x3a: {  	p1 =	sne.s32 s29, $0x4800  }
0x3b: {  	[sflag:s16] =	ssyncadd.s32 $0xFFFFC180;
	s30 =	smov.u32 s29;
	s29 =	sadd.s32 $0x400, s29  }
0x3c: {  	_ = 	snop  }
0x3d: {  	_ =	swait.ge [sflag:s21], $0x3E80  }
0x3e: {  	s30 =	sshra.s32 s30, $0x2;
	[sflag:s21] =	ssyncset.done $0x0  }
0x3f: {  	s31 =	sadd.s32 $0x80, s30;
	[sflag:s21] =	ssyncadd.s32 $0xFFFFC180  }
0x40: {  	[tilespmem:s22], [sflag:$0x2] =	stream.indirect.gather [hbm4b:s4+s19], $0x80, s31, s19, $0xb8;
	[tilespmem:$0x1E080] =	vst v63  }
0x41: {  	s31 =	sadd.s32 $0x1400, s30  }
0x42: {  	[spmem:s1] =	stream.indirect.scatter.add.f32 [tilespmem:s20], [sflag:$0x3], $0x80, s31, s19, $0xb8;
	[tilespmem:$0x1E080] =	vst v63  }
0x43: {  	_ =	swait.ge [sflag:s16], $0x3E80  }
0x44: {  	[sflag:s16] =	ssyncset.done $0x0  }
0x45: {  	[sflag:s16] =	ssyncadd.s32 $0xFFFFC180  }
0x46: {  	_ =	swait.ge [sflag:s23], $0x3E80  }
0x47: {  	[sflag:s23] =	ssyncset.done $0x0  }
0x48: {  	s31 =	sadd.s32 $0x100, s30;
	[sflag:s23] =	ssyncadd.s32 $0xFFFFC180  }
0x49: {  	[tilespmem:s20], [sflag:$0x1] =	stream.indirect.gather [hbm4b:s4+s19], $0x80, s31, s19, $0xb8;
	[tilespmem:$0x1E080] =	vst v63  }
.Ltmp0:
0x4a: {  	_ = 	snop;
	(pc) =	sbr.rel @p1 .LBB2_2-.Ltmp0, $4  }
0x4b: {  	s30 =	sadd.s32 $0x1480, s30  }
0x4c: {  	[spmem:s1] =	stream.indirect.scatter.add.f32 [tilespmem:s22], [sflag:$0x3], $0x80, s30, s19, $0xb8;
	[tilespmem:$0x1E080] =	vst v63  }
0x4d: {  	_ =	swait.ge [sflag:s16], $0x3E80  }
0x4e: {  	[sflag:s16] =	ssyncset.done $0x0  }
0x4f: {  	[sflag:s16] =	ssyncadd.s32 $0xFFFFC180  }
0x50: {  	_ =	swait.ge [sflag:s21], $0x3E80  }
0x51: {  	[sflag:s21] =	ssyncset.done $0x0  }
0x52: {  	[sflag:s21] =	ssyncadd.s32 $0xFFFFC180  }
0x53: {  	[tilespmem:s22], [sflag:$0x2] =	stream.indirect.gather [hbm4b:s4+s19], $0x80, s24, s19, $0xb8;
	[tilespmem:$0x1E080] =	vst v63  }
0x54: {  	_ = 	snop  }
0x55: {  	[spmem:s1] =	stream.indirect.scatter.add.f32 [tilespmem:s20], [sflag:$0x3], $0x80, s25, s19, $0xb8;
	[tilespmem:$0x1E080] =	vst v63  }
0x56: {  	_ =	swait.ge [sflag:s16], $0x3E80  }
0x57: {  	[sflag:s16] =	ssyncset.done $0x0  }
0x58: {  	[sflag:s16] =	ssyncadd.s32 $0xFFFFC180  }
0x59: {  	_ =	swait.ge [sflag:s23], $0x3E80  }
0x5a: {  	[sflag:s23] =	ssyncset.done $0x0  }
0x5b: {  	[sflag:s23] =	ssyncadd.s32 $0xFFFFC180  }
0x5c: {  	[spmem:s1] =	stream.indirect.scatter.add.f32 [tilespmem:s22], [sflag:$0x3], $0x80, s26, s19, $0xb8;
	[tilespmem:$0x1E080] =	vst v63  }
0x5d: {  	_ =	swait.ge [sflag:s16], $0x3E80  }
0x5e: {  	[sflag:s16] =	ssyncset.done $0x0  }
0x5f: {  	s29 =	simm.s32 $0x0;
	[sflag:s16] =	ssyncadd.s32 $0xFFFFC180  }
0x60: {  	[tilespmem:s29], [sflag:$0x3] =	stream.linear.gather [hbm4b:s10+s29], $0x1400, $0x38;
	[tilespmem:$0x1E080] =	vst v63  }
0x61: {  	_ =	swait.ge [sflag:s16], $0x1400  }
0x62: {  	[sflag:s16] =	ssyncset.done $0x0  }
0x63: {  	[sflag:s16] =	ssyncadd.s32 $0xFFFFEC00  }
0x64: {  	[tilespmem:s18], [sflag:$0x3] =	stream.linear.gather [hbm4b:s11+s29], $0x1400, $0x38;
	[tilespmem:$0x1E080] =	vst v63  }
0x65: {  	_ =	swait.ge [sflag:s16], $0x1400  }
0x66: {  	[sflag:s16] =	ssyncset.done $0x0  }
0x67: {  	[sflag:s16] =	ssyncadd.s32 $0xFFFFEC00  }
0x68: {  	[tilespmem:s20], [sflag:$0x1] =	stream.indirect.gather [hbm4b:s4+s19], $0x80, s29, s19, $0xb8;
	[tilespmem:$0x1E080] =	vst v63  }
0x69: {  	_ =	swait.ge [sflag:s21], $0x3E80  }
0x6a: {  	[sflag:s21] =	ssyncset.done $0x0  }
0x6b: {  	s29 =	simm.s32 $0x80;
	[sflag:s21] =	ssyncadd.s32 $0xFFFFC180  }
0x6c: {  	[tilespmem:s22], [sflag:$0x2] =	stream.indirect.gather [hbm4b:s4+s19], $0x80, s29, s19, $0xb8;
	[tilespmem:$0x1E080] =	vst v63  }
0x6d: {  	s29 =	simm.s32 $0x1400  }
0x6e: {  	[spmem:s1] =	stream.indirect.scatter.add.f32 [tilespmem:s20], [sflag:$0x3], $0x80, s29, s19, $0xb8;
	[tilespmem:$0x1E080] =	vst v63  }
0x6f: {  	_ =	swait.ge [sflag:s16], $0x3E80  }
0x70: {  	[sflag:s16] =	ssyncset.done $0x0  }
0x71: {  	[sflag:s16] =	ssyncadd.s32 $0xFFFFC180  }
0x72: {  	_ =	swait.ge [sflag:s23], $0x3E80  }
0x73: {  	[sflag:s23] =	ssyncset.done $0x0  }
0x74: {  	s29 =	simm.s32 $0x100;
	[sflag:s23] =	ssyncadd.s32 $0xFFFFC180  }
0x75: {  	[tilespmem:s20], [sflag:$0x1] =	stream.indirect.gather [hbm4b:s4+s19], $0x80, s29, s19, $0xb8;
	[tilespmem:$0x1E080] =	vst v63  }
0x76: {  	s29 =	simm.s32 $0x1480  }
0x77: {  	[spmem:s1] =	stream.indirect.scatter.add.f32 [tilespmem:s22], [sflag:$0x3], $0x80, s29, s19, $0xb8;
	[tilespmem:$0x1E080] =	vst v63  }
0x78: {  	_ =	swait.ge [sflag:s16], $0x3E80  }
0x79: {  	s29 =	simm.s32 $0x400;
	[sflag:s16] =	ssyncset.done $0x0  }
.LBB2_4:
0x7a: {  	p1 =	sne.s32 s29, $0x4800  }
0x7b: {  	[sflag:s16] =	ssyncadd.s32 $0xFFFFC180;
	s30 =	smov.u32 s29;
	s29 =	sadd.s32 $0x400, s29  }
0x7c: {  	_ = 	snop  }
0x7d: {  	_ =	swait.ge [sflag:s21], $0x3E80  }
0x7e: {  	s30 =	sshra.s32 s30, $0x2;
	[sflag:s21] =	ssyncset.done $0x0  }
0x7f: {  	s31 =	sadd.s32 $0x80, s30;
	[sflag:s21] =	ssyncadd.s32 $0xFFFFC180  }
0x80: {  	[tilespmem:s22], [sflag:$0x2] =	stream.indirect.gather [hbm4b:s4+s19], $0x80, s31, s19, $0xb8;
	[tilespmem:$0x1E080] =	vst v63  }
0x81: {  	s31 =	sadd.s32 $0x1400, s30  }
0x82: {  	[spmem:s1] =	stream.indirect.scatter.add.f32 [tilespmem:s20], [sflag:$0x3], $0x80, s31, s19, $0xb8;
	[tilespmem:$0x1E080] =	vst v63  }
0x83: {  	_ =	swait.ge [sflag:s16], $0x3E80  }
0x84: {  	[sflag:s16] =	ssyncset.done $0x0  }
0x85: {  	[sflag:s16] =	ssyncadd.s32 $0xFFFFC180  }
0x86: {  	_ =	swait.ge [sflag:s23], $0x3E80  }
0x87: {  	[sflag:s23] =	ssyncset.done $0x0  }
0x88: {  	s31 =	sadd.s32 $0x100, s30;
	[sflag:s23] =	ssyncadd.s32 $0xFFFFC180  }
0x89: {  	[tilespmem:s20], [sflag:$0x1] =	stream.indirect.gather [hbm4b:s4+s19], $0x80, s31, s19, $0xb8;
	[tilespmem:$0x1E080] =	vst v63  }
.Ltmp1:
0x8a: {  	_ = 	snop;
	(pc) =	sbr.rel @p1 .LBB2_4-.Ltmp1, $4  }
0x8b: {  	s30 =	sadd.s32 $0x1480, s30  }
0x8c: {  	[spmem:s1] =	stream.indirect.scatter.add.f32 [tilespmem:s22], [sflag:$0x3], $0x80, s30, s19, $0xb8;
	[tilespmem:$0x1E080] =	vst v63  }
0x8d: {  	_ =	swait.ge [sflag:s16], $0x3E80  }
0x8e: {  	[sflag:s16] =	ssyncset.done $0x0  }
0x8f: {  	[sflag:s16] =	ssyncadd.s32 $0xFFFFC180  }
0x90: {  	_ =	swait.ge [sflag:s21], $0x3E80  }
0x91: {  	[sflag:s21] =	ssyncset.done $0x0  }
0x92: {  	[sflag:s21] =	ssyncadd.s32 $0xFFFFC180  }
0x93: {  	[tilespmem:s22], [sflag:$0x2] =	stream.indirect.gather [hbm4b:s4+s19], $0x80, s24, s19, $0xb8;
	[tilespmem:$0x1E080] =	vst v63  }
0x94: {  	_ = 	snop  }
0x95: {  	[spmem:s1] =	stream.indirect.scatter.add.f32 [tilespmem:s20], [sflag:$0x3], $0x80, s25, s19, $0xb8;
	[tilespmem:$0x1E080] =	vst v63  }
0x96: {  	_ =	swait.ge [sflag:s16], $0x3E80  }
0x97: {  	[sflag:s16] =	ssyncset.done $0x0  }
0x98: {  	[sflag:s16] =	ssyncadd.s32 $0xFFFFC180  }
0x99: {  	_ =	swait.ge [sflag:s23], $0x3E80  }
0x9a: {  	[sflag:s23] =	ssyncset.done $0x0  }
0x9b: {  	[sflag:s23] =	ssyncadd.s32 $0xFFFFC180  }
0x9c: {  	[spmem:s1] =	stream.indirect.scatter.add.f32 [tilespmem:s22], [sflag:$0x3], $0x80, s26, s19, $0xb8;
	[tilespmem:$0x1E080] =	vst v63  }
0x9d: {  	_ =	swait.ge [sflag:s16], $0x3E80  }
0x9e: {  	[sflag:s16] =	ssyncset.done $0x0  }
0x9f: {  	[sflag:s16] =	ssyncadd.s32 $0xFFFFC180  }
0xa0: {  	[bflag:$0x0] =	sbarrier.arrive $0xFFFF  }
0xa1: {  	[hbm:s12], [sflag:s6] =	dma.local [spmem:s15], $0x2700  }
0xa2: {  	s28 =	sadd.s32 $0x1, s28;
	_ =	swait.ge [sflag:s16], $0x2700  }
0xa3: {  	p1 =	sne.s32 s28, s14;
	[sflag:s16] =	ssyncset.done $0x0  }
.Ltmp2:
0xa4: {  	s29 =	simm.s32 @!p0 $0x3;
	[sflag:s16] =	ssyncadd.s32 $0xFFFFD900;
	(pc) =	sbr.rel @p1 .LBB2_1-.Ltmp2, $4  }
0xa5: {  	[hbm:s13], [sflag:s6] =	dma.local @!p0 [spmem:s17], $0x100  }
0xa6: {  	_ =	swait.ge @!p0 [sflag:s29], $0x100  }
0xa7: {  	[sflag:s29] =	ssyncset.done @!p0 $0x0  }
0xa8: {  	[sflag:s29] =	ssyncadd.s32 @!p0 $0xFFFFFF00  }
0xa9: {  	_ =	sfence.sel $0x180000  }
0xaa: {  	[bflag:$0x0] =	sbarrier.arrive $0xFFFF  }
0xab: {  	p0 =	sne.s32 s3, $0x0;
	_ =	strace $0x9000004A  }
0xac: {  	s0 =	sadd.s32 @!p0 $0x100000, s0;
	[bflag:$0x2] =	sbarrier.arrive $0xFFFF  }
0xad: {  	[sflag:s0] =	ssyncadd.tile.s32 @!p0 $0x1;
	_ =	shalt  }
.Lfunc_end2:
_tile_overlayer_lowered:
.L_overlay_start_2:
0xae: {  	(tag) =	ssettag $0x2  }
0xaf: {  	s0 =	rddreg [dreg:$0x0];
	s2 =	stileid.u32  }
0xb0: {  	s1 =	rddreg [dreg:$0x1];
	p0 =	sne.s32 s2, $0x0  }
0xb1: {  	s3 =	rddreg [dreg:$0x2];
	[bflag:$0x3] =	sbarrier.arrive $0xFFFF;
	s2 =	simm.s32 @!p0 $0x1C03  }
0xb2: {  	[timem:s3], [sflag:s2] =	dma.local @!p0 [hbm:s0], s1  }
0xb3: {  	s0 =	simm.s32 @!p0 $0x3  }
0xb4: {  	_ =	swait.ge @!p0 [sflag:s0], s1  }
0xb5: {  	s1 =	ssub.s32 @!p0 $0x0, s1;
	[sflag:s0] =	ssyncset.done @!p0 $0x0  }
0xb6: {  	[sflag:s0] =	ssyncadd.s32 @!p0 s1  }
0xb7: {  	[bflag:$0x3] =	sbarrier.arrive $0xFFFF  }
0xb8: {  	_ =	shalt  }

// kernel: kernel.14.cloned.1.call-start
scs
__scs_entry_jumppad:
0x0: {  	(pc) =	sbr.rel $0x88, $3  }
0x1: {  	(tag) =	ssettag $0x0;
	lr =	simm.s32 $0x1  }
0x2: {  	[smem:$0x3F9B] =	sst lr;
	_ =	strace $0xD0000000  }
0x3: {  	_ = 	snop  }
0x4: {  	_ = 	snop  }
0x5: {  	_ = 	snop  }
0x6: {  	_ = 	snop  }
0x7: {  	_ = 	snop  }
__scs_overlays_trampoline_lowered:
0x8: {  	[smem:$0x3FAA] =	sst s0  }
0x9: {  	[smem:$0x3FAB] =	sst s1  }
0xa: {  	[smem:$0x3FAC] =	sst s2  }
0xb: {  	[smem:$0x3FAD] =	sst s3  }
0xc: {  	[smem:$0x3FAE] =	sst s4  }
0xd: {  	[smem:$0x3FAF] =	sst s5  }
0xe: {  	[smem:$0x3FB0] =	sst s6  }
0xf: {  	[smem:$0x3FB1] =	sst s7  }
0x10: {  	[smem:$0x3FB2] =	sst s8  }
0x11: {  	[smem:$0x3FB3] =	sst s9;
	s0 =	simm.s32 @!p0 $0x0  }
0x12: {  	s1 =	sld [smem:$0x3F99];
	s0 =	simm.s32 @p0 $0x1  }
0x13: {  	[smem:$0x3FB4] =	sst s0;
	s0 =	simm.s32 @!p1 $0x0  }
0x14: {  	s2 =	sld [smem:$0x3F98];
	s0 =	simm.s32 @p1 $0x1  }
0x15: {  	[smem:$0x3FB5] =	sst s0;
	s0 =	simm.s32 @!p2 $0x0  }
0x16: {  	s3 =	sld [smem:$0x3FDB];
	s0 =	simm.s32 @p2 $0x1  }
0x17: {  	s4 =	simm.s32 $0x1BF5;
	[smem:$0x3FB7] =	sst s0  }
0x18: {  	s0 =	sld [smem:$0x3F9A];
	_ =	swait.ge [sflag:s4], $0x0  }
0x19: {  	s7 =	sld [smem:$0x3F9B]  }
0x1a: {  	s8 =	sadd.s32 $0xFFFFE003, lr  }
0x1b: {  	s9 =	sadd.s32 $0xFFFFFEF7, lr;
	s5 =	simm.s32 $0xFFFFFFFF;
	p2 =	slt.u32 s8, $0xFFFFF086  }
0x1c: {  	p1 =	slt.u32 s9, $0xF7A;
	s5 =	simm.s32 @!p2 $0x0  }
0x1d: {  	s5 =	simm.s32 @p1 $0x1;
	p0 =	seq.s32 s7, s2  }
0x1e: {  	s7 =	smul.u32 @!p0 $0xF7A, s2;
	p2 =	seq.s32 @!p0 s5, $0x0  }
0x1f: {  	s9 =	smul.u32 $0xF7A, s1;
	s8 =	simm.s32 @!p0 $0x1BF5;
	p2 =	por !p2, p0  }
0x20: {  	[sflag:s8] =	ssyncset.s32 @!p0 $0xFFFFF086;
	s6 =	sadd.s32 @!p0 s3, s7;
	s7 =	simm.s32 @!p0 $0x108  }
0x21: {  	s3 =	sadd.s32 s3, s9;
	s6 =	sadd.s32 @!p0 $0x88, s6;
	s7 =	simm.s32 @p2 $0x1082  }
0x22: {  	[simem:s7], [sflag:s8] =	dma.local @!p0 [hbm:s6], $0xF7A  }
0x23: {  	s9 =	sor.u32 $0xD0000000, s2;
	s6 =	simm.s32 $0x108;
	_ =	swait.ge @!p0 [sflag:s8], $0x0  }
0x24: {  	s3 =	sadd.s32 $0x88, s3;
	s6 =	simm.s32 @!p1 $0x1082;
	[sflag:s4] =	ssyncset.s32 $0xFFFFF086  }
0x25: {  	[simem:s6], [sflag:s4] =	dma.local [hbm:s3], $0xF7A  }
0x26: {  	[smem:$0x3F9B] =	sst s1;
	(tag) =	ssettag s2;
	_ =	strace s9  }
0x27: {  	s1 =	sld [smem:$0x3FAB]  }
0x28: {  	s2 =	sld [smem:$0x3FAC]  }
0x29: {  	s4 =	sld [smem:$0x3FAE]  }
0x2a: {  	p0 =	seq.s32 s5, $0x0;
	s5 =	sld [smem:$0x3FAF]  }
0x2b: {  	s6 =	sld [smem:$0x3FB0]  }
0x2c: {  	s7 =	sld [smem:$0x3FB1]  }
0x2d: {  	s3 =	simm.s32 $0x108;
	s8 =	sld [smem:$0x3FB2]  }
0x2e: {  	s3 =	simm.s32 @!p0 $0x1082;
	s9 =	sld [smem:$0x3FB3]  }
0x2f: {  	lr =	sadd.s32 s0, s3;
	s0 =	sld [smem:$0x3FAA]  }
0x30: {  	s3 =	sld [smem:$0x3FAD]  }
0x31: {  	[smem:$0x3FB6] =	sst s10  }
0x32: {  	s10 =	sld [smem:$0x3FB4];
	_ =	sdelay $0x3  }
0x33: {  	p0 =	seq.s32 s10, $0x1;
	s10 =	sld [smem:$0x3FB6];
	_ =	sdelay $0x3  }
0x34: {  	[smem:$0x3FB6] =	sst s10  }
0x35: {  	s10 =	sld [smem:$0x3FB5];
	_ =	sdelay $0x3  }
0x36: {  	p1 =	seq.s32 s10, $0x1;
	s10 =	sld [smem:$0x3FB6];
	_ =	sdelay $0x3  }
0x37: {  	[smem:$0x3FB6] =	sst s10  }
0x38: {  	s10 =	sld [smem:$0x3FB7]  }
0x39: {  	_ = 	snop;
	(pc) =	sbr.ind lr, $3  }
0x3a: {  	_ = 	snop  }
0x3b: {  	_ = 	snop  }
0x3c: {  	p2 =	seq.s32 s10, $0x1;
	s10 =	sld [smem:$0x3FB6]  }
0x3d: {  	_ =	shalt  }
0x3e: {  	_ =	shalt  }
0x3f: {  	_ =	shalt  }
0x40: {  	_ =	shalt  }
0x41: {  	_ =	shalt  }
0x42: {  	_ =	shalt  }
0x43: {  	_ =	shalt  }
0x44: {  	_ =	shalt  }
0x45: {  	_ =	shalt  }
0x46: {  	_ =	shalt  }
0x47: {  	_ =	shalt  }
0x48: {  	_ =	shalt  }
0x49: {  	_ =	shalt  }
0x4a: {  	_ =	shalt  }
0x4b: {  	_ =	shalt  }
0x4c: {  	_ =	shalt  }
0x4d: {  	_ =	shalt  }
0x4e: {  	_ =	shalt  }
0x4f: {  	_ =	shalt  }
0x50: {  	_ =	shalt  }
0x51: {  	_ =	shalt  }
0x52: {  	_ =	shalt  }
0x53: {  	_ =	shalt  }
0x54: {  	_ =	shalt  }
0x55: {  	_ =	shalt  }
0x56: {  	_ =	shalt  }
0x57: {  	_ =	shalt  }
0x58: {  	_ =	shalt  }
0x59: {  	_ =	shalt  }
0x5a: {  	_ =	shalt  }
0x5b: {  	_ =	shalt  }
0x5c: {  	_ =	shalt  }
0x5d: {  	_ =	shalt  }
0x5e: {  	_ =	shalt  }
0x5f: {  	_ =	shalt  }
0x60: {  	_ =	shalt  }
0x61: {  	_ =	shalt  }
0x62: {  	_ =	shalt  }
0x63: {  	_ =	shalt  }
0x64: {  	_ =	shalt  }
0x65: {  	_ =	shalt  }
0x66: {  	_ =	shalt  }
0x67: {  	_ =	shalt  }
0x68: {  	_ =	shalt  }
0x69: {  	_ =	shalt  }
0x6a: {  	_ =	shalt  }
0x6b: {  	_ =	shalt  }
0x6c: {  	_ =	shalt  }
0x6d: {  	_ =	shalt  }
0x6e: {  	_ =	shalt  }
0x6f: {  	_ =	shalt  }
0x70: {  	_ =	shalt  }
0x71: {  	_ =	shalt  }
0x72: {  	_ =	shalt  }
0x73: {  	_ =	shalt  }
0x74: {  	_ =	shalt  }
0x75: {  	_ =	shalt  }
0x76: {  	_ =	shalt  }
0x77: {  	_ =	shalt  }
0x78: {  	_ =	shalt  }
0x79: {  	_ =	shalt  }
0x7a: {  	_ =	shalt  }
0x7b: {  	_ =	shalt  }
0x7c: {  	_ =	shalt  }
0x7d: {  	_ =	shalt  }
0x7e: {  	_ =	shalt  }
0x7f: {  	_ =	shalt  }
0x80: {  	_ =	shalt  }
0x81: {  	_ =	shalt  }
0x82: {  	_ =	shalt  }
0x83: {  	_ =	shalt  }
0x84: {  	_ =	shalt  }
0x85: {  	_ =	shalt  }
0x86: {  	_ =	shalt  }
0x87: {  	_ =	shalt  }
.Lfunc_end0:
.L_simem_size_0:
called_computation.2_lowered:
.L_overlay_start_0:
0x88: {  	s2 =	sld [smem:$0x3FD9]  }
0x89: {  	s3 =	sld [smem:$0x3FFE];
	_ =	sdelay $0x1  }
0x8a: {  	s1 =	srdreg.scid  }
0x8b: {  	s0 =	sand.u32 $0x1, s1  }
0x8c: {  	s17 =	sshll.u32 s0, $0xA;
	s2 =	sadd.s32 s3, s2  }
0x8d: {  	s2 =	sadd.s32 s2, s17  }
0x8e: {  	[smem:$0x3FC2] =	sst s2  }
0x8f: {  	_ = 	snop  }
0x90: {  	s2 =	sld [smem:$0x3FD0];
	(tm) =	ssettm $0x1  }
0x91: {  	s18 =	sld [smem:$0x3FFB];
	_ =	sdelay $0x3  }
0x92: {  	_ =	strace s18  }
0x93: {  	s3 =	sld [smem:$0x3FFC];
	_ =	sdelay $0x3  }
0x94: {  	_ =	strace s3  }
0x95: {  	s3 =	sld [smem:$0x3FFD];
	_ =	sdelay $0x3  }
0x96: {  	_ =	strace s3  }
0x97: {  	_ =	strace $0x8FFFFFFF  }
0x98: {  	s19 =	sld [smem:$0x3FDB];
	_ =	sdelay $0x1  }
0x99: {  	s4 =	simm.s32 $_scs_section_size  }
0x9a: {  	s5 =	simm.s32 $_size__tile_overlayer_lowered;
	s6 =	simm.s32 $_tile_overlayer_lowered  }
0x9b: {  	s22 =	simm.s32 $0x1BFF;
	s21 =	sshll.u32 s6, $0x1;
	s3 =	sadd.s32 s4, s19  }
0x9c: {  	s7 =	simm.s32 $0x0;
	s20 =	sshll.u32 s5, $0x1;
	s5 =	sadd.s32 s21, s3  }
0x9d: {  	[timem:s7], [sflag:s22] =	dma.local [hbm:s5], s20  }
0x9e: {  	_ =	swait.ge [sflag:s22], s20  }
0x9f: {  	s4 =	ssub.s32 $0x0, s20;
	[sflag:s22] =	ssyncset.done $0x0  }
0xa0: {  	[sflag:s22] =	ssyncadd.s32 s4;
	_ =	sdelay $0x1  }
0xa1: {  	s23 =	simm.s32 $0x1B8B  }
0xa2: {  	_ =	swait.ge [sflag:s23], $0x1  }
0xa3: {  	[sflag:s23] =	ssyncset.done $0x0  }
0xa4: {  	s25 =	simm.s32 $0x1B8E;
	s24 =	sld [smem:$0x3FFE];
	[sflag:s23] =	ssyncadd.s32 $0xFFFFFFFF  }
0xa5: {  	s26 =	simm.s32 $execute0_lowered;
	[smem:$0x3FD2] =	sst s25  }
0xa6: {  	s5 =	sshll.u32 s26, $0x1;
	_ =	strace $0x8000004C;
	[dreg:$0x1] =	wrdreg $0xFFFFFFFF  }
0xa7: {  	s28 =	simm.s32 $_size_execute0_lowered;
	s3 =	sadd.s32 s3, s5;
	[dreg:$0x0] =	wrdreg $0x0  }
0xa8: {  	s5 =	sshll.u32 s28, $0x1;
	[dreg:$0x2] =	wrdreg s3  }
0xa9: {  	[dreg:$0x3] =	wrdreg s5  }
0xaa: {  	[dreg:$0x4] =	wrdreg $0xC0  }
0xab: {  	_ =	task [dreg:s7], $0x5FFFF  }
0xac: {  	[dreg:$0x1] =	wrdreg $0xFFFFFFFF  }
0xad: {  	[dreg:$0x0] =	wrdreg $0x60  }
0xae: {  	[dreg:$0x2] =	wrdreg s24  }
0xaf: {  	[dreg:$0x3] =	wrdreg s2  }
0xb0: {  	[dreg:$0x4] =	wrdreg $0xA8000  }
0xb1: {  	[dreg:$0x5] =	wrdreg $0x9  }
0xb2: {  	_ =	task.clear_ibuf [dreg:s7], $0x6FFFF;
	_ =	strace $0x9000004C  }
0xb3: {  	s29 =	simm.s32 $0x9;
	_ =	strace $0x8000004E  }
0xb4: {  	_ =	swait.ge [sflag:s29], $0x1  }
0xb5: {  	[sflag:s29] =	ssyncadd.s32 $0xFFFFFFFF  }
0xb6: {  	_ =	strace $0x9000004E  }
0xb7: {  	_ =	sfence  }
0xb8: {  	s30 =	sld [smem:$0x0];
	_ =	sdelay $0x2  }
0xb9: {  	s31 =	sshll.u32 s1, $0xD;
	s1 =	sshrl.u32 s1, $0x2  }
0xba: {  	s3 =	sand.u32 $0x4000, s31;
	s1 =	sadd.s32 s1, s30  }
0xbb: {  	s0 =	sor.u32 s3, s0;
	s1 =	sshll.u32 s1, $0x11  }
0xbc: {  	s0 =	sor.u32 s1, s0  }
0xbd: {  	s0 =	sadd.s32 $0x8F2B, s0  }
0xbe: {  	[sflag:s0] =	ssyncadd.remote.s32 $0x1  }
0xbf: {  	_ =	sfence.sel $0xFFFF  }
0xc0: {  	[dreg:$0x0] =	wrdreg $0xFFFFFFFF;
	(pc) =	sbr.abs _section_cstart, $3  }
0xc1: {  	[dreg:$0x1] =	wrdreg $0xFFFFFFFF  }
0xc2: {  	_ =	task.clear_ibuf [dreg:s7], $0x2FFFF;
	_ =	strace $0x9FFFFFFF  }
0xc3: {  	(tm) =	ssettm $0x7FFFFFFF  }
tec
execute0_lowered:
.L_overlay_start_1:
0x0: {  	(tag) =	ssettag $0x1  }
0x1: {  	s5 =	rddreg [dreg:$0x0]  }
0x2: {  	s7 =	rddreg [dreg:$0x1]  }
0x3: {  	s1 =	rddreg [dreg:$0x2]  }
0x4: {  	s0 =	rddreg [dreg:$0x3]  }
0x5: {  	s2 =	simm.s32 $0x0;
	s6 =	srdreg.scid;
	s3 =	stileid.u32  }
0x6: {  	s19 =	simm.s32 $0x7D;
	s20 =	simm.s32 $0x2800;
	s21 =	simm.s32 $0x1  }
0x7: {  	s28 =	simm.s32 $0x0;
	[smem:$0x7FF] =	sst s2;
	s4 =	sadd.s32 $0x16000, s5  }
0x8: {  	s10 =	sadd.s32 $0xC000, s5;
	s11 =	sadd.s32 $0x2000, s5;
	s23 =	smul.u32 $0x4E000, s3  }
0x9: {  	s8 =	sand.u32 $0x1, s6;
	s12 =	sadd.s32 $0x3D200, s5;
	s13 =	smul.u32 $0x13800, s3  }
0xa: {  	s14 =	sshll.u32 s3, $0x1;
	s29 =	sshll.u32 s3, $0x6;
	s18 =	sadd.s32 $0x138000, s1  }
0xb: {  	p0 =	sne.s32 s3, $0xF;
	_ =	strace $0x8000004D;
	s22 =	ssub.s32 $0x2, s8  }
0xc: {  	s25 =	sor.u32 s8, s14;
	s6 =	sor.u32 $0x1C03, s29;
	s31 =	smul.u32 $0x138800, s8  }
0xd: {  	s9 =	sshrl.u32 s22, $0x1;
	s24 =	sshrl.u32 s23, $0x2;
	s26 =	sshrl.u32 s13, $0x3  }
0xe: {  	s16 =	smul.u32 $0x2800, s25;
	s23 =	simm.s32 $0x2;
	s25 =	simm.s32 $0x2700  }
0xf: {  	s15 =	ssub.s32 s22, s9;
	s17 =	sadd.s32 s24, s1;
	s5 =	sadd.s32 s7, s26  }
0x10: {  	s7 =	sadd.s32 $0x27000, s7;
	s13 =	sadd.s32 s13, s31;
	s22 =	simm.s32 $0x6800  }
0x11: {  	s24 =	simm.s32 $0x1380;
	s26 =	simm.s32 $0x2780;
	s30 =	sshrl.u32 s16, $0x3  }
0x12: {  	s16 =	sshrl.u32 s31, $0x3;
	s13 =	sshrl.u32 s13, $0x3;
	s8 =	sadd.s32 s10, s30  }
0x13: {  	s9 =	sadd.s32 s11, s30;
	s14 =	sadd.s32 $0x280, s30;
	s16 =	sadd.s32 s12, s16  }
0x14: {  	s12 =	sadd.s32 s12, s13;
	s10 =	sadd.s32 s10, s14;
	s11 =	sadd.s32 s11, s14  }
0x15: {  	s13 =	sadd.s32 $0x27000, s16;
	s14 =	smax.u32 s15, $0x1;
	s15 =	sshrl.u32 s17, $0x3  }
0x16: {  	s16 =	simm.s32 $0x3;
	s17 =	sshrl.u32 @!p0 s18, $0x3;
	s18 =	simm.s32 $0x1400  }
.LBB2_1:
0x17: {  	[spmem:s15], [sflag:s6] =	dma.local [hbm:s5], $0x2700  }
0x18: {  	_ =	swait.ge [sflag:s16], $0x2700  }
0x19: {  	[sflag:s16] =	ssyncset.done $0x0  }
0x1a: {  	s29 =	simm.s32 @!p0 $0x3;
	[sflag:s16] =	ssyncadd.s32 $0xFFFFD900  }
0x1b: {  	[spmem:s17], [sflag:s6] =	dma.local @!p0 [hbm:s7], $0x100  }
0x1c: {  	_ =	swait.ge @!p0 [sflag:s29], $0x100  }
0x1d: {  	[sflag:s29] =	ssyncset.done @!p0 $0x0  }
0x1e: {  	[sflag:s29] =	ssyncadd.s32 @!p0 $0xFFFFFF00  }
0x1f: {  	[tilespmem:s2], [sflag:$0x3] =	stream.linear.gather [hbm4b:s8+s2], $0x1400, $0x38;
	[tilespmem:$0x1E080] =	vst v63  }
0x20: {  	_ =	swait.ge [sflag:s16], $0x1400  }
0x21: {  	[sflag:s16] =	ssyncset.done $0x0  }
0x22: {  	[sflag:s16] =	ssyncadd.s32 $0xFFFFEC00  }
0x23: {  	[tilespmem:s18], [sflag:$0x3] =	stream.linear.gather [hbm4b:s9+s2], $0x1400, $0x38;
	[tilespmem:$0x1E080] =	vst v63  }
0x24: {  	_ =	swait.ge [sflag:s16], $0x1400  }
0x25: {  	[sflag:s16] =	ssyncset.done $0x0  }
0x26: {  	[sflag:s16] =	ssyncadd.s32 $0xFFFFEC00  }
0x27: {  	[bflag:$0x0] =	sbarrier.arrive $0xFFFF  }
0x28: {  	[tilespmem:s20], [sflag:$0x1] =	stream.indirect.gather [hbm4b:s4+s19], $0x80, s2, s19, $0xb8;
	[tilespmem:$0x1E080] =	vst v63  }
0x29: {  	_ =	swait.ge [sflag:s21], $0x3E80  }
0x2a: {  	[sflag:s21] =	ssyncset.done $0x0  }
0x2b: {  	s29 =	simm.s32 $0x80;
	[sflag:s21] =	ssyncadd.s32 $0xFFFFC180  }
0x2c: {  	[tilespmem:s22], [sflag:$0x2] =	stream.indirect.gather [hbm4b:s4+s19], $0x80, s29, s19, $0xb8;
	[tilespmem:$0x1E080] =	vst v63  }
0x2d: {  	s29 =	simm.s32 $0x1400  }
0x2e: {  	[spmem:s1] =	stream.indirect.scatter.add.f32 [tilespmem:s20], [sflag:$0x3], $0x80, s29, s19, $0xb8;
	[tilespmem:$0x1E080] =	vst v63  }
0x2f: {  	_ =	swait.ge [sflag:s16], $0x3E80  }
0x30: {  	[sflag:s16] =	ssyncset.done $0x0  }
0x31: {  	[sflag:s16] =	ssyncadd.s32 $0xFFFFC180  }
0x32: {  	_ =	swait.ge [sflag:s23], $0x3E80  }
0x33: {  	[sflag:s23] =	ssyncset.done $0x0  }
0x34: {  	s29 =	simm.s32 $0x100;
	[sflag:s23] =	ssyncadd.s32 $0xFFFFC180  }
0x35: {  	[tilespmem:s20], [sflag:$0x1] =	stream.indirect.gather [hbm4b:s4+s19], $0x80, s29, s19, $0xb8;
	[tilespmem:$0x1E080] =	vst v63  }
0x36: {  	s29 =	simm.s32 $0x1480  }
0x37: {  	[spmem:s1] =	stream.indirect.scatter.add.f32 [tilespmem:s22], [sflag:$0x3], $0x80, s29, s19, $0xb8;
	[tilespmem:$0x1E080] =	vst v63  }
0x38: {  	_ =	swait.ge [sflag:s16], $0x3E80  }
0x39: {  	s29 =	simm.s32 $0x400;
	[sflag:s16] =	ssyncset.done $0x0  }
.LBB2_2:
0x3a: {  	p1 =	sne.s32 s29, $0x4800  }
0x3b: {  	[sflag:s16] =	ssyncadd.s32 $0xFFFFC180;
	s30 =	smov.u32 s29;
	s29 =	sadd.s32 $0x400, s29  }
0x3c: {  	_ = 	snop  }
0x3d: {  	_ =	swait.ge [sflag:s21], $0x3E80  }
0x3e: {  	s30 =	sshra.s32 s30, $0x2;
	[sflag:s21] =	ssyncset.done $0x0  }
0x3f: {  	s31 =	sadd.s32 $0x80, s30;
	[sflag:s21] =	ssyncadd.s32 $0xFFFFC180  }
0x40: {  	[tilespmem:s22], [sflag:$0x2] =	stream.indirect.gather [hbm4b:s4+s19], $0x80, s31, s19, $0xb8;
	[tilespmem:$0x1E080] =	vst v63  }
0x41: {  	s31 =	sadd.s32 $0x1400, s30  }
0x42: {  	[spmem:s1] =	stream.indirect.scatter.add.f32 [tilespmem:s20], [sflag:$0x3], $0x80, s31, s19, $0xb8;
	[tilespmem:$0x1E080] =	vst v63  }
0x43: {  	_ =	swait.ge [sflag:s16], $0x3E80  }
0x44: {  	[sflag:s16] =	ssyncset.done $0x0  }
0x45: {  	[sflag:s16] =	ssyncadd.s32 $0xFFFFC180  }
0x46: {  	_ =	swait.ge [sflag:s23], $0x3E80  }
0x47: {  	[sflag:s23] =	ssyncset.done $0x0  }
0x48: {  	s31 =	sadd.s32 $0x100, s30;
	[sflag:s23] =	ssyncadd.s32 $0xFFFFC180  }
0x49: {  	[tilespmem:s20], [sflag:$0x1] =	stream.indirect.gather [hbm4b:s4+s19], $0x80, s31, s19, $0xb8;
	[tilespmem:$0x1E080] =	vst v63  }
.Ltmp0:
0x4a: {  	_ = 	snop;
	(pc) =	sbr.rel @p1 .LBB2_2-.Ltmp0, $4  }
0x4b: {  	s30 =	sadd.s32 $0x1480, s30  }
0x4c: {  	[spmem:s1] =	stream.indirect.scatter.add.f32 [tilespmem:s22], [sflag:$0x3], $0x80, s30, s19, $0xb8;
	[tilespmem:$0x1E080] =	vst v63  }
0x4d: {  	_ =	swait.ge [sflag:s16], $0x3E80  }
0x4e: {  	[sflag:s16] =	ssyncset.done $0x0  }
0x4f: {  	[sflag:s16] =	ssyncadd.s32 $0xFFFFC180  }
0x50: {  	_ =	swait.ge [sflag:s21], $0x3E80  }
0x51: {  	[sflag:s21] =	ssyncset.done $0x0  }
0x52: {  	[sflag:s21] =	ssyncadd.s32 $0xFFFFC180  }
0x53: {  	[tilespmem:s22], [sflag:$0x2] =	stream.indirect.gather [hbm4b:s4+s19], $0x80, s24, s19, $0xb8;
	[tilespmem:$0x1E080] =	vst v63  }
0x54: {  	_ = 	snop  }
0x55: {  	[spmem:s1] =	stream.indirect.scatter.add.f32 [tilespmem:s20], [sflag:$0x3], $0x80, s25, s19, $0xb8;
	[tilespmem:$0x1E080] =	vst v63  }
0x56: {  	_ =	swait.ge [sflag:s16], $0x3E80  }
0x57: {  	[sflag:s16] =	ssyncset.done $0x0  }
0x58: {  	[sflag:s16] =	ssyncadd.s32 $0xFFFFC180  }
0x59: {  	_ =	swait.ge [sflag:s23], $0x3E80  }
0x5a: {  	[sflag:s23] =	ssyncset.done $0x0  }
0x5b: {  	[sflag:s23] =	ssyncadd.s32 $0xFFFFC180  }
0x5c: {  	[spmem:s1] =	stream.indirect.scatter.add.f32 [tilespmem:s22], [sflag:$0x3], $0x80, s26, s19, $0xb8;
	[tilespmem:$0x1E080] =	vst v63  }
0x5d: {  	_ =	swait.ge [sflag:s16], $0x3E80  }
0x5e: {  	[sflag:s16] =	ssyncset.done $0x0  }
0x5f: {  	s29 =	simm.s32 $0x0;
	[sflag:s16] =	ssyncadd.s32 $0xFFFFC180  }
0x60: {  	[tilespmem:s29], [sflag:$0x3] =	stream.linear.gather [hbm4b:s10+s29], $0x1400, $0x38;
	[tilespmem:$0x1E080] =	vst v63  }
0x61: {  	_ =	swait.ge [sflag:s16], $0x1400  }
0x62: {  	[sflag:s16] =	ssyncset.done $0x0  }
0x63: {  	[sflag:s16] =	ssyncadd.s32 $0xFFFFEC00  }
0x64: {  	[tilespmem:s18], [sflag:$0x3] =	stream.linear.gather [hbm4b:s11+s29], $0x1400, $0x38;
	[tilespmem:$0x1E080] =	vst v63  }
0x65: {  	_ =	swait.ge [sflag:s16], $0x1400  }
0x66: {  	[sflag:s16] =	ssyncset.done $0x0  }
0x67: {  	[sflag:s16] =	ssyncadd.s32 $0xFFFFEC00  }
0x68: {  	[tilespmem:s20], [sflag:$0x1] =	stream.indirect.gather [hbm4b:s4+s19], $0x80, s29, s19, $0xb8;
	[tilespmem:$0x1E080] =	vst v63  }
0x69: {  	_ =	swait.ge [sflag:s21], $0x3E80  }
0x6a: {  	[sflag:s21] =	ssyncset.done $0x0  }
0x6b: {  	s29 =	simm.s32 $0x80;
	[sflag:s21] =	ssyncadd.s32 $0xFFFFC180  }
0x6c: {  	[tilespmem:s22], [sflag:$0x2] =	stream.indirect.gather [hbm4b:s4+s19], $0x80, s29, s19, $0xb8;
	[tilespmem:$0x1E080] =	vst v63  }
0x6d: {  	s29 =	simm.s32 $0x1400  }
0x6e: {  	[spmem:s1] =	stream.indirect.scatter.add.f32 [tilespmem:s20], [sflag:$0x3], $0x80, s29, s19, $0xb8;
	[tilespmem:$0x1E080] =	vst v63  }
0x6f: {  	_ =	swait.ge [sflag:s16], $0x3E80  }
0x70: {  	[sflag:s16] =	ssyncset.done $0x0  }
0x71: {  	[sflag:s16] =	ssyncadd.s32 $0xFFFFC180  }
0x72: {  	_ =	swait.ge [sflag:s23], $0x3E80  }
0x73: {  	[sflag:s23] =	ssyncset.done $0x0  }
0x74: {  	s29 =	simm.s32 $0x100;
	[sflag:s23] =	ssyncadd.s32 $0xFFFFC180  }
0x75: {  	[tilespmem:s20], [sflag:$0x1] =	stream.indirect.gather [hbm4b:s4+s19], $0x80, s29, s19, $0xb8;
	[tilespmem:$0x1E080] =	vst v63  }
0x76: {  	s29 =	simm.s32 $0x1480  }
0x77: {  	[spmem:s1] =	stream.indirect.scatter.add.f32 [tilespmem:s22], [sflag:$0x3], $0x80, s29, s19, $0xb8;
	[tilespmem:$0x1E080] =	vst v63  }
0x78: {  	_ =	swait.ge [sflag:s16], $0x3E80  }
0x79: {  	s29 =	simm.s32 $0x400;
	[sflag:s16] =	ssyncset.done $0x0  }
.LBB2_4:
0x7a: {  	p1 =	sne.s32 s29, $0x4800  }
0x7b: {  	[sflag:s16] =	ssyncadd.s32 $0xFFFFC180;
	s30 =	smov.u32 s29;
	s29 =	sadd.s32 $0x400, s29  }
0x7c: {  	_ = 	snop  }
0x7d: {  	_ =	swait.ge [sflag:s21], $0x3E80  }
0x7e: {  	s30 =	sshra.s32 s30, $0x2;
	[sflag:s21] =	ssyncset.done $0x0  }
0x7f: {  	s31 =	sadd.s32 $0x80, s30;
	[sflag:s21] =	ssyncadd.s32 $0xFFFFC180  }
0x80: {  	[tilespmem:s22], [sflag:$0x2] =	stream.indirect.gather [hbm4b:s4+s19], $0x80, s31, s19, $0xb8;
	[tilespmem:$0x1E080] =	vst v63  }
0x81: {  	s31 =	sadd.s32 $0x1400, s30  }
0x82: {  	[spmem:s1] =	stream.indirect.scatter.add.f32 [tilespmem:s20], [sflag:$0x3], $0x80, s31, s19, $0xb8;
	[tilespmem:$0x1E080] =	vst v63  }
0x83: {  	_ =	swait.ge [sflag:s16], $0x3E80  }
0x84: {  	[sflag:s16] =	ssyncset.done $0x0  }
0x85: {  	[sflag:s16] =	ssyncadd.s32 $0xFFFFC180  }
0x86: {  	_ =	swait.ge [sflag:s23], $0x3E80  }
0x87: {  	[sflag:s23] =	ssyncset.done $0x0  }
0x88: {  	s31 =	sadd.s32 $0x100, s30;
	[sflag:s23] =	ssyncadd.s32 $0xFFFFC180  }
0x89: {  	[tilespmem:s20], [sflag:$0x1] =	stream.indirect.gather [hbm4b:s4+s19], $0x80, s31, s19, $0xb8;
	[tilespmem:$0x1E080] =	vst v63  }
.Ltmp1:
0x8a: {  	_ = 	snop;
	(pc) =	sbr.rel @p1 .LBB2_4-.Ltmp1, $4  }
0x8b: {  	s30 =	sadd.s32 $0x1480, s30  }
0x8c: {  	[spmem:s1] =	stream.indirect.scatter.add.f32 [tilespmem:s22], [sflag:$0x3], $0x80, s30, s19, $0xb8;
	[tilespmem:$0x1E080] =	vst v63  }
0x8d: {  	_ =	swait.ge [sflag:s16], $0x3E80  }
0x8e: {  	[sflag:s16] =	ssyncset.done $0x0  }
0x8f: {  	[sflag:s16] =	ssyncadd.s32 $0xFFFFC180  }
0x90: {  	_ =	swait.ge [sflag:s21], $0x3E80  }
0x91: {  	[sflag:s21] =	ssyncset.done $0x0  }
0x92: {  	[sflag:s21] =	ssyncadd.s32 $0xFFFFC180  }
0x93: {  	[tilespmem:s22], [sflag:$0x2] =	stream.indirect.gather [hbm4b:s4+s19], $0x80, s24, s19, $0xb8;
	[tilespmem:$0x1E080] =	vst v63  }
0x94: {  	_ = 	snop  }
0x95: {  	[spmem:s1] =	stream.indirect.scatter.add.f32 [tilespmem:s20], [sflag:$0x3], $0x80, s25, s19, $0xb8;
	[tilespmem:$0x1E080] =	vst v63  }
0x96: {  	_ =	swait.ge [sflag:s16], $0x3E80  }
0x97: {  	[sflag:s16] =	ssyncset.done $0x0  }
0x98: {  	[sflag:s16] =	ssyncadd.s32 $0xFFFFC180  }
0x99: {  	_ =	swait.ge [sflag:s23], $0x3E80  }
0x9a: {  	[sflag:s23] =	ssyncset.done $0x0  }
0x9b: {  	[sflag:s23] =	ssyncadd.s32 $0xFFFFC180  }
0x9c: {  	[spmem:s1] =	stream.indirect.scatter.add.f32 [tilespmem:s22], [sflag:$0x3], $0x80, s26, s19, $0xb8;
	[tilespmem:$0x1E080] =	vst v63  }
0x9d: {  	_ =	swait.ge [sflag:s16], $0x3E80  }
0x9e: {  	[sflag:s16] =	ssyncset.done $0x0  }
0x9f: {  	[sflag:s16] =	ssyncadd.s32 $0xFFFFC180  }
0xa0: {  	[bflag:$0x0] =	sbarrier.arrive $0xFFFF  }
0xa1: {  	[hbm:s12], [sflag:s6] =	dma.local [spmem:s15], $0x2700  }
0xa2: {  	s28 =	sadd.s32 $0x1, s28;
	_ =	swait.ge [sflag:s16], $0x2700  }
0xa3: {  	p1 =	sne.s32 s28, s14;
	[sflag:s16] =	ssyncset.done $0x0  }
.Ltmp2:
0xa4: {  	s29 =	simm.s32 @!p0 $0x3;
	[sflag:s16] =	ssyncadd.s32 $0xFFFFD900;
	(pc) =	sbr.rel @p1 .LBB2_1-.Ltmp2, $4  }
0xa5: {  	[hbm:s13], [sflag:s6] =	dma.local @!p0 [spmem:s17], $0x100  }
0xa6: {  	_ =	swait.ge @!p0 [sflag:s29], $0x100  }
0xa7: {  	[sflag:s29] =	ssyncset.done @!p0 $0x0  }
0xa8: {  	[sflag:s29] =	ssyncadd.s32 @!p0 $0xFFFFFF00  }
0xa9: {  	_ =	sfence.sel $0x180000  }
0xaa: {  	[bflag:$0x0] =	sbarrier.arrive $0xFFFF  }
0xab: {  	p0 =	sne.s32 s3, $0x0;
	_ =	strace $0x9000004D  }
0xac: {  	s0 =	sadd.s32 @!p0 $0x100000, s0;
	[bflag:$0x2] =	sbarrier.arrive $0xFFFF  }
0xad: {  	[sflag:s0] =	ssyncadd.tile.s32 @!p0 $0x1;
	_ =	shalt  }
.Lfunc_end2:
_tile_overlayer_lowered:
.L_overlay_start_2:
0xae: {  	(tag) =	ssettag $0x2  }
0xaf: {  	s0 =	rddreg [dreg:$0x0];
	s2 =	stileid.u32  }
0xb0: {  	s1 =	rddreg [dreg:$0x1];
	p0 =	sne.s32 s2, $0x0  }
0xb1: {  	s3 =	rddreg [dreg:$0x2];
	[bflag:$0x3] =	sbarrier.arrive $0xFFFF;
	s2 =	simm.s32 @!p0 $0x1C03  }
0xb2: {  	[timem:s3], [sflag:s2] =	dma.local @!p0 [hbm:s0], s1  }
0xb3: {  	s0 =	simm.s32 @!p0 $0x3  }
0xb4: {  	_ =	swait.ge @!p0 [sflag:s0], s1  }
0xb5: {  	s1 =	ssub.s32 @!p0 $0x0, s1;
	[sflag:s0] =	ssyncset.done @!p0 $0x0  }
0xb6: {  	[sflag:s0] =	ssyncadd.s32 @!p0 s1  }
0xb7: {  	[bflag:$0x3] =	sbarrier.arrive $0xFFFF  }
0xb8: {  	_ =	shalt  }

// kernel: kernel.8.cloned.1.call-start
scs
__scs_entry_jumppad:
0x0: {  	(pc) =	sbr.rel $0x88, $3  }
0x1: {  	(tag) =	ssettag $0x0;
	lr =	simm.s32 $0x1  }
0x2: {  	[smem:$0x3F9B] =	sst lr;
	_ =	strace $0xD0000000  }
0x3: {  	_ = 	snop  }
0x4: {  	_ = 	snop  }
0x5: {  	_ = 	snop  }
0x6: {  	_ = 	snop  }
0x7: {  	_ = 	snop  }
__scs_overlays_trampoline_lowered:
0x8: {  	[smem:$0x3FAA] =	sst s0  }
0x9: {  	[smem:$0x3FAB] =	sst s1  }
0xa: {  	[smem:$0x3FAC] =	sst s2  }
0xb: {  	[smem:$0x3FAD] =	sst s3  }
0xc: {  	[smem:$0x3FAE] =	sst s4  }
0xd: {  	[smem:$0x3FAF] =	sst s5  }
0xe: {  	[smem:$0x3FB0] =	sst s6  }
0xf: {  	[smem:$0x3FB1] =	sst s7  }
0x10: {  	[smem:$0x3FB2] =	sst s8  }
0x11: {  	[smem:$0x3FB3] =	sst s9;
	s0 =	simm.s32 @!p0 $0x0  }
0x12: {  	s1 =	sld [smem:$0x3F99];
	s0 =	simm.s32 @p0 $0x1  }
0x13: {  	[smem:$0x3FB4] =	sst s0;
	s0 =	simm.s32 @!p1 $0x0  }
0x14: {  	s2 =	sld [smem:$0x3F98];
	s0 =	simm.s32 @p1 $0x1  }
0x15: {  	[smem:$0x3FB5] =	sst s0;
	s0 =	simm.s32 @!p2 $0x0  }
0x16: {  	s3 =	sld [smem:$0x3FDB];
	s0 =	simm.s32 @p2 $0x1  }
0x17: {  	s4 =	simm.s32 $0x1BF5;
	[smem:$0x3FB7] =	sst s0  }
0x18: {  	s0 =	sld [smem:$0x3F9A];
	_ =	swait.ge [sflag:s4], $0x0  }
0x19: {  	s7 =	sld [smem:$0x3F9B]  }
0x1a: {  	s8 =	sadd.s32 $0xFFFFE003, lr  }
0x1b: {  	s9 =	sadd.s32 $0xFFFFFEF7, lr;
	s5 =	simm.s32 $0xFFFFFFFF;
	p2 =	slt.u32 s8, $0xFFFFF086  }
0x1c: {  	p1 =	slt.u32 s9, $0xF7A;
	s5 =	simm.s32 @!p2 $0x0  }
0x1d: {  	s5 =	simm.s32 @p1 $0x1;
	p0 =	seq.s32 s7, s2  }
0x1e: {  	s7 =	smul.u32 @!p0 $0xF7A, s2;
	p2 =	seq.s32 @!p0 s5, $0x0  }
0x1f: {  	s9 =	smul.u32 $0xF7A, s1;
	s8 =	simm.s32 @!p0 $0x1BF5;
	p2 =	por !p2, p0  }
0x20: {  	[sflag:s8] =	ssyncset.s32 @!p0 $0xFFFFF086;
	s6 =	sadd.s32 @!p0 s3, s7;
	s7 =	simm.s32 @!p0 $0x108  }
0x21: {  	s3 =	sadd.s32 s3, s9;
	s6 =	sadd.s32 @!p0 $0x88, s6;
	s7 =	simm.s32 @p2 $0x1082  }
0x22: {  	[simem:s7], [sflag:s8] =	dma.local @!p0 [hbm:s6], $0xF7A  }
0x23: {  	s9 =	sor.u32 $0xD0000000, s2;
	s6 =	simm.s32 $0x108;
	_ =	swait.ge @!p0 [sflag:s8], $0x0  }
0x24: {  	s3 =	sadd.s32 $0x88, s3;
	s6 =	simm.s32 @!p1 $0x1082;
	[sflag:s4] =	ssyncset.s32 $0xFFFFF086  }
0x25: {  	[simem:s6], [sflag:s4] =	dma.local [hbm:s3], $0xF7A  }
0x26: {  	[smem:$0x3F9B] =	sst s1;
	(tag) =	ssettag s2;
	_ =	strace s9  }
0x27: {  	s1 =	sld [smem:$0x3FAB]  }
0x28: {  	s2 =	sld [smem:$0x3FAC]  }
0x29: {  	s4 =	sld [smem:$0x3FAE]  }
0x2a: {  	p0 =	seq.s32 s5, $0x0;
	s5 =	sld [smem:$0x3FAF]  }
0x2b: {  	s6 =	sld [smem:$0x3FB0]  }
0x2c: {  	s7 =	sld [smem:$0x3FB1]  }
0x2d: {  	s3 =	simm.s32 $0x108;
	s8 =	sld [smem:$0x3FB2]  }
0x2e: {  	s3 =	simm.s32 @!p0 $0x1082;
	s9 =	sld [smem:$0x3FB3]  }
0x2f: {  	lr =	sadd.s32 s0, s3;
	s0 =	sld [smem:$0x3FAA]  }
0x30: {  	s3 =	sld [smem:$0x3FAD]  }
0x31: {  	[smem:$0x3FB6] =	sst s10  }
0x32: {  	s10 =	sld [smem:$0x3FB4];
	_ =	sdelay $0x3  }
0x33: {  	p0 =	seq.s32 s10, $0x1;
	s10 =	sld [smem:$0x3FB6];
	_ =	sdelay $0x3  }
0x34: {  	[smem:$0x3FB6] =	sst s10  }
0x35: {  	s10 =	sld [smem:$0x3FB5];
	_ =	sdelay $0x3  }
0x36: {  	p1 =	seq.s32 s10, $0x1;
	s10 =	sld [smem:$0x3FB6];
	_ =	sdelay $0x3  }
0x37: {  	[smem:$0x3FB6] =	sst s10  }
0x38: {  	s10 =	sld [smem:$0x3FB7]  }
0x39: {  	_ = 	snop;
	(pc) =	sbr.ind lr, $3  }
0x3a: {  	_ = 	snop  }
0x3b: {  	_ = 	snop  }
0x3c: {  	p2 =	seq.s32 s10, $0x1;
	s10 =	sld [smem:$0x3FB6]  }
0x3d: {  	_ =	shalt  }
0x3e: {  	_ =	shalt  }
0x3f: {  	_ =	shalt  }
0x40: {  	_ =	shalt  }
0x41: {  	_ =	shalt  }
0x42: {  	_ =	shalt  }
0x43: {  	_ =	shalt  }
0x44: {  	_ =	shalt  }
0x45: {  	_ =	shalt  }
0x46: {  	_ =	shalt  }
0x47: {  	_ =	shalt  }
0x48: {  	_ =	shalt  }
0x49: {  	_ =	shalt  }
0x4a: {  	_ =	shalt  }
0x4b: {  	_ =	shalt  }
0x4c: {  	_ =	shalt  }
0x4d: {  	_ =	shalt  }
0x4e: {  	_ =	shalt  }
0x4f: {  	_ =	shalt  }
0x50: {  	_ =	shalt  }
0x51: {  	_ =	shalt  }
0x52: {  	_ =	shalt  }
0x53: {  	_ =	shalt  }
0x54: {  	_ =	shalt  }
0x55: {  	_ =	shalt  }
0x56: {  	_ =	shalt  }
0x57: {  	_ =	shalt  }
0x58: {  	_ =	shalt  }
0x59: {  	_ =	shalt  }
0x5a: {  	_ =	shalt  }
0x5b: {  	_ =	shalt  }
0x5c: {  	_ =	shalt  }
0x5d: {  	_ =	shalt  }
0x5e: {  	_ =	shalt  }
0x5f: {  	_ =	shalt  }
0x60: {  	_ =	shalt  }
0x61: {  	_ =	shalt  }
0x62: {  	_ =	shalt  }
0x63: {  	_ =	shalt  }
0x64: {  	_ =	shalt  }
0x65: {  	_ =	shalt  }
0x66: {  	_ =	shalt  }
0x67: {  	_ =	shalt  }
0x68: {  	_ =	shalt  }
0x69: {  	_ =	shalt  }
0x6a: {  	_ =	shalt  }
0x6b: {  	_ =	shalt  }
0x6c: {  	_ =	shalt  }
0x6d: {  	_ =	shalt  }
0x6e: {  	_ =	shalt  }
0x6f: {  	_ =	shalt  }
0x70: {  	_ =	shalt  }
0x71: {  	_ =	shalt  }
0x72: {  	_ =	shalt  }
0x73: {  	_ =	shalt  }
0x74: {  	_ =	shalt  }
0x75: {  	_ =	shalt  }
0x76: {  	_ =	shalt  }
0x77: {  	_ =	shalt  }
0x78: {  	_ =	shalt  }
0x79: {  	_ =	shalt  }
0x7a: {  	_ =	shalt  }
0x7b: {  	_ =	shalt  }
0x7c: {  	_ =	shalt  }
0x7d: {  	_ =	shalt  }
0x7e: {  	_ =	shalt  }
0x7f: {  	_ =	shalt  }
0x80: {  	_ =	shalt  }
0x81: {  	_ =	shalt  }
0x82: {  	_ =	shalt  }
0x83: {  	_ =	shalt  }
0x84: {  	_ =	shalt  }
0x85: {  	_ =	shalt  }
0x86: {  	_ =	shalt  }
0x87: {  	_ =	shalt  }
.Lfunc_end0:
.L_simem_size_0:
called_computation_lowered:
.L_overlay_start_0:
0x88: {  	s2 =	sld [smem:$0x3FD9]  }
0x89: {  	s3 =	sld [smem:$0x3FFE];
	_ =	sdelay $0x1  }
0x8a: {  	s1 =	srdreg.scid  }
0x8b: {  	s0 =	sand.u32 $0x1, s1  }
0x8c: {  	s17 =	sshll.u32 s0, $0xA;
	s2 =	sadd.s32 s3, s2  }
0x8d: {  	s2 =	sadd.s32 s2, s17  }
0x8e: {  	[smem:$0x3FC2] =	sst s2  }
0x8f: {  	_ = 	snop  }
0x90: {  	s2 =	sld [smem:$0x3FD0];
	(tm) =	ssettm $0x1  }
0x91: {  	s18 =	sld [smem:$0x3FFB];
	_ =	sdelay $0x3  }
0x92: {  	_ =	strace s18  }
0x93: {  	s3 =	sld [smem:$0x3FFC];
	_ =	sdelay $0x3  }
0x94: {  	_ =	strace s3  }
0x95: {  	s3 =	sld [smem:$0x3FFD];
	_ =	sdelay $0x3  }
0x96: {  	_ =	strace s3  }
0x97: {  	_ =	strace $0x8FFFFFFF  }
0x98: {  	s19 =	sld [smem:$0x3FDB];
	_ =	sdelay $0x1  }
0x99: {  	s4 =	simm.s32 $_scs_section_size  }
0x9a: {  	s5 =	simm.s32 $_size__tile_overlayer_lowered;
	s6 =	simm.s32 $_tile_overlayer_lowered  }
0x9b: {  	s22 =	simm.s32 $0x1BFF;
	s21 =	sshll.u32 s6, $0x1;
	s3 =	sadd.s32 s4, s19  }
0x9c: {  	s7 =	simm.s32 $0x0;
	s20 =	sshll.u32 s5, $0x1;
	s5 =	sadd.s32 s21, s3  }
0x9d: {  	[timem:s7], [sflag:s22] =	dma.local [hbm:s5], s20  }
0x9e: {  	_ =	swait.ge [sflag:s22], s20  }
0x9f: {  	s4 =	ssub.s32 $0x0, s20;
	[sflag:s22] =	ssyncset.done $0x0  }
0xa0: {  	[sflag:s22] =	ssyncadd.s32 s4;
	_ =	sdelay $0x1  }
0xa1: {  	s23 =	simm.s32 $0x1B8B  }
0xa2: {  	_ =	swait.ge [sflag:s23], $0x1  }
0xa3: {  	[sflag:s23] =	ssyncset.done $0x0  }
0xa4: {  	s25 =	simm.s32 $0x1B8E;
	s24 =	sld [smem:$0x3FFE];
	[sflag:s23] =	ssyncadd.s32 $0xFFFFFFFF  }
0xa5: {  	s26 =	simm.s32 $execute0_lowered;
	[smem:$0x3FD2] =	sst s25  }
0xa6: {  	s5 =	sshll.u32 s26, $0x1;
	_ =	strace $0x80000046;
	[dreg:$0x1] =	wrdreg $0xFFFFFFFF  }
0xa7: {  	s28 =	simm.s32 $_size_execute0_lowered;
	s3 =	sadd.s32 s3, s5;
	[dreg:$0x0] =	wrdreg $0x0  }
0xa8: {  	s5 =	sshll.u32 s28, $0x1;
	[dreg:$0x2] =	wrdreg s3  }
0xa9: {  	[dreg:$0x3] =	wrdreg s5  }
0xaa: {  	[dreg:$0x4] =	wrdreg $0xC0  }
0xab: {  	_ =	task [dreg:s7], $0x5FFFF  }
0xac: {  	[dreg:$0x1] =	wrdreg $0xFFFFFFFF  }
0xad: {  	[dreg:$0x0] =	wrdreg $0x60  }
0xae: {  	[dreg:$0x2] =	wrdreg s24  }
0xaf: {  	[dreg:$0x3] =	wrdreg s2  }
0xb0: {  	[dreg:$0x4] =	wrdreg $0x90000  }
0xb1: {  	[dreg:$0x5] =	wrdreg $0x9  }
0xb2: {  	_ =	task.clear_ibuf [dreg:s7], $0x6FFFF;
	_ =	strace $0x90000046  }
0xb3: {  	s29 =	simm.s32 $0x9;
	_ =	strace $0x80000048  }
0xb4: {  	_ =	swait.ge [sflag:s29], $0x1  }
0xb5: {  	[sflag:s29] =	ssyncadd.s32 $0xFFFFFFFF  }
0xb6: {  	_ =	strace $0x90000048  }
0xb7: {  	_ =	sfence  }
0xb8: {  	s30 =	sld [smem:$0x0];
	_ =	sdelay $0x2  }
0xb9: {  	s31 =	sshll.u32 s1, $0xD;
	s1 =	sshrl.u32 s1, $0x2  }
0xba: {  	s3 =	sand.u32 $0x4000, s31;
	s1 =	sadd.s32 s1, s30  }
0xbb: {  	s0 =	sor.u32 s3, s0;
	s1 =	sshll.u32 s1, $0x11  }
0xbc: {  	s0 =	sor.u32 s1, s0  }
0xbd: {  	s0 =	sadd.s32 $0x8F2B, s0  }
0xbe: {  	[sflag:s0] =	ssyncadd.remote.s32 $0x1  }
0xbf: {  	_ =	sfence.sel $0xFFFF  }
0xc0: {  	[dreg:$0x0] =	wrdreg $0xFFFFFFFF;
	(pc) =	sbr.abs _section_cstart, $3  }
0xc1: {  	[dreg:$0x1] =	wrdreg $0xFFFFFFFF  }
0xc2: {  	_ =	task.clear_ibuf [dreg:s7], $0x2FFFF;
	_ =	strace $0x9FFFFFFF  }
0xc3: {  	(tm) =	ssettm $0x7FFFFFFF  }
tec
execute0_lowered:
.L_overlay_start_1:
0x0: {  	(tag) =	ssettag $0x1  }
0x1: {  	s10 =	rddreg [dreg:$0x0]  }
0x2: {  	s7 =	rddreg [dreg:$0x1]  }
0x3: {  	s1 =	srdreg.scid;
	s0 =	stileid.u32  }
0x4: {  	s2 =	rddreg [dreg:$0x2];
	s3 =	simm.s32 $0x0;
	s18 =	simm.s32 $0x5000  }
0x5: {  	s19 =	simm.s32 $0x7D;
	s20 =	simm.s32 $0x1;
	s21 =	simm.s32 $0x0  }
0x6: {  	s8 =	sand.u32 $0x1, s1;
	s1 =	rddreg [dreg:$0x3];
	s6 =	smul.u32 $0x4E000, s0  }
0x7: {  	s4 =	sshll.u32 s0, $0x1;
	[smem:$0x7FF] =	sst s3;
	s12 =	smul.u32 $0x13800, s0  }
0x8: {  	s13 =	sadd.s32 $0x17000, s10;
	s30 =	sshll.u32 s0, $0x6;
	s16 =	sadd.s32 $0x138000, s2  }
0x9: {  	p0 =	sne.s32 s0, $0xF;
	s4 =	sor.u32 s8, s4;
	_ =	strace $0x80000047  }
0xa: {  	s5 =	ssub.s32 $0x2, s8;
	s31 =	smul.u32 $0x138800, s8;
	s16 =	sshrl.u32 @!p0 s16, $0x3  }
0xb: {  	s4 =	smul.u32 $0x500, s4;
	s11 =	sshrl.u32 s5, $0x1;
	s28 =	sshrl.u32 s6, $0x2  }
0xc: {  	s29 =	sshrl.u32 s12, $0x3;
	s6 =	sor.u32 $0x1C02, s30;
	s14 =	ssub.s32 s5, s11  }
0xd: {  	s15 =	sadd.s32 s28, s2;
	s5 =	sadd.s32 s7, s29;
	s7 =	sadd.s32 $0x27000, s7  }
0xe: {  	s12 =	sadd.s32 s12, s31;
	s11 =	sshrl.u32 s31, $0x3;
	s9 =	sadd.s32 s4, s10  }
0xf: {  	s4 =	sadd.s32 $0x16000, s10;
	s10 =	sadd.s32 $0x16800, s10;
	s12 =	sshrl.u32 s12, $0x3  }
0x10: {  	s17 =	sadd.s32 s13, s11;
	s8 =	sadd.s32 $0xC000, s9;
	s9 =	sadd.s32 $0x2000, s9  }
0x11: {  	s11 =	sadd.s32 s13, s12;
	s12 =	sadd.s32 $0x27000, s17;
	s13 =	smax.u32 s14, $0x1  }
0x12: {  	s14 =	sshrl.u32 s15, $0x3;
	s15 =	simm.s32 $0x2;
	s17 =	simm.s32 $0x2800  }
.LBB2_1:
0x13: {  	[spmem:s14], [sflag:s6] =	dma.local [hbm:s5], $0x2700  }
0x14: {  	_ =	swait.ge [sflag:s15], $0x2700  }
0x15: {  	[sflag:s15] =	ssyncset.done $0x0  }
0x16: {  	s22 =	simm.s32 @!p0 $0x2;
	[sflag:s15] =	ssyncadd.s32 $0xFFFFD900  }
0x17: {  	[spmem:s16], [sflag:s6] =	dma.local @!p0 [hbm:s7], $0x100  }
0x18: {  	_ =	swait.ge @!p0 [sflag:s22], $0x100  }
0x19: {  	[sflag:s22] =	ssyncset.done @!p0 $0x0  }
0x1a: {  	[sflag:s22] =	ssyncadd.s32 @!p0 $0xFFFFFF00  }
0x1b: {  	[tilespmem:s3], [sflag:$0x2] =	stream.linear.gather [hbm4b:s8+s3], $0x2800, $0x38;
	[tilespmem:$0x1C880] =	vst v63  }
0x1c: {  	_ =	swait.ge [sflag:s15], $0x2800  }
0x1d: {  	[sflag:s15] =	ssyncset.done $0x0  }
0x1e: {  	[sflag:s15] =	ssyncadd.s32 $0xFFFFD800  }
0x1f: {  	[tilespmem:s17], [sflag:$0x2] =	stream.linear.gather [hbm4b:s9+s3], $0x2800, $0x38;
	[tilespmem:$0x1C880] =	vst v63  }
0x20: {  	_ =	swait.ge [sflag:s15], $0x2800  }
0x21: {  	[sflag:s15] =	ssyncset.done $0x0  }
0x22: {  	[sflag:s15] =	ssyncadd.s32 $0xFFFFD800  }
0x23: {  	[bflag:$0x0] =	sbarrier.arrive $0xFFFF  }
0x24: {  	[tilespmem:s18], [sflag:$0x2] =	stream.linear.gather [hbm4b:s4+s3], $0x3E80, $0x38;
	[tilespmem:$0x1C880] =	vst v63  }
0x25: {  	_ =	swait.ge [sflag:s15], $0x3E80  }
0x26: {  	[sflag:s15] =	ssyncset.done $0x0  }
0x27: {  	s30 =	simm.s32 $0x0;
	[sflag:s15] =	ssyncadd.s32 $0xFFFFC180  }
0x28: {  	[spmem:s2] =	stream.indirect.scatter.add.f32 [tilespmem:s18], [sflag:$0x1], $0x80, s30, s19, $0xb8;
	[tilespmem:$0x1C880] =	vst v63  }
0x29: {  	s31 =	simm.s32 $0x80  }
0x2a: {  	[spmem:s2] =	stream.indirect.scatter.add.f32 [tilespmem:s18], [sflag:$0x1], $0x80, s31, s19, $0xb8;
	[tilespmem:$0x1C880] =	vst v63  }
0x2b: {  	s23 =	simm.s32 $0x100  }
0x2c: {  	[spmem:s2] =	stream.indirect.scatter.add.f32 [tilespmem:s18], [sflag:$0x1], $0x80, s23, s19, $0xb8;
	[tilespmem:$0x1C880] =	vst v63  }
0x2d: {  	s24 =	simm.s32 $0x180  }
0x2e: {  	[spmem:s2] =	stream.indirect.scatter.add.f32 [tilespmem:s18], [sflag:$0x1], $0x80, s24, s19, $0xb8;
	[tilespmem:$0x1C880] =	vst v63  }
0x2f: {  	s25 =	simm.s32 $0x200  }
0x30: {  	[spmem:s2] =	stream.indirect.scatter.add.f32 [tilespmem:s18], [sflag:$0x1], $0x80, s25, s19, $0xb8;
	[tilespmem:$0x1C880] =	vst v63  }
0x31: {  	s26 =	simm.s32 $0x280  }
0x32: {  	[spmem:s2] =	stream.indirect.scatter.add.f32 [tilespmem:s18], [sflag:$0x1], $0x80, s26, s19, $0xb8;
	[tilespmem:$0x1C880] =	vst v63  }
0x33: {  	s28 =	simm.s32 $0x300  }
0x34: {  	[spmem:s2] =	stream.indirect.scatter.add.f32 [tilespmem:s18], [sflag:$0x1], $0x80, s28, s19, $0xb8;
	[tilespmem:$0x1C880] =	vst v63  }
0x35: {  	s29 =	simm.s32 $0x380  }
0x36: {  	[spmem:s2] =	stream.indirect.scatter.add.f32 [tilespmem:s18], [sflag:$0x1], $0x80, s29, s19, $0xb8;
	[tilespmem:$0x1C880] =	vst v63  }
0x37: {  	s30 =	simm.s32 $0x400  }
0x38: {  	[spmem:s2] =	stream.indirect.scatter.add.f32 [tilespmem:s18], [sflag:$0x1], $0x80, s30, s19, $0xb8;
	[tilespmem:$0x1C880] =	vst v63  }
0x39: {  	s31 =	simm.s32 $0x480  }
0x3a: {  	[spmem:s2] =	stream.indirect.scatter.add.f32 [tilespmem:s18], [sflag:$0x1], $0x80, s31, s19, $0xb8;
	[tilespmem:$0x1C880] =	vst v63  }
0x3b: {  	_ =	swait.ge [sflag:s20], $0x3E80  }
0x3c: {  	[sflag:s20] =	ssyncset.done $0x0  }
0x3d: {  	[sflag:s20] =	ssyncadd.s32 $0xFFFFC180  }
0x3e: {  	_ =	swait.ge [sflag:s20], $0x3E80  }
0x3f: {  	[sflag:s20] =	ssyncset.done $0x0  }
0x40: {  	[sflag:s20] =	ssyncadd.s32 $0xFFFFC180  }
0x41: {  	_ =	swait.ge [sflag:s20], $0x3E80  }
0x42: {  	[sflag:s20] =	ssyncset.done $0x0  }
0x43: {  	[sflag:s20] =	ssyncadd.s32 $0xFFFFC180  }
0x44: {  	_ =	swait.ge [sflag:s20], $0x3E80  }
0x45: {  	[sflag:s20] =	ssyncset.done $0x0  }
0x46: {  	[sflag:s20] =	ssyncadd.s32 $0xFFFFC180  }
0x47: {  	_ =	swait.ge [sflag:s20], $0x3E80  }
0x48: {  	[sflag:s20] =	ssyncset.done $0x0  }
0x49: {  	[sflag:s20] =	ssyncadd.s32 $0xFFFFC180  }
0x4a: {  	_ =	swait.ge [sflag:s20], $0x3E80  }
0x4b: {  	[sflag:s20] =	ssyncset.done $0x0  }
0x4c: {  	[sflag:s20] =	ssyncadd.s32 $0xFFFFC180  }
0x4d: {  	_ =	swait.ge [sflag:s20], $0x3E80  }
0x4e: {  	[sflag:s20] =	ssyncset.done $0x0  }
0x4f: {  	[sflag:s20] =	ssyncadd.s32 $0xFFFFC180  }
0x50: {  	_ =	swait.ge [sflag:s20], $0x3E80  }
0x51: {  	[sflag:s20] =	ssyncset.done $0x0  }
0x52: {  	[sflag:s20] =	ssyncadd.s32 $0xFFFFC180  }
0x53: {  	_ =	swait.ge [sflag:s20], $0x3E80  }
0x54: {  	[sflag:s20] =	ssyncset.done $0x0  }
0x55: {  	[sflag:s20] =	ssyncadd.s32 $0xFFFFC180  }
0x56: {  	_ =	swait.ge [sflag:s20], $0x3E80  }
0x57: {  	s22 =	simm.s32 $0x1400;
	s24 =	simm.s32 $0x2800;
	[sflag:s20] =	ssyncset.done $0x0  }
.LBB2_2:
0x58: {  	s25 =	sshra.s32 s22, $0x2  }
0x59: {  	[sflag:s20] =	ssyncadd.s32 $0xFFFFC180;
	s22 =	smov.u32 s24;
	s23 =	sadd.s32 $0x1400, s24  }
0x5a: {  	[spmem:s2] =	stream.indirect.scatter.add.f32 [tilespmem:s18], [sflag:$0x1], $0x80, s25, s19, $0xb8;
	[tilespmem:$0x1C880] =	vst v63  }
0x5b: {  	p1 =	sne.s32 s24, $0x8C00;
	s24 =	sadd.s32 $0x80, s25  }
0x5c: {  	[spmem:s2] =	stream.indirect.scatter.add.f32 [tilespmem:s18], [sflag:$0x1], $0x80, s24, s19, $0xb8;
	[tilespmem:$0x1C880] =	vst v63  }
0x5d: {  	s24 =	sadd.s32 $0x100, s25  }
0x5e: {  	[spmem:s2] =	stream.indirect.scatter.add.f32 [tilespmem:s18], [sflag:$0x1], $0x80, s24, s19, $0xb8;
	[tilespmem:$0x1C880] =	vst v63  }
0x5f: {  	s24 =	sadd.s32 $0x180, s25  }
0x60: {  	[spmem:s2] =	stream.indirect.scatter.add.f32 [tilespmem:s18], [sflag:$0x1], $0x80, s24, s19, $0xb8;
	[tilespmem:$0x1C880] =	vst v63  }
0x61: {  	s24 =	sadd.s32 $0x200, s25  }
0x62: {  	[spmem:s2] =	stream.indirect.scatter.add.f32 [tilespmem:s18], [sflag:$0x1], $0x80, s24, s19, $0xb8;
	[tilespmem:$0x1C880] =	vst v63  }
0x63: {  	s24 =	sadd.s32 $0x280, s25  }
0x64: {  	[spmem:s2] =	stream.indirect.scatter.add.f32 [tilespmem:s18], [sflag:$0x1], $0x80, s24, s19, $0xb8;
	[tilespmem:$0x1C880] =	vst v63  }
0x65: {  	s24 =	sadd.s32 $0x300, s25  }
0x66: {  	[spmem:s2] =	stream.indirect.scatter.add.f32 [tilespmem:s18], [sflag:$0x1], $0x80, s24, s19, $0xb8;
	[tilespmem:$0x1C880] =	vst v63  }
0x67: {  	s24 =	sadd.s32 $0x380, s25  }
0x68: {  	[spmem:s2] =	stream.indirect.scatter.add.f32 [tilespmem:s18], [sflag:$0x1], $0x80, s24, s19, $0xb8;
	[tilespmem:$0x1C880] =	vst v63  }
0x69: {  	s24 =	sadd.s32 $0x400, s25  }
0x6a: {  	[spmem:s2] =	stream.indirect.scatter.add.f32 [tilespmem:s18], [sflag:$0x1], $0x80, s24, s19, $0xb8;
	[tilespmem:$0x1C880] =	vst v63  }
0x6b: {  	s24 =	sadd.s32 $0x480, s25  }
0x6c: {  	[spmem:s2] =	stream.indirect.scatter.add.f32 [tilespmem:s18], [sflag:$0x1], $0x80, s24, s19, $0xb8;
	[tilespmem:$0x1C880] =	vst v63  }
0x6d: {  	_ =	swait.ge [sflag:s20], $0x3E80  }
0x6e: {  	[sflag:s20] =	ssyncset.done $0x0  }
0x6f: {  	[sflag:s20] =	ssyncadd.s32 $0xFFFFC180  }
0x70: {  	_ =	swait.ge [sflag:s20], $0x3E80  }
0x71: {  	[sflag:s20] =	ssyncset.done $0x0  }
0x72: {  	[sflag:s20] =	ssyncadd.s32 $0xFFFFC180  }
0x73: {  	_ =	swait.ge [sflag:s20], $0x3E80  }
0x74: {  	[sflag:s20] =	ssyncset.done $0x0  }
0x75: {  	[sflag:s20] =	ssyncadd.s32 $0xFFFFC180  }
0x76: {  	_ =	swait.ge [sflag:s20], $0x3E80  }
0x77: {  	[sflag:s20] =	ssyncset.done $0x0  }
0x78: {  	[sflag:s20] =	ssyncadd.s32 $0xFFFFC180  }
0x79: {  	_ =	swait.ge [sflag:s20], $0x3E80  }
0x7a: {  	[sflag:s20] =	ssyncset.done $0x0  }
0x7b: {  	[sflag:s20] =	ssyncadd.s32 $0xFFFFC180  }
0x7c: {  	_ =	swait.ge [sflag:s20], $0x3E80  }
0x7d: {  	[sflag:s20] =	ssyncset.done $0x0  }
0x7e: {  	[sflag:s20] =	ssyncadd.s32 $0xFFFFC180  }
0x7f: {  	_ =	swait.ge [sflag:s20], $0x3E80  }
0x80: {  	[sflag:s20] =	ssyncset.done $0x0  }
0x81: {  	[sflag:s20] =	ssyncadd.s32 $0xFFFFC180  }
0x82: {  	_ =	swait.ge [sflag:s20], $0x3E80  }
0x83: {  	[sflag:s20] =	ssyncset.done $0x0  }
0x84: {  	[sflag:s20] =	ssyncadd.s32 $0xFFFFC180  }
.Ltmp0:
0x85: {  	_ =	swait.ge [sflag:s20], $0x3E80;
	(pc) =	sbr.rel @p1 .LBB2_2-.Ltmp0, $4  }
0x86: {  	[sflag:s20] =	ssyncset.done $0x0  }
0x87: {  	[sflag:s20] =	ssyncadd.s32 $0xFFFFC180  }
0x88: {  	_ =	swait.ge [sflag:s20], $0x3E80  }
0x89: {  	s24 =	smov.u32 s23;
	[sflag:s20] =	ssyncset.done $0x0  }
0x8a: {  	s22 =	sshra.s32 s22, $0x2;
	[sflag:s20] =	ssyncadd.s32 $0xFFFFC180  }
0x8b: {  	[spmem:s2] =	stream.indirect.scatter.add.f32 [tilespmem:s18], [sflag:$0x1], $0x80, s22, s19, $0xb8;
	[tilespmem:$0x1C880] =	vst v63  }
0x8c: {  	s23 =	sadd.s32 $0x80, s22  }
0x8d: {  	[spmem:s2] =	stream.indirect.scatter.add.f32 [tilespmem:s18], [sflag:$0x1], $0x80, s23, s19, $0xb8;
	[tilespmem:$0x1C880] =	vst v63  }
0x8e: {  	s29 =	sadd.s32 $0x100, s22  }
0x8f: {  	[spmem:s2] =	stream.indirect.scatter.add.f32 [tilespmem:s18], [sflag:$0x1], $0x80, s29, s19, $0xb8;
	[tilespmem:$0x1C880] =	vst v63  }
0x90: {  	s30 =	sadd.s32 $0x180, s22  }
0x91: {  	[spmem:s2] =	stream.indirect.scatter.add.f32 [tilespmem:s18], [sflag:$0x1], $0x80, s30, s19, $0xb8;
	[tilespmem:$0x1C880] =	vst v63  }
0x92: {  	s31 =	sadd.s32 $0x200, s22  }
0x93: {  	[spmem:s2] =	stream.indirect.scatter.add.f32 [tilespmem:s18], [sflag:$0x1], $0x80, s31, s19, $0xb8;
	[tilespmem:$0x1C880] =	vst v63  }
0x94: {  	s24 =	sadd.s32 $0x280, s22  }
0x95: {  	[spmem:s2] =	stream.indirect.scatter.add.f32 [tilespmem:s18], [sflag:$0x1], $0x80, s24, s19, $0xb8;
	[tilespmem:$0x1C880] =	vst v63  }
0x96: {  	s25 =	sadd.s32 $0x300, s22  }
0x97: {  	[spmem:s2] =	stream.indirect.scatter.add.f32 [tilespmem:s18], [sflag:$0x1], $0x80, s25, s19, $0xb8;
	[tilespmem:$0x1C880] =	vst v63  }
0x98: {  	s26 =	sadd.s32 $0x380, s22  }
0x99: {  	[spmem:s2] =	stream.indirect.scatter.add.f32 [tilespmem:s18], [sflag:$0x1], $0x80, s26, s19, $0xb8;
	[tilespmem:$0x1C880] =	vst v63  }
0x9a: {  	s28 =	sadd.s32 $0x400, s22  }
0x9b: {  	[spmem:s2] =	stream.indirect.scatter.add.f32 [tilespmem:s18], [sflag:$0x1], $0x80, s28, s19, $0xb8;
	[tilespmem:$0x1C880] =	vst v63  }
0x9c: {  	s22 =	sadd.s32 $0x480, s22  }
0x9d: {  	[spmem:s2] =	stream.indirect.scatter.add.f32 [tilespmem:s18], [sflag:$0x1], $0x80, s22, s19, $0xb8;
	[tilespmem:$0x1C880] =	vst v63  }
0x9e: {  	_ =	swait.ge [sflag:s20], $0x3E80  }
0x9f: {  	[sflag:s20] =	ssyncset.done $0x0  }
0xa0: {  	[sflag:s20] =	ssyncadd.s32 $0xFFFFC180  }
0xa1: {  	_ =	swait.ge [sflag:s20], $0x3E80  }
0xa2: {  	[sflag:s20] =	ssyncset.done $0x0  }
0xa3: {  	[sflag:s20] =	ssyncadd.s32 $0xFFFFC180  }
0xa4: {  	_ =	swait.ge [sflag:s20], $0x3E80  }
0xa5: {  	[sflag:s20] =	ssyncset.done $0x0  }
0xa6: {  	[sflag:s20] =	ssyncadd.s32 $0xFFFFC180  }
0xa7: {  	_ =	swait.ge [sflag:s20], $0x3E80  }
0xa8: {  	[sflag:s20] =	ssyncset.done $0x0  }
0xa9: {  	[sflag:s20] =	ssyncadd.s32 $0xFFFFC180  }
0xaa: {  	_ =	swait.ge [sflag:s20], $0x3E80  }
0xab: {  	[sflag:s20] =	ssyncset.done $0x0  }
0xac: {  	[sflag:s20] =	ssyncadd.s32 $0xFFFFC180  }
0xad: {  	_ =	swait.ge [sflag:s20], $0x3E80  }
0xae: {  	[sflag:s20] =	ssyncset.done $0x0  }
0xaf: {  	[sflag:s20] =	ssyncadd.s32 $0xFFFFC180  }
0xb0: {  	_ =	swait.ge [sflag:s20], $0x3E80  }
0xb1: {  	[sflag:s20] =	ssyncset.done $0x0  }
0xb2: {  	[sflag:s20] =	ssyncadd.s32 $0xFFFFC180  }
0xb3: {  	_ =	swait.ge [sflag:s20], $0x3E80  }
0xb4: {  	[sflag:s20] =	ssyncset.done $0x0  }
0xb5: {  	[sflag:s20] =	ssyncadd.s32 $0xFFFFC180  }
0xb6: {  	_ =	swait.ge [sflag:s20], $0x3E80  }
0xb7: {  	[sflag:s20] =	ssyncset.done $0x0  }
0xb8: {  	[sflag:s20] =	ssyncadd.s32 $0xFFFFC180  }
0xb9: {  	_ =	swait.ge [sflag:s20], $0x3E80  }
0xba: {  	[sflag:s20] =	ssyncset.done $0x0  }
0xbb: {  	s29 =	simm.s32 $0x0;
	[sflag:s20] =	ssyncadd.s32 $0xFFFFC180  }
0xbc: {  	[tilespmem:s18], [sflag:$0x2] =	stream.linear.gather [hbm4b:s10+s29], $0x3E80, $0x38;
	[tilespmem:$0x1C880] =	vst v63  }
0xbd: {  	_ =	swait.ge [sflag:s15], $0x3E80  }
0xbe: {  	[sflag:s15] =	ssyncset.done $0x0  }
0xbf: {  	s30 =	simm.s32 $0x2800;
	[sflag:s15] =	ssyncadd.s32 $0xFFFFC180  }
0xc0: {  	[spmem:s2] =	stream.indirect.scatter.add.f32 [tilespmem:s18], [sflag:$0x1], $0x80, s30, s19, $0xb8;
	[tilespmem:$0x1C880] =	vst v63  }
0xc1: {  	s31 =	simm.s32 $0x2880  }
0xc2: {  	[spmem:s2] =	stream.indirect.scatter.add.f32 [tilespmem:s18], [sflag:$0x1], $0x80, s31, s19, $0xb8;
	[tilespmem:$0x1C880] =	vst v63  }
0xc3: {  	s23 =	simm.s32 $0x2900  }
0xc4: {  	[spmem:s2] =	stream.indirect.scatter.add.f32 [tilespmem:s18], [sflag:$0x1], $0x80, s23, s19, $0xb8;
	[tilespmem:$0x1C880] =	vst v63  }
0xc5: {  	s24 =	simm.s32 $0x2980  }
0xc6: {  	[spmem:s2] =	stream.indirect.scatter.add.f32 [tilespmem:s18], [sflag:$0x1], $0x80, s24, s19, $0xb8;
	[tilespmem:$0x1C880] =	vst v63  }
0xc7: {  	s25 =	simm.s32 $0x2A00  }
0xc8: {  	[spmem:s2] =	stream.indirect.scatter.add.f32 [tilespmem:s18], [sflag:$0x1], $0x80, s25, s19, $0xb8;
	[tilespmem:$0x1C880] =	vst v63  }
0xc9: {  	s26 =	simm.s32 $0x2A80  }
0xca: {  	[spmem:s2] =	stream.indirect.scatter.add.f32 [tilespmem:s18], [sflag:$0x1], $0x80, s26, s19, $0xb8;
	[tilespmem:$0x1C880] =	vst v63  }
0xcb: {  	s28 =	simm.s32 $0x2B00  }
0xcc: {  	[spmem:s2] =	stream.indirect.scatter.add.f32 [tilespmem:s18], [sflag:$0x1], $0x80, s28, s19, $0xb8;
	[tilespmem:$0x1C880] =	vst v63  }
0xcd: {  	s29 =	simm.s32 $0x2B80  }
0xce: {  	[spmem:s2] =	stream.indirect.scatter.add.f32 [tilespmem:s18], [sflag:$0x1], $0x80, s29, s19, $0xb8;
	[tilespmem:$0x1C880] =	vst v63  }
0xcf: {  	s30 =	simm.s32 $0x2C00  }
0xd0: {  	[spmem:s2] =	stream.indirect.scatter.add.f32 [tilespmem:s18], [sflag:$0x1], $0x80, s30, s19, $0xb8;
	[tilespmem:$0x1C880] =	vst v63  }
0xd1: {  	s31 =	simm.s32 $0x2C80  }
0xd2: {  	[spmem:s2] =	stream.indirect.scatter.add.f32 [tilespmem:s18], [sflag:$0x1], $0x80, s31, s19, $0xb8;
	[tilespmem:$0x1C880] =	vst v63  }
0xd3: {  	_ =	swait.ge [sflag:s20], $0x3E80  }
0xd4: {  	[sflag:s20] =	ssyncset.done $0x0  }
0xd5: {  	[sflag:s20] =	ssyncadd.s32 $0xFFFFC180  }
0xd6: {  	_ =	swait.ge [sflag:s20], $0x3E80  }
0xd7: {  	[sflag:s20] =	ssyncset.done $0x0  }
0xd8: {  	[sflag:s20] =	ssyncadd.s32 $0xFFFFC180  }
0xd9: {  	_ =	swait.ge [sflag:s20], $0x3E80  }
0xda: {  	[sflag:s20] =	ssyncset.done $0x0  }
0xdb: {  	[sflag:s20] =	ssyncadd.s32 $0xFFFFC180  }
0xdc: {  	_ =	swait.ge [sflag:s20], $0x3E80  }
0xdd: {  	[sflag:s20] =	ssyncset.done $0x0  }
0xde: {  	[sflag:s20] =	ssyncadd.s32 $0xFFFFC180  }
0xdf: {  	_ =	swait.ge [sflag:s20], $0x3E80  }
0xe0: {  	[sflag:s20] =	ssyncset.done $0x0  }
0xe1: {  	[sflag:s20] =	ssyncadd.s32 $0xFFFFC180  }
0xe2: {  	_ =	swait.ge [sflag:s20], $0x3E80  }
0xe3: {  	[sflag:s20] =	ssyncset.done $0x0  }
0xe4: {  	[sflag:s20] =	ssyncadd.s32 $0xFFFFC180  }
0xe5: {  	_ =	swait.ge [sflag:s20], $0x3E80  }
0xe6: {  	[sflag:s20] =	ssyncset.done $0x0  }
0xe7: {  	[sflag:s20] =	ssyncadd.s32 $0xFFFFC180  }
0xe8: {  	_ =	swait.ge [sflag:s20], $0x3E80  }
0xe9: {  	[sflag:s20] =	ssyncset.done $0x0  }
0xea: {  	[sflag:s20] =	ssyncadd.s32 $0xFFFFC180  }
0xeb: {  	_ =	swait.ge [sflag:s20], $0x3E80  }
0xec: {  	[sflag:s20] =	ssyncset.done $0x0  }
0xed: {  	[sflag:s20] =	ssyncadd.s32 $0xFFFFC180  }
0xee: {  	_ =	swait.ge [sflag:s20], $0x3E80  }
0xef: {  	s24 =	simm.s32 $0x500;
	s25 =	simm.s32 $0x2800;
	[sflag:s20] =	ssyncset.done $0x0  }
.LBB2_4:
0xf0: {  	s26 =	sadd.s32 $0x2800, s24  }
0xf1: {  	[sflag:s20] =	ssyncadd.s32 $0xFFFFC180;
	s23 =	smov.u32 s25;
	s22 =	sadd.s32 $0x1400, s25  }
0xf2: {  	[spmem:s2] =	stream.indirect.scatter.add.f32 [tilespmem:s18], [sflag:$0x1], $0x80, s26, s19, $0xb8;
	[tilespmem:$0x1C880] =	vst v63  }
0xf3: {  	p1 =	sne.s32 s25, $0x8C00;
	s25 =	sadd.s32 $0x2880, s24  }
0xf4: {  	[spmem:s2] =	stream.indirect.scatter.add.f32 [tilespmem:s18], [sflag:$0x1], $0x80, s25, s19, $0xb8;
	[tilespmem:$0x1C880] =	vst v63  }
0xf5: {  	s25 =	sadd.s32 $0x2900, s24  }
0xf6: {  	[spmem:s2] =	stream.indirect.scatter.add.f32 [tilespmem:s18], [sflag:$0x1], $0x80, s25, s19, $0xb8;
	[tilespmem:$0x1C880] =	vst v63  }
0xf7: {  	s25 =	sadd.s32 $0x2980, s24  }
0xf8: {  	[spmem:s2] =	stream.indirect.scatter.add.f32 [tilespmem:s18], [sflag:$0x1], $0x80, s25, s19, $0xb8;
	[tilespmem:$0x1C880] =	vst v63  }
0xf9: {  	s25 =	sadd.s32 $0x2A00, s24  }
0xfa: {  	[spmem:s2] =	stream.indirect.scatter.add.f32 [tilespmem:s18], [sflag:$0x1], $0x80, s25, s19, $0xb8;
	[tilespmem:$0x1C880] =	vst v63  }
0xfb: {  	s25 =	sadd.s32 $0x2A80, s24  }
0xfc: {  	[spmem:s2] =	stream.indirect.scatter.add.f32 [tilespmem:s18], [sflag:$0x1], $0x80, s25, s19, $0xb8;
	[tilespmem:$0x1C880] =	vst v63  }
0xfd: {  	s25 =	sadd.s32 $0x2B00, s24  }
0xfe: {  	[spmem:s2] =	stream.indirect.scatter.add.f32 [tilespmem:s18], [sflag:$0x1], $0x80, s25, s19, $0xb8;
	[tilespmem:$0x1C880] =	vst v63  }
0xff: {  	s25 =	sadd.s32 $0x2B80, s24  }
0x100: {  	[spmem:s2] =	stream.indirect.scatter.add.f32 [tilespmem:s18], [sflag:$0x1], $0x80, s25, s19, $0xb8;
	[tilespmem:$0x1C880] =	vst v63  }
0x101: {  	s25 =	sadd.s32 $0x2C00, s24  }
0x102: {  	[spmem:s2] =	stream.indirect.scatter.add.f32 [tilespmem:s18], [sflag:$0x1], $0x80, s25, s19, $0xb8;
	[tilespmem:$0x1C880] =	vst v63  }
0x103: {  	s24 =	sadd.s32 $0x2C80, s24  }
0x104: {  	[spmem:s2] =	stream.indirect.scatter.add.f32 [tilespmem:s18], [sflag:$0x1], $0x80, s24, s19, $0xb8;
	[tilespmem:$0x1C880] =	vst v63  }
0x105: {  	_ =	swait.ge [sflag:s20], $0x3E80  }
0x106: {  	[sflag:s20] =	ssyncset.done $0x0  }
0x107: {  	[sflag:s20] =	ssyncadd.s32 $0xFFFFC180  }
0x108: {  	_ =	swait.ge [sflag:s20], $0x3E80  }
0x109: {  	[sflag:s20] =	ssyncset.done $0x0  }
0x10a: {  	[sflag:s20] =	ssyncadd.s32 $0xFFFFC180  }
0x10b: {  	_ =	swait.ge [sflag:s20], $0x3E80  }
0x10c: {  	[sflag:s20] =	ssyncset.done $0x0  }
0x10d: {  	[sflag:s20] =	ssyncadd.s32 $0xFFFFC180  }
0x10e: {  	_ =	swait.ge [sflag:s20], $0x3E80  }
0x10f: {  	[sflag:s20] =	ssyncset.done $0x0  }
0x110: {  	[sflag:s20] =	ssyncadd.s32 $0xFFFFC180  }
0x111: {  	_ =	swait.ge [sflag:s20], $0x3E80  }
0x112: {  	[sflag:s20] =	ssyncset.done $0x0  }
0x113: {  	[sflag:s20] =	ssyncadd.s32 $0xFFFFC180  }
0x114: {  	_ =	swait.ge [sflag:s20], $0x3E80  }
0x115: {  	[sflag:s20] =	ssyncset.done $0x0  }
0x116: {  	[sflag:s20] =	ssyncadd.s32 $0xFFFFC180  }
0x117: {  	_ =	swait.ge [sflag:s20], $0x3E80  }
0x118: {  	[sflag:s20] =	ssyncset.done $0x0  }
0x119: {  	[sflag:s20] =	ssyncadd.s32 $0xFFFFC180  }
0x11a: {  	_ =	swait.ge [sflag:s20], $0x3E80  }
0x11b: {  	[sflag:s20] =	ssyncset.done $0x0  }
0x11c: {  	[sflag:s20] =	ssyncadd.s32 $0xFFFFC180  }
.Ltmp1:
0x11d: {  	_ =	swait.ge [sflag:s20], $0x3E80;
	(pc) =	sbr.rel @p1 .LBB2_4-.Ltmp1, $4  }
0x11e: {  	[sflag:s20] =	ssyncset.done $0x0  }
0x11f: {  	[sflag:s20] =	ssyncadd.s32 $0xFFFFC180  }
0x120: {  	_ =	swait.ge [sflag:s20], $0x3E80  }
0x121: {  	s25 =	smov.u32 s22;
	s24 =	sshra.s32 s23, $0x2;
	[sflag:s20] =	ssyncset.done $0x0  }
0x122: {  	s22 =	sadd.s32 $0x2800, s24;
	[sflag:s20] =	ssyncadd.s32 $0xFFFFC180  }
0x123: {  	[spmem:s2] =	stream.indirect.scatter.add.f32 [tilespmem:s18], [sflag:$0x1], $0x80, s22, s19, $0xb8;
	[tilespmem:$0x1C880] =	vst v63  }
0x124: {  	s30 =	sadd.s32 $0x2880, s24  }
0x125: {  	[spmem:s2] =	stream.indirect.scatter.add.f32 [tilespmem:s18], [sflag:$0x1], $0x80, s30, s19, $0xb8;
	[tilespmem:$0x1C880] =	vst v63  }
0x126: {  	s31 =	sadd.s32 $0x2900, s24  }
0x127: {  	[spmem:s2] =	stream.indirect.scatter.add.f32 [tilespmem:s18], [sflag:$0x1], $0x80, s31, s19, $0xb8;
	[tilespmem:$0x1C880] =	vst v63  }
0x128: {  	s23 =	sadd.s32 $0x2980, s24  }
0x129: {  	[spmem:s2] =	stream.indirect.scatter.add.f32 [tilespmem:s18], [sflag:$0x1], $0x80, s23, s19, $0xb8;
	[tilespmem:$0x1C880] =	vst v63  }
0x12a: {  	s25 =	sadd.s32 $0x2A00, s24  }
0x12b: {  	[spmem:s2] =	stream.indirect.scatter.add.f32 [tilespmem:s18], [sflag:$0x1], $0x80, s25, s19, $0xb8;
	[tilespmem:$0x1C880] =	vst v63  }
0x12c: {  	s26 =	sadd.s32 $0x2A80, s24  }
0x12d: {  	[spmem:s2] =	stream.indirect.scatter.add.f32 [tilespmem:s18], [sflag:$0x1], $0x80, s26, s19, $0xb8;
	[tilespmem:$0x1C880] =	vst v63  }
0x12e: {  	s28 =	sadd.s32 $0x2B00, s24  }
0x12f: {  	[spmem:s2] =	stream.indirect.scatter.add.f32 [tilespmem:s18], [sflag:$0x1], $0x80, s28, s19, $0xb8;
	[tilespmem:$0x1C880] =	vst v63  }
0x130: {  	s29 =	sadd.s32 $0x2B80, s24  }
0x131: {  	[spmem:s2] =	stream.indirect.scatter.add.f32 [tilespmem:s18], [sflag:$0x1], $0x80, s29, s19, $0xb8;
	[tilespmem:$0x1C880] =	vst v63  }
0x132: {  	s30 =	sadd.s32 $0x2C00, s24  }
0x133: {  	[spmem:s2] =	stream.indirect.scatter.add.f32 [tilespmem:s18], [sflag:$0x1], $0x80, s30, s19, $0xb8;
	[tilespmem:$0x1C880] =	vst v63  }
0x134: {  	s31 =	sadd.s32 $0x2C80, s24  }
0x135: {  	[spmem:s2] =	stream.indirect.scatter.add.f32 [tilespmem:s18], [sflag:$0x1], $0x80, s31, s19, $0xb8;
	[tilespmem:$0x1C880] =	vst v63  }
0x136: {  	_ =	swait.ge [sflag:s20], $0x3E80  }
0x137: {  	[sflag:s20] =	ssyncset.done $0x0  }
0x138: {  	[sflag:s20] =	ssyncadd.s32 $0xFFFFC180  }
0x139: {  	_ =	swait.ge [sflag:s20], $0x3E80  }
0x13a: {  	[sflag:s20] =	ssyncset.done $0x0  }
0x13b: {  	[sflag:s20] =	ssyncadd.s32 $0xFFFFC180  }
0x13c: {  	_ =	swait.ge [sflag:s20], $0x3E80  }
0x13d: {  	[sflag:s20] =	ssyncset.done $0x0  }
0x13e: {  	[sflag:s20] =	ssyncadd.s32 $0xFFFFC180  }
0x13f: {  	_ =	swait.ge [sflag:s20], $0x3E80  }
0x140: {  	[sflag:s20] =	ssyncset.done $0x0  }
0x141: {  	[sflag:s20] =	ssyncadd.s32 $0xFFFFC180  }
0x142: {  	_ =	swait.ge [sflag:s20], $0x3E80  }
0x143: {  	[sflag:s20] =	ssyncset.done $0x0  }
0x144: {  	[sflag:s20] =	ssyncadd.s32 $0xFFFFC180  }
0x145: {  	_ =	swait.ge [sflag:s20], $0x3E80  }
0x146: {  	[sflag:s20] =	ssyncset.done $0x0  }
0x147: {  	[sflag:s20] =	ssyncadd.s32 $0xFFFFC180  }
0x148: {  	_ =	swait.ge [sflag:s20], $0x3E80  }
0x149: {  	[sflag:s20] =	ssyncset.done $0x0  }
0x14a: {  	[sflag:s20] =	ssyncadd.s32 $0xFFFFC180  }
0x14b: {  	_ =	swait.ge [sflag:s20], $0x3E80  }
0x14c: {  	[sflag:s20] =	ssyncset.done $0x0  }
0x14d: {  	[sflag:s20] =	ssyncadd.s32 $0xFFFFC180  }
0x14e: {  	_ =	swait.ge [sflag:s20], $0x3E80  }
0x14f: {  	[sflag:s20] =	ssyncset.done $0x0  }
0x150: {  	[sflag:s20] =	ssyncadd.s32 $0xFFFFC180  }
0x151: {  	_ =	swait.ge [sflag:s20], $0x3E80  }
0x152: {  	[sflag:s20] =	ssyncset.done $0x0  }
0x153: {  	[sflag:s20] =	ssyncadd.s32 $0xFFFFC180  }
0x154: {  	[bflag:$0x0] =	sbarrier.arrive $0xFFFF  }
0x155: {  	[hbm:s11], [sflag:s6] =	dma.local [spmem:s14], $0x2700  }
0x156: {  	s21 =	sadd.s32 $0x1, s21;
	_ =	swait.ge [sflag:s15], $0x2700  }
0x157: {  	p1 =	sne.s32 s21, s13;
	[sflag:s15] =	ssyncset.done $0x0  }
.Ltmp2:
0x158: {  	s22 =	simm.s32 @!p0 $0x2;
	[sflag:s15] =	ssyncadd.s32 $0xFFFFD900;
	(pc) =	sbr.rel @p1 .LBB2_1-.Ltmp2, $4  }
0x159: {  	[hbm:s12], [sflag:s6] =	dma.local @!p0 [spmem:s16], $0x100  }
0x15a: {  	_ =	swait.ge @!p0 [sflag:s22], $0x100  }
0x15b: {  	[sflag:s22] =	ssyncset.done @!p0 $0x0  }
0x15c: {  	[sflag:s22] =	ssyncadd.s32 @!p0 $0xFFFFFF00  }
0x15d: {  	_ =	sfence.sel $0x180000  }
0x15e: {  	[bflag:$0x0] =	sbarrier.arrive $0xFFFF  }
0x15f: {  	p0 =	sne.s32 s0, $0x0;
	_ =	strace $0x90000047  }
0x160: {  	s0 =	sadd.s32 @!p0 $0x100000, s1;
	[bflag:$0x2] =	sbarrier.arrive $0xFFFF  }
0x161: {  	[sflag:s0] =	ssyncadd.tile.s32 @!p0 $0x1;
	_ =	shalt  }
.Lfunc_end2:
_tile_overlayer_lowered:
.L_overlay_start_2:
0x162: {  	(tag) =	ssettag $0x2  }
0x163: {  	s0 =	rddreg [dreg:$0x0];
	s2 =	stileid.u32  }
0x164: {  	s1 =	rddreg [dreg:$0x1];
	p0 =	sne.s32 s2, $0x0  }
0x165: {  	s3 =	rddreg [dreg:$0x2];
	[bflag:$0x3] =	sbarrier.arrive $0xFFFF;
	s2 =	simm.s32 @!p0 $0x1C02  }
0x166: {  	[timem:s3], [sflag:s2] =	dma.local @!p0 [hbm:s0], s1  }
0x167: {  	s0 =	simm.s32 @!p0 $0x2  }
0x168: {  	_ =	swait.ge @!p0 [sflag:s0], s1  }
0x169: {  	s1 =	ssub.s32 @!p0 $0x0, s1;
	[sflag:s0] =	ssyncset.done @!p0 $0x0  }
0x16a: {  	[sflag:s0] =	ssyncadd.s32 @!p0 s1  }
0x16b: {  	[bflag:$0x3] =	sbarrier.arrive $0xFFFF  }
0x16c: {  	_ =	shalt  }

</sc_bundles>
